<compile_context>
chip_gen: v7x
topology: tpu7x:2x2x1
jax: 0.10.2.dev20260603
libtpu: 0.0.44.dev20260713+nightly
codegen_flags: <defaults>
</compile_context>

<pallas_src>
import functools

import jax
import jax.numpy as jnp
from jax import lax
from jax.experimental import pallas as pl
from jax.experimental.pallas import tpu as pltpu
from jax.experimental.pallas import tpu_sc as plsc

N = 1_000_000
PAD_N = 1 << 20
BATCH = 16384
HIST = 200
B = BATCH * HIST
NC = 2
NS = 16
NW = NC * NS
PER_W = B // NW
CHUNK = 12_800
CHUNKS = PER_W // CHUNK
UNROLL = 8

TILE_STAGE = PAD_N // NS

_MESH = plsc.VectorSubcoreMesh(core_axis_name="c", subcore_axis_name="s")


@functools.partial(
    pl.kernel,
    out_type=jax.ShapeDtypeStruct((B,), jnp.float32),
    mesh=_MESH,
    compiler_params=pltpu.CompilerParams(use_tc_tiling_on_sc=True),
    scratch_types=[
        pltpu.VMEM_SHARED((PAD_N,), jnp.float32),
        pltpu.VMEM((CHUNK,), jnp.int32),
        pltpu.VMEM((CHUNK,), jnp.int32),
        pltpu.VMEM((CHUNK,), jnp.float32),
        pltpu.VMEM((CHUNK,), jnp.float32),
        pltpu.SemaphoreType.DMA,
        pltpu.SemaphoreType.DMA,
        pltpu.SemaphoreType.DMA,
        pltpu.SemaphoreType.DMA,
        pltpu.SemaphoreType.DMA,
        pltpu.SemaphoreType.DMA,
        pltpu.SemaphoreType.DMA,
    ],
)
def _gather_sc(alpha_hbm, idx_hbm, out_hbm, tbl_sp,
               idx_v0, idx_v1, rows_v0, rows_v1,
               sem_st, sem_i0, sem_i1, sem_g0, sem_g1, sem_o0, sem_o1):
    sem_g = (sem_g0, sem_g1)
    c = lax.axis_index("c")
    s = lax.axis_index("s")
    wid = s * NC + c
    idx_bufs = (idx_v0, idx_v1)
    row_bufs = (rows_v0, rows_v1)
    sem_i = (sem_i0, sem_i1)
    sem_o = (sem_o0, sem_o1)

    def src(j):
        return pl.multiple_of(wid * PER_W + j * CHUNK, 8)

    def idx_load(j):
        b = j & 1
        return pltpu.async_copy(idx_hbm.at[pl.ds(src(j), CHUNK)],
                                idx_bufs[b], sem_i[b])

    def sigmoid_pass(buf):
        def it(i, _):
            base = i * (16 * UNROLL)
            for u in range(UNROLL):
                x = buf[pl.ds(base + u * 16, 16)]
                buf[pl.ds(base + u * 16, 16)] = 1.0 / (1.0 + jnp.exp(-x))
            return 0
        lax.fori_loop(0, CHUNK // (16 * UNROLL), it, 0)

    toff = pl.multiple_of(s * TILE_STAGE, 8)
    h_st = pltpu.async_copy(alpha_hbm.at[pl.ds(toff, TILE_STAGE)],
                            tbl_sp.at[pl.ds(toff, TILE_STAGE)], sem_st)
    h_idx = [None] * CHUNKS
    h_idx[0] = idx_load(0)
    if CHUNKS > 1:
        h_idx[1] = idx_load(1)
    h_st.wait()
    plsc.subcore_barrier()

    h_g = [None] * CHUNKS
    h_out = [None] * CHUNKS
    h_idx[0].wait()
    h_g[0] = pltpu.async_copy(tbl_sp.at[idx_bufs[0]], row_bufs[0], sem_g[0])
    for j in range(CHUNKS):
        b = j & 1
        nb = 1 - b
        h_g[j].wait()
        if j + 2 < CHUNKS:
            h_idx[j + 2] = idx_load(j + 2)
        if j + 1 < CHUNKS:
            if j >= 1:
                h_out[j - 1].wait()
            h_idx[j + 1].wait()
            h_g[j + 1] = pltpu.async_copy(tbl_sp.at[idx_bufs[nb]],
                                          row_bufs[nb], sem_g[nb])
        sigmoid_pass(row_bufs[b])
        h_out[j] = pltpu.async_copy(row_bufs[b],
                                    out_hbm.at[pl.ds(src(j), CHUNK)], sem_o[b])
    h_out[CHUNKS - 2].wait()
    h_out[CHUNKS - 1].wait()


def kernel(idx, alpha):
    alpha_p = jnp.pad(alpha, (0, PAD_N - N))
    flat = idx.reshape(-1).astype(jnp.int32)
    out = _gather_sc(alpha_p, flat)
    return out.reshape(idx.shape)

# --- scband reference (transcript-rebuilt; emitter-appended) ---
"""Pipeline reference for scband-attention-params-35716948033766 (READ-ONLY COPY).

The authoritative reference and input builder live on the scoring server;
editing this copy changes nothing except your own understanding.
"""

import jax, jax.numpy as jnp
import numpy as np

N = 1000000
BATCH = 16384
HIST = 200

def setup_inputs(seed: int = 0) -> dict:
    key = jax.random.key(seed)
    k_idx, k_alpha = jax.random.split(key)
    idx = jax.random.randint(k_idx, (BATCH, HIST), 0, N, dtype=jnp.int64 if jax.config.jax_enable_x64 else jnp.int32)
    alpha = jax.random.normal(k_alpha, (N,), dtype=jnp.float32)
    return {"idx": idx, "alpha": alpha}

def reference(idx, alpha):
    # gather rows of alpha by idx, then sigmoid
    gathered = jnp.take(alpha, idx, axis=0)
    probs = jax.nn.sigmoid(gathered)
    return probs

if __name__ == "__main__":
    import jax
    _d = setup_inputs()
    print(jax.jit(kernel)(*tuple(_d.values())))

</pallas_src>

<mosaic_0001>
#map = affine_map<(d0, d1) -> (0)>
module attributes {stable_mosaic.version = 14 : i64} {
  func.func @_gather_sc(%arg0: i32, %arg1: i32, %arg2: memref<1048576xf32, #tpu.memory_space<hbm>>, %arg3: memref<3276800xi32, #tpu.memory_space<hbm>>, %arg4: memref<3276800xf32, #tpu.memory_space<hbm>>, %arg5: memref<1048576xf32, #tpu.memory_space<vmem_shared>>, %arg6: memref<12800xi32, #tpu.memory_space<vmem>>, %arg7: memref<12800xi32, #tpu.memory_space<vmem>>, %arg8: memref<12800xf32, #tpu.memory_space<vmem>>, %arg9: memref<12800xf32, #tpu.memory_space<vmem>>, %arg10: memref<!tpu.dma_semaphore, #tpu.memory_space<semaphore_mem>>, %arg11: memref<!tpu.dma_semaphore, #tpu.memory_space<semaphore_mem>>, %arg12: memref<!tpu.dma_semaphore, #tpu.memory_space<semaphore_mem>>, %arg13: memref<!tpu.dma_semaphore, #tpu.memory_space<semaphore_mem>>, %arg14: memref<!tpu.dma_semaphore, #tpu.memory_space<semaphore_mem>>, %arg15: memref<!tpu.dma_semaphore, #tpu.memory_space<semaphore_mem>>, %arg16: memref<!tpu.dma_semaphore, #tpu.memory_space<semaphore_mem>>) attributes {dimension_semantics = [#tpu.dimension_semantics<core_parallel>, #tpu.dimension_semantics<subcore_parallel>], iteration_bounds = array<i64: 2, 16>, scalar_prefetch = 0 : i64, scratch_operands = 12 : i64, tpu.core_type = #tpu.core_type<sc_vector_subcore>, window_params = [{transform_indices = #map}, {transform_indices = #map}, {transform_indices = #map}]} {
    %mul3A = arith.constant 2 : i32
    %mul3A_0 = arith.muli %arg1, %mul3A : i32
    %add3A = arith.addi %mul3A_0, %arg0 : i32
    %mul3A_1 = arith.constant 65536 : i32
    %mul3A_2 = arith.muli %arg1, %mul3A_1 : i32
    %multiple_of3A = tpu.assume_multiple %mul3A_2, 8 : i32
    %dma_start3A = tpu.memref_slice %arg5[%multiple_of3A] : memref<1048576xf32, #tpu.memory_space<vmem_shared>> -> memref<65536xf32, #tpu.memory_space<vmem_shared>>
    %dma_start3A_3 = tpu.memref_slice %arg2[%multiple_of3A] : memref<1048576xf32, #tpu.memory_space<hbm>> -> memref<65536xf32, #tpu.memory_space<hbm>>
    tpu.enqueue_dma source(%dma_start3A_3 : memref<65536xf32, #tpu.memory_space<hbm>>) target(%dma_start3A : memref<65536xf32, #tpu.memory_space<vmem_shared>>) target_semaphore(%arg10 : memref<!tpu.dma_semaphore, #tpu.memory_space<semaphore_mem>>)
    %mul3A_4 = arith.constant 102400 : i32
    %mul3A_5 = arith.muli %add3A, %mul3A_4 : i32
    %add3A_6 = arith.constant 0 : i32
    %add3A_7 = arith.addi %mul3A_5, %add3A_6 : i32
    %multiple_of3A_8 = tpu.assume_multiple %add3A_7, 8 : i32
    %dma_start3A_9 = tpu.memref_slice %arg3[%multiple_of3A_8] : memref<3276800xi32, #tpu.memory_space<hbm>> -> memref<12800xi32, #tpu.memory_space<hbm>>
    %dma_start3A_10 = tpu.memref_slice %arg3[%multiple_of3A_8] : memref<3276800xi32, #tpu.memory_space<hbm>> -> memref<12800xi32, #tpu.memory_space<hbm>>
    tpu.enqueue_dma source(%dma_start3A_10 : memref<12800xi32, #tpu.memory_space<hbm>>) target(%arg6 : memref<12800xi32, #tpu.memory_space<vmem>>) target_semaphore(%arg11 : memref<!tpu.dma_semaphore, #tpu.memory_space<semaphore_mem>>)
    %mul3A_11 = arith.constant 102400 : i32
    %mul3A_12 = arith.muli %add3A, %mul3A_11 : i32
    %add3A_13 = arith.constant 12800 : i32
    %add3A_14 = arith.addi %mul3A_12, %add3A_13 : i32
    %multiple_of3A_15 = tpu.assume_multiple %add3A_14, 8 : i32
    %dma_start3A_16 = tpu.memref_slice %arg3[%multiple_of3A_15] : memref<3276800xi32, #tpu.memory_space<hbm>> -> memref<12800xi32, #tpu.memory_space<hbm>>
    %dma_start3A_17 = tpu.memref_slice %arg3[%multiple_of3A_15] : memref<3276800xi32, #tpu.memory_space<hbm>> -> memref<12800xi32, #tpu.memory_space<hbm>>
    tpu.enqueue_dma source(%dma_start3A_17 : memref<12800xi32, #tpu.memory_space<hbm>>) target(%arg7 : memref<12800xi32, #tpu.memory_space<vmem>>) target_semaphore(%arg12 : memref<!tpu.dma_semaphore, #tpu.memory_space<semaphore_mem>>)
    %dma_wait3A = tpu.memref_slice %arg5[%multiple_of3A] : memref<1048576xf32, #tpu.memory_space<vmem_shared>> -> memref<65536xf32, #tpu.memory_space<vmem_shared>>
    %dma_wait3A_18 = tpu.memref_slice %arg2[%multiple_of3A] : memref<1048576xf32, #tpu.memory_space<hbm>> -> memref<65536xf32, #tpu.memory_space<hbm>>
    tpu.wait_dma2 semaphore(%arg10 : memref<!tpu.dma_semaphore, #tpu.memory_space<semaphore_mem>>) src(%dma_wait3A_18 : memref<65536xf32, #tpu.memory_space<hbm>>) dst(%dma_wait3A : memref<65536xf32, #tpu.memory_space<vmem_shared>>)
    %barrier3A = arith.constant 0 : index
    tpu.barrier barrier_id(%barrier3A)
    %dma_wait3A_19 = tpu.memref_slice %arg3[%multiple_of3A_8] : memref<3276800xi32, #tpu.memory_space<hbm>> -> memref<12800xi32, #tpu.memory_space<hbm>>
    %dma_wait3A_20 = tpu.memref_slice %arg3[%multiple_of3A_8] : memref<3276800xi32, #tpu.memory_space<hbm>> -> memref<12800xi32, #tpu.memory_space<hbm>>
    tpu.wait_dma2 semaphore(%arg11 : memref<!tpu.dma_semaphore, #tpu.memory_space<semaphore_mem>>) src(%dma_wait3A_20 : memref<12800xi32, #tpu.memory_space<hbm>>) dst(%arg6 : memref<12800xi32, #tpu.memory_space<vmem>>)
    %dma_start3A_21 = arith.constant 0 : i32
    %dma_start3A_22 = tpu.memref_slice %arg5[%dma_start3A_21] : memref<1048576xf32, #tpu.memory_space<vmem_shared>> -> memref<1048576xf32, #tpu.memory_space<vmem_shared>>
    tpu.enqueue_indirect_dma source(%dma_start3A_22 : memref<1048576xf32, #tpu.memory_space<vmem_shared>>) target(%arg8 : memref<12800xf32, #tpu.memory_space<vmem>>) offsets(%arg6 : memref<12800xi32, #tpu.memory_space<vmem>>) semaphore(%arg13 : memref<!tpu.dma_semaphore, #tpu.memory_space<semaphore_mem>>)
    %dma_wait3A_23 = arith.constant 0 : i32
    %dma_wait3A_24 = tpu.memref_slice %arg5[%dma_wait3A_23] : memref<1048576xf32, #tpu.memory_space<vmem_shared>> -> memref<1048576xf32, #tpu.memory_space<vmem_shared>>
    tpu.wait_indirect_dma semaphore(%arg13 : memref<!tpu.dma_semaphore, #tpu.memory_space<semaphore_mem>>) src(%dma_wait3A_24 : memref<1048576xf32, #tpu.memory_space<vmem_shared>>) dst(%arg8 : memref<12800xf32, #tpu.memory_space<vmem>>)
    %mul3A_25 = arith.constant 102400 : i32
    %mul3A_26 = arith.muli %add3A, %mul3A_25 : i32
    %add3A_27 = arith.constant 25600 : i32
    %add3A_28 = arith.addi %mul3A_26, %add3A_27 : i32
    %multiple_of3A_29 = tpu.assume_multiple %add3A_28, 8 : i32
    %dma_start3A_30 = tpu.memref_slice %arg3[%multiple_of3A_29] : memref<3276800xi32, #tpu.memory_space<hbm>> -> memref<12800xi32, #tpu.memory_space<hbm>>
    %dma_start3A_31 = tpu.memref_slice %arg3[%multiple_of3A_29] : memref<3276800xi32, #tpu.memory_space<hbm>> -> memref<12800xi32, #tpu.memory_space<hbm>>
    tpu.enqueue_dma source(%dma_start3A_31 : memref<12800xi32, #tpu.memory_space<hbm>>) target(%arg6 : memref<12800xi32, #tpu.memory_space<vmem>>) target_semaphore(%arg11 : memref<!tpu.dma_semaphore, #tpu.memory_space<semaphore_mem>>)
    %dma_wait3A_32 = tpu.memref_slice %arg3[%multiple_of3A_15] : memref<3276800xi32, #tpu.memory_space<hbm>> -> memref<12800xi32, #tpu.memory_space<hbm>>
    %dma_wait3A_33 = tpu.memref_slice %arg3[%multiple_of3A_15] : memref<3276800xi32, #tpu.memory_space<hbm>> -> memref<12800xi32, #tpu.memory_space<hbm>>
    tpu.wait_dma2 semaphore(%arg12 : memref<!tpu.dma_semaphore, #tpu.memory_space<semaphore_mem>>) src(%dma_wait3A_33 : memref<12800xi32, #tpu.memory_space<hbm>>) dst(%arg7 : memref<12800xi32, #tpu.memory_space<vmem>>)
    %dma_start3A_34 = arith.constant 0 : i32
    %dma_start3A_35 = tpu.memref_slice %arg5[%dma_start3A_34] : memref<1048576xf32, #tpu.memory_space<vmem_shared>> -> memref<1048576xf32, #tpu.memory_space<vmem_shared>>
    tpu.enqueue_indirect_dma source(%dma_start3A_35 : memref<1048576xf32, #tpu.memory_space<vmem_shared>>) target(%arg9 : memref<12800xf32, #tpu.memory_space<vmem>>) offsets(%arg7 : memref<12800xi32, #tpu.memory_space<vmem>>) semaphore(%arg14 : memref<!tpu.dma_semaphore, #tpu.memory_space<semaphore_mem>>)
    %scan3A = arith.constant 0 : i32
    %scan3A_36 = arith.constant 0 : i32
    %scan3A_37 = arith.constant 100 : i32
    %scan3A_38 = arith.addi %scan3A_36, %scan3A_37 : i32
    %scan3A_39 = arith.constant 1 : i32
    %scan3A_40 = scf.for %scan3A_236 = %scan3A_36 to %scan3A_38 step %scan3A_39 iter_args(%scan3A_237 = %scan3A) -> (i32)  : i32 {
      %mul3A_238 = arith.constant 128 : i32
      %mul3A_239 = arith.muli %scan3A_236, %mul3A_238 : i32
      %add3A_240 = arith.constant 0 : i32
      %add3A_241 = arith.addi %mul3A_239, %add3A_240 : i32
      %get3A = arith.index_cast %add3A_241 : i32 to index
      %get3A_242 = tpu.vector_load %arg8[%get3A] {strides = array<i32>} : memref<12800xf32, #tpu.memory_space<vmem>>, vector<16xf32>,
      %get3A_243 = vector.shape_cast %get3A_242 : vector<16xf32> to vector<16xf32>
      %neg3A = arith.constant 0.000000e+00 : f32
      %neg3A_244 = vector.broadcast %neg3A : f32 to vector<16xf32>
      %neg3A_245 = arith.subf %neg3A_244, %get3A_243 : vector<16xf32>
      %exp3A = math.exp %neg3A_245 : vector<16xf32>
      %add3A_246 = arith.constant 1.000000e+00 : f32
      %add3A_247 = vector.broadcast %add3A_246 : f32 to vector<16xf32>
      %add3A_248 = arith.addf %add3A_247, %exp3A : vector<16xf32>
      %div3A = arith.constant 1.000000e+00 : f32
      %div3A_249 = vector.broadcast %div3A : f32 to vector<16xf32>
      %div3A_250 = arith.divf %div3A_249, %add3A_248 : vector<16xf32>
      %add3A_251 = arith.constant 0 : i32
      %add3A_252 = arith.addi %mul3A_239, %add3A_251 : i32
      %swap3A = arith.index_cast %add3A_252 : i32 to index
      %swap3A_253 = tpu.vector_load %arg8[%swap3A] {strides = array<i32>} : memref<12800xf32, #tpu.memory_space<vmem>>, vector<16xf32>,
      %swap3A_254 = vector.shape_cast %swap3A_253 : vector<16xf32> to vector<16xf32>
      %swap3A_255 = vector.shape_cast %div3A_250 : vector<16xf32> to vector<16xf32>
      tpu.vector_store %arg8[%swap3A], %swap3A_255 {strides = array<i32>} : memref<12800xf32, #tpu.memory_space<vmem>>, vector<16xf32>,
      %add3A_256 = arith.constant 16 : i32
      %add3A_257 = arith.addi %mul3A_239, %add3A_256 : i32
      %get3A_258 = arith.index_cast %add3A_257 : i32 to index
      %get3A_259 = tpu.vector_load %arg8[%get3A_258] {strides = array<i32>} : memref<12800xf32, #tpu.memory_space<vmem>>, vector<16xf32>,
      %get3A_260 = vector.shape_cast %get3A_259 : vector<16xf32> to vector<16xf32>
      %neg3A_261 = arith.constant 0.000000e+00 : f32
      %neg3A_262 = vector.broadcast %neg3A_261 : f32 to vector<16xf32>
      %neg3A_263 = arith.subf %neg3A_262, %get3A_260 : vector<16xf32>
      %exp3A_264 = math.exp %neg3A_263 : vector<16xf32>
      %add3A_265 = arith.constant 1.000000e+00 : f32
      %add3A_266 = vector.broadcast %add3A_265 : f32 to vector<16xf32>
      %add3A_267 = arith.addf %add3A_266, %exp3A_264 : vector<16xf32>
      %div3A_268 = arith.constant 1.000000e+00 : f32
      %div3A_269 = vector.broadcast %div3A_268 : f32 to vector<16xf32>
      %div3A_270 = arith.divf %div3A_269, %add3A_267 : vector<16xf32>
      %add3A_271 = arith.constant 16 : i32
      %add3A_272 = arith.addi %mul3A_239, %add3A_271 : i32
      %swap3A_273 = arith.index_cast %add3A_272 : i32 to index
      %swap3A_274 = tpu.vector_load %arg8[%swap3A_273] {strides = array<i32>} : memref<12800xf32, #tpu.memory_space<vmem>>, vector<16xf32>,
      %swap3A_275 = vector.shape_cast %swap3A_274 : vector<16xf32> to vector<16xf32>
      %swap3A_276 = vector.shape_cast %div3A_270 : vector<16xf32> to vector<16xf32>
      tpu.vector_store %arg8[%swap3A_273], %swap3A_276 {strides = array<i32>} : memref<12800xf32, #tpu.memory_space<vmem>>, vector<16xf32>,
      %add3A_277 = arith.constant 32 : i32
      %add3A_278 = arith.addi %mul3A_239, %add3A_277 : i32
      %get3A_279 = arith.index_cast %add3A_278 : i32 to index
      %get3A_280 = tpu.vector_load %arg8[%get3A_279] {strides = array<i32>} : memref<12800xf32, #tpu.memory_space<vmem>>, vector<16xf32>,
      %get3A_281 = vector.shape_cast %get3A_280 : vector<16xf32> to vector<16xf32>
      %neg3A_282 = arith.constant 0.000000e+00 : f32
      %neg3A_283 = vector.broadcast %neg3A_282 : f32 to vector<16xf32>
      %neg3A_284 = arith.subf %neg3A_283, %get3A_281 : vector<16xf32>
      %exp3A_285 = math.exp %neg3A_284 : vector<16xf32>
      %add3A_286 = arith.constant 1.000000e+00 : f32
      %add3A_287 = vector.broadcast %add3A_286 : f32 to vector<16xf32>
      %add3A_288 = arith.addf %add3A_287, %exp3A_285 : vector<16xf32>
      %div3A_289 = arith.constant 1.000000e+00 : f32
      %div3A_290 = vector.broadcast %div3A_289 : f32 to vector<16xf32>
      %div3A_291 = arith.divf %div3A_290, %add3A_288 : vector<16xf32>
      %add3A_292 = arith.constant 32 : i32
      %add3A_293 = arith.addi %mul3A_239, %add3A_292 : i32
      %swap3A_294 = arith.index_cast %add3A_293 : i32 to index
      %swap3A_295 = tpu.vector_load %arg8[%swap3A_294] {strides = array<i32>} : memref<12800xf32, #tpu.memory_space<vmem>>, vector<16xf32>,
      %swap3A_296 = vector.shape_cast %swap3A_295 : vector<16xf32> to vector<16xf32>
      %swap3A_297 = vector.shape_cast %div3A_291 : vector<16xf32> to vector<16xf32>
      tpu.vector_store %arg8[%swap3A_294], %swap3A_297 {strides = array<i32>} : memref<12800xf32, #tpu.memory_space<vmem>>, vector<16xf32>,
      %add3A_298 = arith.constant 48 : i32
      %add3A_299 = arith.addi %mul3A_239, %add3A_298 : i32
      %get3A_300 = arith.index_cast %add3A_299 : i32 to index
      %get3A_301 = tpu.vector_load %arg8[%get3A_300] {strides = array<i32>} : memref<12800xf32, #tpu.memory_space<vmem>>, vector<16xf32>,
      %get3A_302 = vector.shape_cast %get3A_301 : vector<16xf32> to vector<16xf32>
      %neg3A_303 = arith.constant 0.000000e+00 : f32
      %neg3A_304 = vector.broadcast %neg3A_303 : f32 to vector<16xf32>
      %neg3A_305 = arith.subf %neg3A_304, %get3A_302 : vector<16xf32>
      %exp3A_306 = math.exp %neg3A_305 : vector<16xf32>
      %add3A_307 = arith.constant 1.000000e+00 : f32
      %add3A_308 = vector.broadcast %add3A_307 : f32 to vector<16xf32>
      %add3A_309 = arith.addf %add3A_308, %exp3A_306 : vector<16xf32>
      %div3A_310 = arith.constant 1.000000e+00 : f32
      %div3A_311 = vector.broadcast %div3A_310 : f32 to vector<16xf32>
      %div3A_312 = arith.divf %div3A_311, %add3A_309 : vector<16xf32>
      %add3A_313 = arith.constant 48 : i32
      %add3A_314 = arith.addi %mul3A_239, %add3A_313 : i32
      %swap3A_315 = arith.index_cast %add3A_314 : i32 to index
      %swap3A_316 = tpu.vector_load %arg8[%swap3A_315] {strides = array<i32>} : memref<12800xf32, #tpu.memory_space<vmem>>, vector<16xf32>,
      %swap3A_317 = vector.shape_cast %swap3A_316 : vector<16xf32> to vector<16xf32>
      %swap3A_318 = vector.shape_cast %div3A_312 : vector<16xf32> to vector<16xf32>
      tpu.vector_store %arg8[%swap3A_315], %swap3A_318 {strides = array<i32>} : memref<12800xf32, #tpu.memory_space<vmem>>, vector<16xf32>,
      %add3A_319 = arith.constant 64 : i32
      %add3A_320 = arith.addi %mul3A_239, %add3A_319 : i32
      %get3A_321 = arith.index_cast %add3A_320 : i32 to index
      %get3A_322 = tpu.vector_load %arg8[%get3A_321] {strides = array<i32>} : memref<12800xf32, #tpu.memory_space<vmem>>, vector<16xf32>,
      %get3A_323 = vector.shape_cast %get3A_322 : vector<16xf32> to vector<16xf32>
      %neg3A_324 = arith.constant 0.000000e+00 : f32
      %neg3A_325 = vector.broadcast %neg3A_324 : f32 to vector<16xf32>
      %neg3A_326 = arith.subf %neg3A_325, %get3A_323 : vector<16xf32>
      %exp3A_327 = math.exp %neg3A_326 : vector<16xf32>
      %add3A_328 = arith.constant 1.000000e+00 : f32
      %add3A_329 = vector.broadcast %add3A_328 : f32 to vector<16xf32>
      %add3A_330 = arith.addf %add3A_329, %exp3A_327 : vector<16xf32>
      %div3A_331 = arith.constant 1.000000e+00 : f32
      %div3A_332 = vector.broadcast %div3A_331 : f32 to vector<16xf32>
      %div3A_333 = arith.divf %div3A_332, %add3A_330 : vector<16xf32>
      %add3A_334 = arith.constant 64 : i32
      %add3A_335 = arith.addi %mul3A_239, %add3A_334 : i32
      %swap3A_336 = arith.index_cast %add3A_335 : i32 to index
      %swap3A_337 = tpu.vector_load %arg8[%swap3A_336] {strides = array<i32>} : memref<12800xf32, #tpu.memory_space<vmem>>, vector<16xf32>,
      %swap3A_338 = vector.shape_cast %swap3A_337 : vector<16xf32> to vector<16xf32>
      %swap3A_339 = vector.shape_cast %div3A_333 : vector<16xf32> to vector<16xf32>
      tpu.vector_store %arg8[%swap3A_336], %swap3A_339 {strides = array<i32>} : memref<12800xf32, #tpu.memory_space<vmem>>, vector<16xf32>,
      %add3A_340 = arith.constant 80 : i32
      %add3A_341 = arith.addi %mul3A_239, %add3A_340 : i32
      %get3A_342 = arith.index_cast %add3A_341 : i32 to index
      %get3A_343 = tpu.vector_load %arg8[%get3A_342] {strides = array<i32>} : memref<12800xf32, #tpu.memory_space<vmem>>, vector<16xf32>,
      %get3A_344 = vector.shape_cast %get3A_343 : vector<16xf32> to vector<16xf32>
      %neg3A_345 = arith.constant 0.000000e+00 : f32
      %neg3A_346 = vector.broadcast %neg3A_345 : f32 to vector<16xf32>
      %neg3A_347 = arith.subf %neg3A_346, %get3A_344 : vector<16xf32>
      %exp3A_348 = math.exp %neg3A_347 : vector<16xf32>
      %add3A_349 = arith.constant 1.000000e+00 : f32
      %add3A_350 = vector.broadcast %add3A_349 : f32 to vector<16xf32>
      %add3A_351 = arith.addf %add3A_350, %exp3A_348 : vector<16xf32>
      %div3A_352 = arith.constant 1.000000e+00 : f32
      %div3A_353 = vector.broadcast %div3A_352 : f32 to vector<16xf32>
      %div3A_354 = arith.divf %div3A_353, %add3A_351 : vector<16xf32>
      %add3A_355 = arith.constant 80 : i32
      %add3A_356 = arith.addi %mul3A_239, %add3A_355 : i32
      %swap3A_357 = arith.index_cast %add3A_356 : i32 to index
      %swap3A_358 = tpu.vector_load %arg8[%swap3A_357] {strides = array<i32>} : memref<12800xf32, #tpu.memory_space<vmem>>, vector<16xf32>,
      %swap3A_359 = vector.shape_cast %swap3A_358 : vector<16xf32> to vector<16xf32>
      %swap3A_360 = vector.shape_cast %div3A_354 : vector<16xf32> to vector<16xf32>
      tpu.vector_store %arg8[%swap3A_357], %swap3A_360 {strides = array<i32>} : memref<12800xf32, #tpu.memory_space<vmem>>, vector<16xf32>,
      %add3A_361 = arith.constant 96 : i32
      %add3A_362 = arith.addi %mul3A_239, %add3A_361 : i32
      %get3A_363 = arith.index_cast %add3A_362 : i32 to index
      %get3A_364 = tpu.vector_load %arg8[%get3A_363] {strides = array<i32>} : memref<12800xf32, #tpu.memory_space<vmem>>, vector<16xf32>,
      %get3A_365 = vector.shape_cast %get3A_364 : vector<16xf32> to vector<16xf32>
      %neg3A_366 = arith.constant 0.000000e+00 : f32
      %neg3A_367 = vector.broadcast %neg3A_366 : f32 to vector<16xf32>
      %neg3A_368 = arith.subf %neg3A_367, %get3A_365 : vector<16xf32>
      %exp3A_369 = math.exp %neg3A_368 : vector<16xf32>
      %add3A_370 = arith.constant 1.000000e+00 : f32
      %add3A_371 = vector.broadcast %add3A_370 : f32 to vector<16xf32>
      %add3A_372 = arith.addf %add3A_371, %exp3A_369 : vector<16xf32>
      %div3A_373 = arith.constant 1.000000e+00 : f32
      %div3A_374 = vector.broadcast %div3A_373 : f32 to vector<16xf32>
      %div3A_375 = arith.divf %div3A_374, %add3A_372 : vector<16xf32>
      %add3A_376 = arith.constant 96 : i32
      %add3A_377 = arith.addi %mul3A_239, %add3A_376 : i32
      %swap3A_378 = arith.index_cast %add3A_377 : i32 to index
      %swap3A_379 = tpu.vector_load %arg8[%swap3A_378] {strides = array<i32>} : memref<12800xf32, #tpu.memory_space<vmem>>, vector<16xf32>,
      %swap3A_380 = vector.shape_cast %swap3A_379 : vector<16xf32> to vector<16xf32>
      %swap3A_381 = vector.shape_cast %div3A_375 : vector<16xf32> to vector<16xf32>
      tpu.vector_store %arg8[%swap3A_378], %swap3A_381 {strides = array<i32>} : memref<12800xf32, #tpu.memory_space<vmem>>, vector<16xf32>,
      %add3A_382 = arith.constant 112 : i32
      %add3A_383 = arith.addi %mul3A_239, %add3A_382 : i32
      %get3A_384 = arith.index_cast %add3A_383 : i32 to index
      %get3A_385 = tpu.vector_load %arg8[%get3A_384] {strides = array<i32>} : memref<12800xf32, #tpu.memory_space<vmem>>, vector<16xf32>,
      %get3A_386 = vector.shape_cast %get3A_385 : vector<16xf32> to vector<16xf32>
      %neg3A_387 = arith.constant 0.000000e+00 : f32
      %neg3A_388 = vector.broadcast %neg3A_387 : f32 to vector<16xf32>
      %neg3A_389 = arith.subf %neg3A_388, %get3A_386 : vector<16xf32>
      %exp3A_390 = math.exp %neg3A_389 : vector<16xf32>
      %add3A_391 = arith.constant 1.000000e+00 : f32
      %add3A_392 = vector.broadcast %add3A_391 : f32 to vector<16xf32>
      %add3A_393 = arith.addf %add3A_392, %exp3A_390 : vector<16xf32>
      %div3A_394 = arith.constant 1.000000e+00 : f32
      %div3A_395 = vector.broadcast %div3A_394 : f32 to vector<16xf32>
      %div3A_396 = arith.divf %div3A_395, %add3A_393 : vector<16xf32>
      %add3A_397 = arith.constant 112 : i32
      %add3A_398 = arith.addi %mul3A_239, %add3A_397 : i32
      %swap3A_399 = arith.index_cast %add3A_398 : i32 to index
      %swap3A_400 = tpu.vector_load %arg8[%swap3A_399] {strides = array<i32>} : memref<12800xf32, #tpu.memory_space<vmem>>, vector<16xf32>,
      %swap3A_401 = vector.shape_cast %swap3A_400 : vector<16xf32> to vector<16xf32>
      %swap3A_402 = vector.shape_cast %div3A_396 : vector<16xf32> to vector<16xf32>
      tpu.vector_store %arg8[%swap3A_399], %swap3A_402 {strides = array<i32>} : memref<12800xf32, #tpu.memory_space<vmem>>, vector<16xf32>,
      %scan3A_403 = arith.constant 0 : i32
      scf.yield %scan3A_403 : i32
    }
    %scan3A_41 = arith.constant 100 : i32
    %mul3A_42 = arith.constant 102400 : i32
    %mul3A_43 = arith.muli %add3A, %mul3A_42 : i32
    %add3A_44 = arith.constant 0 : i32
    %add3A_45 = arith.addi %mul3A_43, %add3A_44 : i32
    %multiple_of3A_46 = tpu.assume_multiple %add3A_45, 8 : i32
    %dma_start3A_47 = tpu.memref_slice %arg4[%multiple_of3A_46] : memref<3276800xf32, #tpu.memory_space<hbm>> -> memref<12800xf32, #tpu.memory_space<hbm>>
    %dma_start3A_48 = tpu.memref_slice %arg4[%multiple_of3A_46] : memref<3276800xf32, #tpu.memory_space<hbm>> -> memref<12800xf32, #tpu.memory_space<hbm>>
    tpu.enqueue_dma source(%arg8 : memref<12800xf32, #tpu.memory_space<vmem>>) target(%dma_start3A_48 : memref<12800xf32, #tpu.memory_space<hbm>>) target_semaphore(%arg15 : memref<!tpu.dma_semaphore, #tpu.memory_space<semaphore_mem>>)
    %dma_wait3A_49 = arith.constant 0 : i32
    %dma_wait3A_50 = tpu.memref_slice %arg5[%dma_wait3A_49] : memref<1048576xf32, #tpu.memory_space<vmem_shared>> -> memref<1048576xf32, #tpu.memory_space<vmem_shared>>
    tpu.wait_indirect_dma semaphore(%arg14 : memref<!tpu.dma_semaphore, #tpu.memory_space<semaphore_mem>>) src(%dma_wait3A_50 : memref<1048576xf32, #tpu.memory_space<vmem_shared>>) dst(%arg9 : memref<12800xf32, #tpu.memory_space<vmem>>)
    %mul3A_51 = arith.constant 102400 : i32
    %mul3A_52 = arith.muli %add3A, %mul3A_51 : i32
    %add3A_53 = arith.constant 38400 : i32
    %add3A_54 = arith.addi %mul3A_52, %add3A_53 : i32
    %multiple_of3A_55 = tpu.assume_multiple %add3A_54, 8 : i32
    %dma_start3A_56 = tpu.memref_slice %arg3[%multiple_of3A_55] : memref<3276800xi32, #tpu.memory_space<hbm>> -> memref<12800xi32, #tpu.memory_space<hbm>>
    %dma_start3A_57 = tpu.memref_slice %arg3[%multiple_of3A_55] : memref<3276800xi32, #tpu.memory_space<hbm>> -> memref<12800xi32, #tpu.memory_space<hbm>>
    tpu.enqueue_dma source(%dma_start3A_57 : memref<12800xi32, #tpu.memory_space<hbm>>) target(%arg7 : memref<12800xi32, #tpu.memory_space<vmem>>) target_semaphore(%arg12 : memref<!tpu.dma_semaphore, #tpu.memory_space<semaphore_mem>>)
    %dma_wait3A_58 = tpu.memref_slice %arg4[%multiple_of3A_46] : memref<3276800xf32, #tpu.memory_space<hbm>> -> memref<12800xf32, #tpu.memory_space<hbm>>
    %dma_wait3A_59 = tpu.memref_slice %arg4[%multiple_of3A_46] : memref<3276800xf32, #tpu.memory_space<hbm>> -> memref<12800xf32, #tpu.memory_space<hbm>>
    tpu.wait_dma2 semaphore(%arg15 : memref<!tpu.dma_semaphore, #tpu.memory_space<semaphore_mem>>) src(%arg8 : memref<12800xf32, #tpu.memory_space<vmem>>) dst(%dma_wait3A_59 : memref<12800xf32, #tpu.memory_space<hbm>>)
    %dma_wait3A_60 = tpu.memref_slice %arg3[%multiple_of3A_29] : memref<3276800xi32, #tpu.memory_space<hbm>> -> memref<12800xi32, #tpu.memory_space<hbm>>
    %dma_wait3A_61 = tpu.memref_slice %arg3[%multiple_of3A_29] : memref<3276800xi32, #tpu.memory_space<hbm>> -> memref<12800xi32, #tpu.memory_space<hbm>>
    tpu.wait_dma2 semaphore(%arg11 : memref<!tpu.dma_semaphore, #tpu.memory_space<semaphore_mem>>) src(%dma_wait3A_61 : memref<12800xi32, #tpu.memory_space<hbm>>) dst(%arg6 : memref<12800xi32, #tpu.memory_space<vmem>>)
    %dma_start3A_62 = arith.constant 0 : i32
    %dma_start3A_63 = tpu.memref_slice %arg5[%dma_start3A_62] : memref<1048576xf32, #tpu.memory_space<vmem_shared>> -> memref<1048576xf32, #tpu.memory_space<vmem_shared>>
    tpu.enqueue_indirect_dma source(%dma_start3A_63 : memref<1048576xf32, #tpu.memory_space<vmem_shared>>) target(%arg8 : memref<12800xf32, #tpu.memory_space<vmem>>) offsets(%arg6 : memref<12800xi32, #tpu.memory_space<vmem>>) semaphore(%arg13 : memref<!tpu.dma_semaphore, #tpu.memory_space<semaphore_mem>>)
    %scan3A_64 = arith.constant 0 : i32
    %scan3A_65 = arith.constant 0 : i32
    %scan3A_66 = arith.constant 100 : i32
    %scan3A_67 = arith.addi %scan3A_65, %scan3A_66 : i32
    %scan3A_68 = arith.constant 1 : i32
    %scan3A_69 = scf.for %scan3A_236 = %scan3A_65 to %scan3A_67 step %scan3A_68 iter_args(%scan3A_237 = %scan3A_64) -> (i32)  : i32 {
      %mul3A_238 = arith.constant 128 : i32
      %mul3A_239 = arith.muli %scan3A_236, %mul3A_238 : i32
      %add3A_240 = arith.constant 0 : i32
      %add3A_241 = arith.addi %mul3A_239, %add3A_240 : i32
      %get3A = arith.index_cast %add3A_241 : i32 to index
      %get3A_242 = tpu.vector_load %arg9[%get3A] {strides = array<i32>} : memref<12800xf32, #tpu.memory_space<vmem>>, vector<16xf32>,
      %get3A_243 = vector.shape_cast %get3A_242 : vector<16xf32> to vector<16xf32>
      %neg3A = arith.constant 0.000000e+00 : f32
      %neg3A_244 = vector.broadcast %neg3A : f32 to vector<16xf32>
      %neg3A_245 = arith.subf %neg3A_244, %get3A_243 : vector<16xf32>
      %exp3A = math.exp %neg3A_245 : vector<16xf32>
      %add3A_246 = arith.constant 1.000000e+00 : f32
      %add3A_247 = vector.broadcast %add3A_246 : f32 to vector<16xf32>
      %add3A_248 = arith.addf %add3A_247, %exp3A : vector<16xf32>
      %div3A = arith.constant 1.000000e+00 : f32
      %div3A_249 = vector.broadcast %div3A : f32 to vector<16xf32>
      %div3A_250 = arith.divf %div3A_249, %add3A_248 : vector<16xf32>
      %add3A_251 = arith.constant 0 : i32
      %add3A_252 = arith.addi %mul3A_239, %add3A_251 : i32
      %swap3A = arith.index_cast %add3A_252 : i32 to index
      %swap3A_253 = tpu.vector_load %arg9[%swap3A] {strides = array<i32>} : memref<12800xf32, #tpu.memory_space<vmem>>, vector<16xf32>,
      %swap3A_254 = vector.shape_cast %swap3A_253 : vector<16xf32> to vector<16xf32>
      %swap3A_255 = vector.shape_cast %div3A_250 : vector<16xf32> to vector<16xf32>
      tpu.vector_store %arg9[%swap3A], %swap3A_255 {strides = array<i32>} : memref<12800xf32, #tpu.memory_space<vmem>>, vector<16xf32>,
      %add3A_256 = arith.constant 16 : i32
      %add3A_257 = arith.addi %mul3A_239, %add3A_256 : i32
      %get3A_258 = arith.index_cast %add3A_257 : i32 to index
      %get3A_259 = tpu.vector_load %arg9[%get3A_258] {strides = array<i32>} : memref<12800xf32, #tpu.memory_space<vmem>>, vector<16xf32>,
      %get3A_260 = vector.shape_cast %get3A_259 : vector<16xf32> to vector<16xf32>
      %neg3A_261 = arith.constant 0.000000e+00 : f32
      %neg3A_262 = vector.broadcast %neg3A_261 : f32 to vector<16xf32>
      %neg3A_263 = arith.subf %neg3A_262, %get3A_260 : vector<16xf32>
      %exp3A_264 = math.exp %neg3A_263 : vector<16xf32>
      %add3A_265 = arith.constant 1.000000e+00 : f32
      %add3A_266 = vector.broadcast %add3A_265 : f32 to vector<16xf32>
      %add3A_267 = arith.addf %add3A_266, %exp3A_264 : vector<16xf32>
      %div3A_268 = arith.constant 1.000000e+00 : f32
      %div3A_269 = vector.broadcast %div3A_268 : f32 to vector<16xf32>
      %div3A_270 = arith.divf %div3A_269, %add3A_267 : vector<16xf32>
      %add3A_271 = arith.constant 16 : i32
      %add3A_272 = arith.addi %mul3A_239, %add3A_271 : i32
      %swap3A_273 = arith.index_cast %add3A_272 : i32 to index
      %swap3A_274 = tpu.vector_load %arg9[%swap3A_273] {strides = array<i32>} : memref<12800xf32, #tpu.memory_space<vmem>>, vector<16xf32>,
      %swap3A_275 = vector.shape_cast %swap3A_274 : vector<16xf32> to vector<16xf32>
      %swap3A_276 = vector.shape_cast %div3A_270 : vector<16xf32> to vector<16xf32>
      tpu.vector_store %arg9[%swap3A_273], %swap3A_276 {strides = array<i32>} : memref<12800xf32, #tpu.memory_space<vmem>>, vector<16xf32>,
      %add3A_277 = arith.constant 32 : i32
      %add3A_278 = arith.addi %mul3A_239, %add3A_277 : i32
      %get3A_279 = arith.index_cast %add3A_278 : i32 to index
      %get3A_280 = tpu.vector_load %arg9[%get3A_279] {strides = array<i32>} : memref<12800xf32, #tpu.memory_space<vmem>>, vector<16xf32>,
      %get3A_281 = vector.shape_cast %get3A_280 : vector<16xf32> to vector<16xf32>
      %neg3A_282 = arith.constant 0.000000e+00 : f32
      %neg3A_283 = vector.broadcast %neg3A_282 : f32 to vector<16xf32>
      %neg3A_284 = arith.subf %neg3A_283, %get3A_281 : vector<16xf32>
      %exp3A_285 = math.exp %neg3A_284 : vector<16xf32>
      %add3A_286 = arith.constant 1.000000e+00 : f32
      %add3A_287 = vector.broadcast %add3A_286 : f32 to vector<16xf32>
      %add3A_288 = arith.addf %add3A_287, %exp3A_285 : vector<16xf32>
      %div3A_289 = arith.constant 1.000000e+00 : f32
      %div3A_290 = vector.broadcast %div3A_289 : f32 to vector<16xf32>
      %div3A_291 = arith.divf %div3A_290, %add3A_288 : vector<16xf32>
      %add3A_292 = arith.constant 32 : i32
      %add3A_293 = arith.addi %mul3A_239, %add3A_292 : i32
      %swap3A_294 = arith.index_cast %add3A_293 : i32 to index
      %swap3A_295 = tpu.vector_load %arg9[%swap3A_294] {strides = array<i32>} : memref<12800xf32, #tpu.memory_space<vmem>>, vector<16xf32>,
      %swap3A_296 = vector.shape_cast %swap3A_295 : vector<16xf32> to vector<16xf32>
      %swap3A_297 = vector.shape_cast %div3A_291 : vector<16xf32> to vector<16xf32>
      tpu.vector_store %arg9[%swap3A_294], %swap3A_297 {strides = array<i32>} : memref<12800xf32, #tpu.memory_space<vmem>>, vector<16xf32>,
      %add3A_298 = arith.constant 48 : i32
      %add3A_299 = arith.addi %mul3A_239, %add3A_298 : i32
      %get3A_300 = arith.index_cast %add3A_299 : i32 to index
      %get3A_301 = tpu.vector_load %arg9[%get3A_300] {strides = array<i32>} : memref<12800xf32, #tpu.memory_space<vmem>>, vector<16xf32>,
      %get3A_302 = vector.shape_cast %get3A_301 : vector<16xf32> to vector<16xf32>
      %neg3A_303 = arith.constant 0.000000e+00 : f32
      %neg3A_304 = vector.broadcast %neg3A_303 : f32 to vector<16xf32>
      %neg3A_305 = arith.subf %neg3A_304, %get3A_302 : vector<16xf32>
      %exp3A_306 = math.exp %neg3A_305 : vector<16xf32>
      %add3A_307 = arith.constant 1.000000e+00 : f32
      %add3A_308 = vector.broadcast %add3A_307 : f32 to vector<16xf32>
      %add3A_309 = arith.addf %add3A_308, %exp3A_306 : vector<16xf32>
      %div3A_310 = arith.constant 1.000000e+00 : f32
      %div3A_311 = vector.broadcast %div3A_310 : f32 to vector<16xf32>
      %div3A_312 = arith.divf %div3A_311, %add3A_309 : vector<16xf32>
      %add3A_313 = arith.constant 48 : i32
      %add3A_314 = arith.addi %mul3A_239, %add3A_313 : i32
      %swap3A_315 = arith.index_cast %add3A_314 : i32 to index
      %swap3A_316 = tpu.vector_load %arg9[%swap3A_315] {strides = array<i32>} : memref<12800xf32, #tpu.memory_space<vmem>>, vector<16xf32>,
      %swap3A_317 = vector.shape_cast %swap3A_316 : vector<16xf32> to vector<16xf32>
      %swap3A_318 = vector.shape_cast %div3A_312 : vector<16xf32> to vector<16xf32>
      tpu.vector_store %arg9[%swap3A_315], %swap3A_318 {strides = array<i32>} : memref<12800xf32, #tpu.memory_space<vmem>>, vector<16xf32>,
      %add3A_319 = arith.constant 64 : i32
      %add3A_320 = arith.addi %mul3A_239, %add3A_319 : i32
      %get3A_321 = arith.index_cast %add3A_320 : i32 to index
      %get3A_322 = tpu.vector_load %arg9[%get3A_321] {strides = array<i32>} : memref<12800xf32, #tpu.memory_space<vmem>>, vector<16xf32>,
      %get3A_323 = vector.shape_cast %get3A_322 : vector<16xf32> to vector<16xf32>
      %neg3A_324 = arith.constant 0.000000e+00 : f32
      %neg3A_325 = vector.broadcast %neg3A_324 : f32 to vector<16xf32>
      %neg3A_326 = arith.subf %neg3A_325, %get3A_323 : vector<16xf32>
      %exp3A_327 = math.exp %neg3A_326 : vector<16xf32>
      %add3A_328 = arith.constant 1.000000e+00 : f32
      %add3A_329 = vector.broadcast %add3A_328 : f32 to vector<16xf32>
      %add3A_330 = arith.addf %add3A_329, %exp3A_327 : vector<16xf32>
      %div3A_331 = arith.constant 1.000000e+00 : f32
      %div3A_332 = vector.broadcast %div3A_331 : f32 to vector<16xf32>
      %div3A_333 = arith.divf %div3A_332, %add3A_330 : vector<16xf32>
      %add3A_334 = arith.constant 64 : i32
      %add3A_335 = arith.addi %mul3A_239, %add3A_334 : i32
      %swap3A_336 = arith.index_cast %add3A_335 : i32 to index
      %swap3A_337 = tpu.vector_load %arg9[%swap3A_336] {strides = array<i32>} : memref<12800xf32, #tpu.memory_space<vmem>>, vector<16xf32>,
      %swap3A_338 = vector.shape_cast %swap3A_337 : vector<16xf32> to vector<16xf32>
      %swap3A_339 = vector.shape_cast %div3A_333 : vector<16xf32> to vector<16xf32>
      tpu.vector_store %arg9[%swap3A_336], %swap3A_339 {strides = array<i32>} : memref<12800xf32, #tpu.memory_space<vmem>>, vector<16xf32>,
      %add3A_340 = arith.constant 80 : i32
      %add3A_341 = arith.addi %mul3A_239, %add3A_340 : i32
      %get3A_342 = arith.index_cast %add3A_341 : i32 to index
      %get3A_343 = tpu.vector_load %arg9[%get3A_342] {strides = array<i32>} : memref<12800xf32, #tpu.memory_space<vmem>>, vector<16xf32>,
      %get3A_344 = vector.shape_cast %get3A_343 : vector<16xf32> to vector<16xf32>
      %neg3A_345 = arith.constant 0.000000e+00 : f32
      %neg3A_346 = vector.broadcast %neg3A_345 : f32 to vector<16xf32>
      %neg3A_347 = arith.subf %neg3A_346, %get3A_344 : vector<16xf32>
      %exp3A_348 = math.exp %neg3A_347 : vector<16xf32>
      %add3A_349 = arith.constant 1.000000e+00 : f32
      %add3A_350 = vector.broadcast %add3A_349 : f32 to vector<16xf32>
      %add3A_351 = arith.addf %add3A_350, %exp3A_348 : vector<16xf32>
      %div3A_352 = arith.constant 1.000000e+00 : f32
      %div3A_353 = vector.broadcast %div3A_352 : f32 to vector<16xf32>
      %div3A_354 = arith.divf %div3A_353, %add3A_351 : vector<16xf32>
      %add3A_355 = arith.constant 80 : i32
      %add3A_356 = arith.addi %mul3A_239, %add3A_355 : i32
      %swap3A_357 = arith.index_cast %add3A_356 : i32 to index
      %swap3A_358 = tpu.vector_load %arg9[%swap3A_357] {strides = array<i32>} : memref<12800xf32, #tpu.memory_space<vmem>>, vector<16xf32>,
      %swap3A_359 = vector.shape_cast %swap3A_358 : vector<16xf32> to vector<16xf32>
      %swap3A_360 = vector.shape_cast %div3A_354 : vector<16xf32> to vector<16xf32>
      tpu.vector_store %arg9[%swap3A_357], %swap3A_360 {strides = array<i32>} : memref<12800xf32, #tpu.memory_space<vmem>>, vector<16xf32>,
      %add3A_361 = arith.constant 96 : i32
      %add3A_362 = arith.addi %mul3A_239, %add3A_361 : i32
      %get3A_363 = arith.index_cast %add3A_362 : i32 to index
      %get3A_364 = tpu.vector_load %arg9[%get3A_363] {strides = array<i32>} : memref<12800xf32, #tpu.memory_space<vmem>>, vector<16xf32>,
      %get3A_365 = vector.shape_cast %get3A_364 : vector<16xf32> to vector<16xf32>
      %neg3A_366 = arith.constant 0.000000e+00 : f32
      %neg3A_367 = vector.broadcast %neg3A_366 : f32 to vector<16xf32>
      %neg3A_368 = arith.subf %neg3A_367, %get3A_365 : vector<16xf32>
      %exp3A_369 = math.exp %neg3A_368 : vector<16xf32>
      %add3A_370 = arith.constant 1.000000e+00 : f32
      %add3A_371 = vector.broadcast %add3A_370 : f32 to vector<16xf32>
      %add3A_372 = arith.addf %add3A_371, %exp3A_369 : vector<16xf32>
      %div3A_373 = arith.constant 1.000000e+00 : f32
      %div3A_374 = vector.broadcast %div3A_373 : f32 to vector<16xf32>
      %div3A_375 = arith.divf %div3A_374, %add3A_372 : vector<16xf32>
      %add3A_376 = arith.constant 96 : i32
      %add3A_377 = arith.addi %mul3A_239, %add3A_376 : i32
      %swap3A_378 = arith.index_cast %add3A_377 : i32 to index
      %swap3A_379 = tpu.vector_load %arg9[%swap3A_378] {strides = array<i32>} : memref<12800xf32, #tpu.memory_space<vmem>>, vector<16xf32>,
      %swap3A_380 = vector.shape_cast %swap3A_379 : vector<16xf32> to vector<16xf32>
      %swap3A_381 = vector.shape_cast %div3A_375 : vector<16xf32> to vector<16xf32>
      tpu.vector_store %arg9[%swap3A_378], %swap3A_381 {strides = array<i32>} : memref<12800xf32, #tpu.memory_space<vmem>>, vector<16xf32>,
      %add3A_382 = arith.constant 112 : i32
      %add3A_383 = arith.addi %mul3A_239, %add3A_382 : i32
      %get3A_384 = arith.index_cast %add3A_383 : i32 to index
      %get3A_385 = tpu.vector_load %arg9[%get3A_384] {strides = array<i32>} : memref<12800xf32, #tpu.memory_space<vmem>>, vector<16xf32>,
      %get3A_386 = vector.shape_cast %get3A_385 : vector<16xf32> to vector<16xf32>
      %neg3A_387 = arith.constant 0.000000e+00 : f32
      %neg3A_388 = vector.broadcast %neg3A_387 : f32 to vector<16xf32>
      %neg3A_389 = arith.subf %neg3A_388, %get3A_386 : vector<16xf32>
      %exp3A_390 = math.exp %neg3A_389 : vector<16xf32>
      %add3A_391 = arith.constant 1.000000e+00 : f32
      %add3A_392 = vector.broadcast %add3A_391 : f32 to vector<16xf32>
      %add3A_393 = arith.addf %add3A_392, %exp3A_390 : vector<16xf32>
      %div3A_394 = arith.constant 1.000000e+00 : f32
      %div3A_395 = vector.broadcast %div3A_394 : f32 to vector<16xf32>
      %div3A_396 = arith.divf %div3A_395, %add3A_393 : vector<16xf32>
      %add3A_397 = arith.constant 112 : i32
      %add3A_398 = arith.addi %mul3A_239, %add3A_397 : i32
      %swap3A_399 = arith.index_cast %add3A_398 : i32 to index
      %swap3A_400 = tpu.vector_load %arg9[%swap3A_399] {strides = array<i32>} : memref<12800xf32, #tpu.memory_space<vmem>>, vector<16xf32>,
      %swap3A_401 = vector.shape_cast %swap3A_400 : vector<16xf32> to vector<16xf32>
      %swap3A_402 = vector.shape_cast %div3A_396 : vector<16xf32> to vector<16xf32>
      tpu.vector_store %arg9[%swap3A_399], %swap3A_402 {strides = array<i32>} : memref<12800xf32, #tpu.memory_space<vmem>>, vector<16xf32>,
      %scan3A_403 = arith.constant 0 : i32
      scf.yield %scan3A_403 : i32
    }
    %scan3A_70 = arith.constant 100 : i32
    %mul3A_71 = arith.constant 102400 : i32
    %mul3A_72 = arith.muli %add3A, %mul3A_71 : i32
    %add3A_73 = arith.constant 12800 : i32
    %add3A_74 = arith.addi %mul3A_72, %add3A_73 : i32
    %multiple_of3A_75 = tpu.assume_multiple %add3A_74, 8 : i32
    %dma_start3A_76 = tpu.memref_slice %arg4[%multiple_of3A_75] : memref<3276800xf32, #tpu.memory_space<hbm>> -> memref<12800xf32, #tpu.memory_space<hbm>>
    %dma_start3A_77 = tpu.memref_slice %arg4[%multiple_of3A_75] : memref<3276800xf32, #tpu.memory_space<hbm>> -> memref<12800xf32, #tpu.memory_space<hbm>>
    tpu.enqueue_dma source(%arg9 : memref<12800xf32, #tpu.memory_space<vmem>>) target(%dma_start3A_77 : memref<12800xf32, #tpu.memory_space<hbm>>) target_semaphore(%arg16 : memref<!tpu.dma_semaphore, #tpu.memory_space<semaphore_mem>>)
    %dma_wait3A_78 = arith.constant 0 : i32
    %dma_wait3A_79 = tpu.memref_slice %arg5[%dma_wait3A_78] : memref<1048576xf32, #tpu.memory_space<vmem_shared>> -> memref<1048576xf32, #tpu.memory_space<vmem_shared>>
    tpu.wait_indirect_dma semaphore(%arg13 : memref<!tpu.dma_semaphore, #tpu.memory_space<semaphore_mem>>) src(%dma_wait3A_79 : memref<1048576xf32, #tpu.memory_space<vmem_shared>>) dst(%arg8 : memref<12800xf32, #tpu.memory_space<vmem>>)
    %mul3A_80 = arith.constant 102400 : i32
    %mul3A_81 = arith.muli %add3A, %mul3A_80 : i32
    %add3A_82 = arith.constant 51200 : i32
    %add3A_83 = arith.addi %mul3A_81, %add3A_82 : i32
    %multiple_of3A_84 = tpu.assume_multiple %add3A_83, 8 : i32
    %dma_start3A_85 = tpu.memref_slice %arg3[%multiple_of3A_84] : memref<3276800xi32, #tpu.memory_space<hbm>> -> memref<12800xi32, #tpu.memory_space<hbm>>
    %dma_start3A_86 = tpu.memref_slice %arg3[%multiple_of3A_84] : memref<3276800xi32, #tpu.memory_space<hbm>> -> memref<12800xi32, #tpu.memory_space<hbm>>
    tpu.enqueue_dma source(%dma_start3A_86 : memref<12800xi32, #tpu.memory_space<hbm>>) target(%arg6 : memref<12800xi32, #tpu.memory_space<vmem>>) target_semaphore(%arg11 : memref<!tpu.dma_semaphore, #tpu.memory_space<semaphore_mem>>)
    %dma_wait3A_87 = tpu.memref_slice %arg4[%multiple_of3A_75] : memref<3276800xf32, #tpu.memory_space<hbm>> -> memref<12800xf32, #tpu.memory_space<hbm>>
    %dma_wait3A_88 = tpu.memref_slice %arg4[%multiple_of3A_75] : memref<3276800xf32, #tpu.memory_space<hbm>> -> memref<12800xf32, #tpu.memory_space<hbm>>
    tpu.wait_dma2 semaphore(%arg16 : memref<!tpu.dma_semaphore, #tpu.memory_space<semaphore_mem>>) src(%arg9 : memref<12800xf32, #tpu.memory_space<vmem>>) dst(%dma_wait3A_88 : memref<12800xf32, #tpu.memory_space<hbm>>)
    %dma_wait3A_89 = tpu.memref_slice %arg3[%multiple_of3A_55] : memref<3276800xi32, #tpu.memory_space<hbm>> -> memref<12800xi32, #tpu.memory_space<hbm>>
    %dma_wait3A_90 = tpu.memref_slice %arg3[%multiple_of3A_55] : memref<3276800xi32, #tpu.memory_space<hbm>> -> memref<12800xi32, #tpu.memory_space<hbm>>
    tpu.wait_dma2 semaphore(%arg12 : memref<!tpu.dma_semaphore, #tpu.memory_space<semaphore_mem>>) src(%dma_wait3A_90 : memref<12800xi32, #tpu.memory_space<hbm>>) dst(%arg7 : memref<12800xi32, #tpu.memory_space<vmem>>)
    %dma_start3A_91 = arith.constant 0 : i32
    %dma_start3A_92 = tpu.memref_slice %arg5[%dma_start3A_91] : memref<1048576xf32, #tpu.memory_space<vmem_shared>> -> memref<1048576xf32, #tpu.memory_space<vmem_shared>>
    tpu.enqueue_indirect_dma source(%dma_start3A_92 : memref<1048576xf32, #tpu.memory_space<vmem_shared>>) target(%arg9 : memref<12800xf32, #tpu.memory_space<vmem>>) offsets(%arg7 : memref<12800xi32, #tpu.memory_space<vmem>>) semaphore(%arg14 : memref<!tpu.dma_semaphore, #tpu.memory_space<semaphore_mem>>)
    %scan3A_93 = arith.constant 0 : i32
    %scan3A_94 = arith.constant 0 : i32
    %scan3A_95 = arith.constant 100 : i32
    %scan3A_96 = arith.addi %scan3A_94, %scan3A_95 : i32
    %scan3A_97 = arith.constant 1 : i32
    %scan3A_98 = scf.for %scan3A_236 = %scan3A_94 to %scan3A_96 step %scan3A_97 iter_args(%scan3A_237 = %scan3A_93) -> (i32)  : i32 {
      %mul3A_238 = arith.constant 128 : i32
      %mul3A_239 = arith.muli %scan3A_236, %mul3A_238 : i32
      %add3A_240 = arith.constant 0 : i32
      %add3A_241 = arith.addi %mul3A_239, %add3A_240 : i32
      %get3A = arith.index_cast %add3A_241 : i32 to index
      %get3A_242 = tpu.vector_load %arg8[%get3A] {strides = array<i32>} : memref<12800xf32, #tpu.memory_space<vmem>>, vector<16xf32>,
      %get3A_243 = vector.shape_cast %get3A_242 : vector<16xf32> to vector<16xf32>
      %neg3A = arith.constant 0.000000e+00 : f32
      %neg3A_244 = vector.broadcast %neg3A : f32 to vector<16xf32>
      %neg3A_245 = arith.subf %neg3A_244, %get3A_243 : vector<16xf32>
      %exp3A = math.exp %neg3A_245 : vector<16xf32>
      %add3A_246 = arith.constant 1.000000e+00 : f32
      %add3A_247 = vector.broadcast %add3A_246 : f32 to vector<16xf32>
      %add3A_248 = arith.addf %add3A_247, %exp3A : vector<16xf32>
      %div3A = arith.constant 1.000000e+00 : f32
      %div3A_249 = vector.broadcast %div3A : f32 to vector<16xf32>
      %div3A_250 = arith.divf %div3A_249, %add3A_248 : vector<16xf32>
      %add3A_251 = arith.constant 0 : i32
      %add3A_252 = arith.addi %mul3A_239, %add3A_251 : i32
      %swap3A = arith.index_cast %add3A_252 : i32 to index
      %swap3A_253 = tpu.vector_load %arg8[%swap3A] {strides = array<i32>} : memref<12800xf32, #tpu.memory_space<vmem>>, vector<16xf32>,
      %swap3A_254 = vector.shape_cast %swap3A_253 : vector<16xf32> to vector<16xf32>
      %swap3A_255 = vector.shape_cast %div3A_250 : vector<16xf32> to vector<16xf32>
      tpu.vector_store %arg8[%swap3A], %swap3A_255 {strides = array<i32>} : memref<12800xf32, #tpu.memory_space<vmem>>, vector<16xf32>,
      %add3A_256 = arith.constant 16 : i32
      %add3A_257 = arith.addi %mul3A_239, %add3A_256 : i32
      %get3A_258 = arith.index_cast %add3A_257 : i32 to index
      %get3A_259 = tpu.vector_load %arg8[%get3A_258] {strides = array<i32>} : memref<12800xf32, #tpu.memory_space<vmem>>, vector<16xf32>,
      %get3A_260 = vector.shape_cast %get3A_259 : vector<16xf32> to vector<16xf32>
      %neg3A_261 = arith.constant 0.000000e+00 : f32
      %neg3A_262 = vector.broadcast %neg3A_261 : f32 to vector<16xf32>
      %neg3A_263 = arith.subf %neg3A_262, %get3A_260 : vector<16xf32>
      %exp3A_264 = math.exp %neg3A_263 : vector<16xf32>
      %add3A_265 = arith.constant 1.000000e+00 : f32
      %add3A_266 = vector.broadcast %add3A_265 : f32 to vector<16xf32>
      %add3A_267 = arith.addf %add3A_266, %exp3A_264 : vector<16xf32>
      %div3A_268 = arith.constant 1.000000e+00 : f32
      %div3A_269 = vector.broadcast %div3A_268 : f32 to vector<16xf32>
      %div3A_270 = arith.divf %div3A_269, %add3A_267 : vector<16xf32>
      %add3A_271 = arith.constant 16 : i32
      %add3A_272 = arith.addi %mul3A_239, %add3A_271 : i32
      %swap3A_273 = arith.index_cast %add3A_272 : i32 to index
      %swap3A_274 = tpu.vector_load %arg8[%swap3A_273] {strides = array<i32>} : memref<12800xf32, #tpu.memory_space<vmem>>, vector<16xf32>,
      %swap3A_275 = vector.shape_cast %swap3A_274 : vector<16xf32> to vector<16xf32>
      %swap3A_276 = vector.shape_cast %div3A_270 : vector<16xf32> to vector<16xf32>
      tpu.vector_store %arg8[%swap3A_273], %swap3A_276 {strides = array<i32>} : memref<12800xf32, #tpu.memory_space<vmem>>, vector<16xf32>,
      %add3A_277 = arith.constant 32 : i32
      %add3A_278 = arith.addi %mul3A_239, %add3A_277 : i32
      %get3A_279 = arith.index_cast %add3A_278 : i32 to index
      %get3A_280 = tpu.vector_load %arg8[%get3A_279] {strides = array<i32>} : memref<12800xf32, #tpu.memory_space<vmem>>, vector<16xf32>,
      %get3A_281 = vector.shape_cast %get3A_280 : vector<16xf32> to vector<16xf32>
      %neg3A_282 = arith.constant 0.000000e+00 : f32
      %neg3A_283 = vector.broadcast %neg3A_282 : f32 to vector<16xf32>
      %neg3A_284 = arith.subf %neg3A_283, %get3A_281 : vector<16xf32>
      %exp3A_285 = math.exp %neg3A_284 : vector<16xf32>
      %add3A_286 = arith.constant 1.000000e+00 : f32
      %add3A_287 = vector.broadcast %add3A_286 : f32 to vector<16xf32>
      %add3A_288 = arith.addf %add3A_287, %exp3A_285 : vector<16xf32>
      %div3A_289 = arith.constant 1.000000e+00 : f32
      %div3A_290 = vector.broadcast %div3A_289 : f32 to vector<16xf32>
      %div3A_291 = arith.divf %div3A_290, %add3A_288 : vector<16xf32>
      %add3A_292 = arith.constant 32 : i32
      %add3A_293 = arith.addi %mul3A_239, %add3A_292 : i32
      %swap3A_294 = arith.index_cast %add3A_293 : i32 to index
      %swap3A_295 = tpu.vector_load %arg8[%swap3A_294] {strides = array<i32>} : memref<12800xf32, #tpu.memory_space<vmem>>, vector<16xf32>,
      %swap3A_296 = vector.shape_cast %swap3A_295 : vector<16xf32> to vector<16xf32>
      %swap3A_297 = vector.shape_cast %div3A_291 : vector<16xf32> to vector<16xf32>
      tpu.vector_store %arg8[%swap3A_294], %swap3A_297 {strides = array<i32>} : memref<12800xf32, #tpu.memory_space<vmem>>, vector<16xf32>,
      %add3A_298 = arith.constant 48 : i32
      %add3A_299 = arith.addi %mul3A_239, %add3A_298 : i32
      %get3A_300 = arith.index_cast %add3A_299 : i32 to index
      %get3A_301 = tpu.vector_load %arg8[%get3A_300] {strides = array<i32>} : memref<12800xf32, #tpu.memory_space<vmem>>, vector<16xf32>,
      %get3A_302 = vector.shape_cast %get3A_301 : vector<16xf32> to vector<16xf32>
      %neg3A_303 = arith.constant 0.000000e+00 : f32
      %neg3A_304 = vector.broadcast %neg3A_303 : f32 to vector<16xf32>
      %neg3A_305 = arith.subf %neg3A_304, %get3A_302 : vector<16xf32>
      %exp3A_306 = math.exp %neg3A_305 : vector<16xf32>
      %add3A_307 = arith.constant 1.000000e+00 : f32
      %add3A_308 = vector.broadcast %add3A_307 : f32 to vector<16xf32>
      %add3A_309 = arith.addf %add3A_308, %exp3A_306 : vector<16xf32>
      %div3A_310 = arith.constant 1.000000e+00 : f32
      %div3A_311 = vector.broadcast %div3A_310 : f32 to vector<16xf32>
      %div3A_312 = arith.divf %div3A_311, %add3A_309 : vector<16xf32>
      %add3A_313 = arith.constant 48 : i32
      %add3A_314 = arith.addi %mul3A_239, %add3A_313 : i32
      %swap3A_315 = arith.index_cast %add3A_314 : i32 to index
      %swap3A_316 = tpu.vector_load %arg8[%swap3A_315] {strides = array<i32>} : memref<12800xf32, #tpu.memory_space<vmem>>, vector<16xf32>,
      %swap3A_317 = vector.shape_cast %swap3A_316 : vector<16xf32> to vector<16xf32>
      %swap3A_318 = vector.shape_cast %div3A_312 : vector<16xf32> to vector<16xf32>
      tpu.vector_store %arg8[%swap3A_315], %swap3A_318 {strides = array<i32>} : memref<12800xf32, #tpu.memory_space<vmem>>, vector<16xf32>,
      %add3A_319 = arith.constant 64 : i32
      %add3A_320 = arith.addi %mul3A_239, %add3A_319 : i32
      %get3A_321 = arith.index_cast %add3A_320 : i32 to index
      %get3A_322 = tpu.vector_load %arg8[%get3A_321] {strides = array<i32>} : memref<12800xf32, #tpu.memory_space<vmem>>, vector<16xf32>,
      %get3A_323 = vector.shape_cast %get3A_322 : vector<16xf32> to vector<16xf32>
      %neg3A_324 = arith.constant 0.000000e+00 : f32
      %neg3A_325 = vector.broadcast %neg3A_324 : f32 to vector<16xf32>
      %neg3A_326 = arith.subf %neg3A_325, %get3A_323 : vector<16xf32>
      %exp3A_327 = math.exp %neg3A_326 : vector<16xf32>
      %add3A_328 = arith.constant 1.000000e+00 : f32
      %add3A_329 = vector.broadcast %add3A_328 : f32 to vector<16xf32>
      %add3A_330 = arith.addf %add3A_329, %exp3A_327 : vector<16xf32>
      %div3A_331 = arith.constant 1.000000e+00 : f32
      %div3A_332 = vector.broadcast %div3A_331 : f32 to vector<16xf32>
      %div3A_333 = arith.divf %div3A_332, %add3A_330 : vector<16xf32>
      %add3A_334 = arith.constant 64 : i32
      %add3A_335 = arith.addi %mul3A_239, %add3A_334 : i32
      %swap3A_336 = arith.index_cast %add3A_335 : i32 to index
      %swap3A_337 = tpu.vector_load %arg8[%swap3A_336] {strides = array<i32>} : memref<12800xf32, #tpu.memory_space<vmem>>, vector<16xf32>,
      %swap3A_338 = vector.shape_cast %swap3A_337 : vector<16xf32> to vector<16xf32>
      %swap3A_339 = vector.shape_cast %div3A_333 : vector<16xf32> to vector<16xf32>
      tpu.vector_store %arg8[%swap3A_336], %swap3A_339 {strides = array<i32>} : memref<12800xf32, #tpu.memory_space<vmem>>, vector<16xf32>,
      %add3A_340 = arith.constant 80 : i32
      %add3A_341 = arith.addi %mul3A_239, %add3A_340 : i32
      %get3A_342 = arith.index_cast %add3A_341 : i32 to index
      %get3A_343 = tpu.vector_load %arg8[%get3A_342] {strides = array<i32>} : memref<12800xf32, #tpu.memory_space<vmem>>, vector<16xf32>,
      %get3A_344 = vector.shape_cast %get3A_343 : vector<16xf32> to vector<16xf32>
      %neg3A_345 = arith.constant 0.000000e+00 : f32
      %neg3A_346 = vector.broadcast %neg3A_345 : f32 to vector<16xf32>
      %neg3A_347 = arith.subf %neg3A_346, %get3A_344 : vector<16xf32>
      %exp3A_348 = math.exp %neg3A_347 : vector<16xf32>
      %add3A_349 = arith.constant 1.000000e+00 : f32
      %add3A_350 = vector.broadcast %add3A_349 : f32 to vector<16xf32>
      %add3A_351 = arith.addf %add3A_350, %exp3A_348 : vector<16xf32>
      %div3A_352 = arith.constant 1.000000e+00 : f32
      %div3A_353 = vector.broadcast %div3A_352 : f32 to vector<16xf32>
      %div3A_354 = arith.divf %div3A_353, %add3A_351 : vector<16xf32>
      %add3A_355 = arith.constant 80 : i32
      %add3A_356 = arith.addi %mul3A_239, %add3A_355 : i32
      %swap3A_357 = arith.index_cast %add3A_356 : i32 to index
      %swap3A_358 = tpu.vector_load %arg8[%swap3A_357] {strides = array<i32>} : memref<12800xf32, #tpu.memory_space<vmem>>, vector<16xf32>,
      %swap3A_359 = vector.shape_cast %swap3A_358 : vector<16xf32> to vector<16xf32>
      %swap3A_360 = vector.shape_cast %div3A_354 : vector<16xf32> to vector<16xf32>
      tpu.vector_store %arg8[%swap3A_357], %swap3A_360 {strides = array<i32>} : memref<12800xf32, #tpu.memory_space<vmem>>, vector<16xf32>,
      %add3A_361 = arith.constant 96 : i32
      %add3A_362 = arith.addi %mul3A_239, %add3A_361 : i32
      %get3A_363 = arith.index_cast %add3A_362 : i32 to index
      %get3A_364 = tpu.vector_load %arg8[%get3A_363] {strides = array<i32>} : memref<12800xf32, #tpu.memory_space<vmem>>, vector<16xf32>,
      %get3A_365 = vector.shape_cast %get3A_364 : vector<16xf32> to vector<16xf32>
      %neg3A_366 = arith.constant 0.000000e+00 : f32
      %neg3A_367 = vector.broadcast %neg3A_366 : f32 to vector<16xf32>
      %neg3A_368 = arith.subf %neg3A_367, %get3A_365 : vector<16xf32>
      %exp3A_369 = math.exp %neg3A_368 : vector<16xf32>
      %add3A_370 = arith.constant 1.000000e+00 : f32
      %add3A_371 = vector.broadcast %add3A_370 : f32 to vector<16xf32>
      %add3A_372 = arith.addf %add3A_371, %exp3A_369 : vector<16xf32>
      %div3A_373 = arith.constant 1.000000e+00 : f32
      %div3A_374 = vector.broadcast %div3A_373 : f32 to vector<16xf32>
      %div3A_375 = arith.divf %div3A_374, %add3A_372 : vector<16xf32>
      %add3A_376 = arith.constant 96 : i32
      %add3A_377 = arith.addi %mul3A_239, %add3A_376 : i32
      %swap3A_378 = arith.index_cast %add3A_377 : i32 to index
      %swap3A_379 = tpu.vector_load %arg8[%swap3A_378] {strides = array<i32>} : memref<12800xf32, #tpu.memory_space<vmem>>, vector<16xf32>,
      %swap3A_380 = vector.shape_cast %swap3A_379 : vector<16xf32> to vector<16xf32>
      %swap3A_381 = vector.shape_cast %div3A_375 : vector<16xf32> to vector<16xf32>
      tpu.vector_store %arg8[%swap3A_378], %swap3A_381 {strides = array<i32>} : memref<12800xf32, #tpu.memory_space<vmem>>, vector<16xf32>,
      %add3A_382 = arith.constant 112 : i32
      %add3A_383 = arith.addi %mul3A_239, %add3A_382 : i32
      %get3A_384 = arith.index_cast %add3A_383 : i32 to index
      %get3A_385 = tpu.vector_load %arg8[%get3A_384] {strides = array<i32>} : memref<12800xf32, #tpu.memory_space<vmem>>, vector<16xf32>,
      %get3A_386 = vector.shape_cast %get3A_385 : vector<16xf32> to vector<16xf32>
      %neg3A_387 = arith.constant 0.000000e+00 : f32
      %neg3A_388 = vector.broadcast %neg3A_387 : f32 to vector<16xf32>
      %neg3A_389 = arith.subf %neg3A_388, %get3A_386 : vector<16xf32>
      %exp3A_390 = math.exp %neg3A_389 : vector<16xf32>
      %add3A_391 = arith.constant 1.000000e+00 : f32
      %add3A_392 = vector.broadcast %add3A_391 : f32 to vector<16xf32>
      %add3A_393 = arith.addf %add3A_392, %exp3A_390 : vector<16xf32>
      %div3A_394 = arith.constant 1.000000e+00 : f32
      %div3A_395 = vector.broadcast %div3A_394 : f32 to vector<16xf32>
      %div3A_396 = arith.divf %div3A_395, %add3A_393 : vector<16xf32>
      %add3A_397 = arith.constant 112 : i32
      %add3A_398 = arith.addi %mul3A_239, %add3A_397 : i32
      %swap3A_399 = arith.index_cast %add3A_398 : i32 to index
      %swap3A_400 = tpu.vector_load %arg8[%swap3A_399] {strides = array<i32>} : memref<12800xf32, #tpu.memory_space<vmem>>, vector<16xf32>,
      %swap3A_401 = vector.shape_cast %swap3A_400 : vector<16xf32> to vector<16xf32>
      %swap3A_402 = vector.shape_cast %div3A_396 : vector<16xf32> to vector<16xf32>
      tpu.vector_store %arg8[%swap3A_399], %swap3A_402 {strides = array<i32>} : memref<12800xf32, #tpu.memory_space<vmem>>, vector<16xf32>,
      %scan3A_403 = arith.constant 0 : i32
      scf.yield %scan3A_403 : i32
    }
    %scan3A_99 = arith.constant 100 : i32
    %mul3A_100 = arith.constant 102400 : i32
    %mul3A_101 = arith.muli %add3A, %mul3A_100 : i32
    %add3A_102 = arith.constant 25600 : i32
    %add3A_103 = arith.addi %mul3A_101, %add3A_102 : i32
    %multiple_of3A_104 = tpu.assume_multiple %add3A_103, 8 : i32
    %dma_start3A_105 = tpu.memref_slice %arg4[%multiple_of3A_104] : memref<3276800xf32, #tpu.memory_space<hbm>> -> memref<12800xf32, #tpu.memory_space<hbm>>
    %dma_start3A_106 = tpu.memref_slice %arg4[%multiple_of3A_104] : memref<3276800xf32, #tpu.memory_space<hbm>> -> memref<12800xf32, #tpu.memory_space<hbm>>
    tpu.enqueue_dma source(%arg8 : memref<12800xf32, #tpu.memory_space<vmem>>) target(%dma_start3A_106 : memref<12800xf32, #tpu.memory_space<hbm>>) target_semaphore(%arg15 : memref<!tpu.dma_semaphore, #tpu.memory_space<semaphore_mem>>)
    %dma_wait3A_107 = arith.constant 0 : i32
    %dma_wait3A_108 = tpu.memref_slice %arg5[%dma_wait3A_107] : memref<1048576xf32, #tpu.memory_space<vmem_shared>> -> memref<1048576xf32, #tpu.memory_space<vmem_shared>>
    tpu.wait_indirect_dma semaphore(%arg14 : memref<!tpu.dma_semaphore, #tpu.memory_space<semaphore_mem>>) src(%dma_wait3A_108 : memref<1048576xf32, #tpu.memory_space<vmem_shared>>) dst(%arg9 : memref<12800xf32, #tpu.memory_space<vmem>>)
    %mul3A_109 = arith.constant 102400 : i32
    %mul3A_110 = arith.muli %add3A, %mul3A_109 : i32
    %add3A_111 = arith.constant 64000 : i32
    %add3A_112 = arith.addi %mul3A_110, %add3A_111 : i32
    %multiple_of3A_113 = tpu.assume_multiple %add3A_112, 8 : i32
    %dma_start3A_114 = tpu.memref_slice %arg3[%multiple_of3A_113] : memref<3276800xi32, #tpu.memory_space<hbm>> -> memref<12800xi32, #tpu.memory_space<hbm>>
    %dma_start3A_115 = tpu.memref_slice %arg3[%multiple_of3A_113] : memref<3276800xi32, #tpu.memory_space<hbm>> -> memref<12800xi32, #tpu.memory_space<hbm>>
    tpu.enqueue_dma source(%dma_start3A_115 : memref<12800xi32, #tpu.memory_space<hbm>>) target(%arg7 : memref<12800xi32, #tpu.memory_space<vmem>>) target_semaphore(%arg12 : memref<!tpu.dma_semaphore, #tpu.memory_space<semaphore_mem>>)
    %dma_wait3A_116 = tpu.memref_slice %arg4[%multiple_of3A_104] : memref<3276800xf32, #tpu.memory_space<hbm>> -> memref<12800xf32, #tpu.memory_space<hbm>>
    %dma_wait3A_117 = tpu.memref_slice %arg4[%multiple_of3A_104] : memref<3276800xf32, #tpu.memory_space<hbm>> -> memref<12800xf32, #tpu.memory_space<hbm>>
    tpu.wait_dma2 semaphore(%arg15 : memref<!tpu.dma_semaphore, #tpu.memory_space<semaphore_mem>>) src(%arg8 : memref<12800xf32, #tpu.memory_space<vmem>>) dst(%dma_wait3A_117 : memref<12800xf32, #tpu.memory_space<hbm>>)
    %dma_wait3A_118 = tpu.memref_slice %arg3[%multiple_of3A_84] : memref<3276800xi32, #tpu.memory_space<hbm>> -> memref<12800xi32, #tpu.memory_space<hbm>>
    %dma_wait3A_119 = tpu.memref_slice %arg3[%multiple_of3A_84] : memref<3276800xi32, #tpu.memory_space<hbm>> -> memref<12800xi32, #tpu.memory_space<hbm>>
    tpu.wait_dma2 semaphore(%arg11 : memref<!tpu.dma_semaphore, #tpu.memory_space<semaphore_mem>>) src(%dma_wait3A_119 : memref<12800xi32, #tpu.memory_space<hbm>>) dst(%arg6 : memref<12800xi32, #tpu.memory_space<vmem>>)
    %dma_start3A_120 = arith.constant 0 : i32
    %dma_start3A_121 = tpu.memref_slice %arg5[%dma_start3A_120] : memref<1048576xf32, #tpu.memory_space<vmem_shared>> -> memref<1048576xf32, #tpu.memory_space<vmem_shared>>
    tpu.enqueue_indirect_dma source(%dma_start3A_121 : memref<1048576xf32, #tpu.memory_space<vmem_shared>>) target(%arg8 : memref<12800xf32, #tpu.memory_space<vmem>>) offsets(%arg6 : memref<12800xi32, #tpu.memory_space<vmem>>) semaphore(%arg13 : memref<!tpu.dma_semaphore, #tpu.memory_space<semaphore_mem>>)
    %scan3A_122 = arith.constant 0 : i32
    %scan3A_123 = arith.constant 0 : i32
    %scan3A_124 = arith.constant 100 : i32
    %scan3A_125 = arith.addi %scan3A_123, %scan3A_124 : i32
    %scan3A_126 = arith.constant 1 : i32
    %scan3A_127 = scf.for %scan3A_236 = %scan3A_123 to %scan3A_125 step %scan3A_126 iter_args(%scan3A_237 = %scan3A_122) -> (i32)  : i32 {
      %mul3A_238 = arith.constant 128 : i32
      %mul3A_239 = arith.muli %scan3A_236, %mul3A_238 : i32
      %add3A_240 = arith.constant 0 : i32
      %add3A_241 = arith.addi %mul3A_239, %add3A_240 : i32
      %get3A = arith.index_cast %add3A_241 : i32 to index
      %get3A_242 = tpu.vector_load %arg9[%get3A] {strides = array<i32>} : memref<12800xf32, #tpu.memory_space<vmem>>, vector<16xf32>,
      %get3A_243 = vector.shape_cast %get3A_242 : vector<16xf32> to vector<16xf32>
      %neg3A = arith.constant 0.000000e+00 : f32
      %neg3A_244 = vector.broadcast %neg3A : f32 to vector<16xf32>
      %neg3A_245 = arith.subf %neg3A_244, %get3A_243 : vector<16xf32>
      %exp3A = math.exp %neg3A_245 : vector<16xf32>
      %add3A_246 = arith.constant 1.000000e+00 : f32
      %add3A_247 = vector.broadcast %add3A_246 : f32 to vector<16xf32>
      %add3A_248 = arith.addf %add3A_247, %exp3A : vector<16xf32>
      %div3A = arith.constant 1.000000e+00 : f32
      %div3A_249 = vector.broadcast %div3A : f32 to vector<16xf32>
      %div3A_250 = arith.divf %div3A_249, %add3A_248 : vector<16xf32>
      %add3A_251 = arith.constant 0 : i32
      %add3A_252 = arith.addi %mul3A_239, %add3A_251 : i32
      %swap3A = arith.index_cast %add3A_252 : i32 to index
      %swap3A_253 = tpu.vector_load %arg9[%swap3A] {strides = array<i32>} : memref<12800xf32, #tpu.memory_space<vmem>>, vector<16xf32>,
      %swap3A_254 = vector.shape_cast %swap3A_253 : vector<16xf32> to vector<16xf32>
      %swap3A_255 = vector.shape_cast %div3A_250 : vector<16xf32> to vector<16xf32>
      tpu.vector_store %arg9[%swap3A], %swap3A_255 {strides = array<i32>} : memref<12800xf32, #tpu.memory_space<vmem>>, vector<16xf32>,
      %add3A_256 = arith.constant 16 : i32
      %add3A_257 = arith.addi %mul3A_239, %add3A_256 : i32
      %get3A_258 = arith.index_cast %add3A_257 : i32 to index
      %get3A_259 = tpu.vector_load %arg9[%get3A_258] {strides = array<i32>} : memref<12800xf32, #tpu.memory_space<vmem>>, vector<16xf32>,
      %get3A_260 = vector.shape_cast %get3A_259 : vector<16xf32> to vector<16xf32>
      %neg3A_261 = arith.constant 0.000000e+00 : f32
      %neg3A_262 = vector.broadcast %neg3A_261 : f32 to vector<16xf32>
      %neg3A_263 = arith.subf %neg3A_262, %get3A_260 : vector<16xf32>
      %exp3A_264 = math.exp %neg3A_263 : vector<16xf32>
      %add3A_265 = arith.constant 1.000000e+00 : f32
      %add3A_266 = vector.broadcast %add3A_265 : f32 to vector<16xf32>
      %add3A_267 = arith.addf %add3A_266, %exp3A_264 : vector<16xf32>
      %div3A_268 = arith.constant 1.000000e+00 : f32
      %div3A_269 = vector.broadcast %div3A_268 : f32 to vector<16xf32>
      %div3A_270 = arith.divf %div3A_269, %add3A_267 : vector<16xf32>
      %add3A_271 = arith.constant 16 : i32
      %add3A_272 = arith.addi %mul3A_239, %add3A_271 : i32
      %swap3A_273 = arith.index_cast %add3A_272 : i32 to index
      %swap3A_274 = tpu.vector_load %arg9[%swap3A_273] {strides = array<i32>} : memref<12800xf32, #tpu.memory_space<vmem>>, vector<16xf32>,
      %swap3A_275 = vector.shape_cast %swap3A_274 : vector<16xf32> to vector<16xf32>
      %swap3A_276 = vector.shape_cast %div3A_270 : vector<16xf32> to vector<16xf32>
      tpu.vector_store %arg9[%swap3A_273], %swap3A_276 {strides = array<i32>} : memref<12800xf32, #tpu.memory_space<vmem>>, vector<16xf32>,
      %add3A_277 = arith.constant 32 : i32
      %add3A_278 = arith.addi %mul3A_239, %add3A_277 : i32
      %get3A_279 = arith.index_cast %add3A_278 : i32 to index
      %get3A_280 = tpu.vector_load %arg9[%get3A_279] {strides = array<i32>} : memref<12800xf32, #tpu.memory_space<vmem>>, vector<16xf32>,
      %get3A_281 = vector.shape_cast %get3A_280 : vector<16xf32> to vector<16xf32>
      %neg3A_282 = arith.constant 0.000000e+00 : f32
      %neg3A_283 = vector.broadcast %neg3A_282 : f32 to vector<16xf32>
      %neg3A_284 = arith.subf %neg3A_283, %get3A_281 : vector<16xf32>
      %exp3A_285 = math.exp %neg3A_284 : vector<16xf32>
      %add3A_286 = arith.constant 1.000000e+00 : f32
      %add3A_287 = vector.broadcast %add3A_286 : f32 to vector<16xf32>
      %add3A_288 = arith.addf %add3A_287, %exp3A_285 : vector<16xf32>
      %div3A_289 = arith.constant 1.000000e+00 : f32
      %div3A_290 = vector.broadcast %div3A_289 : f32 to vector<16xf32>
      %div3A_291 = arith.divf %div3A_290, %add3A_288 : vector<16xf32>
      %add3A_292 = arith.constant 32 : i32
      %add3A_293 = arith.addi %mul3A_239, %add3A_292 : i32
      %swap3A_294 = arith.index_cast %add3A_293 : i32 to index
      %swap3A_295 = tpu.vector_load %arg9[%swap3A_294] {strides = array<i32>} : memref<12800xf32, #tpu.memory_space<vmem>>, vector<16xf32>,
      %swap3A_296 = vector.shape_cast %swap3A_295 : vector<16xf32> to vector<16xf32>
      %swap3A_297 = vector.shape_cast %div3A_291 : vector<16xf32> to vector<16xf32>
      tpu.vector_store %arg9[%swap3A_294], %swap3A_297 {strides = array<i32>} : memref<12800xf32, #tpu.memory_space<vmem>>, vector<16xf32>,
      %add3A_298 = arith.constant 48 : i32
      %add3A_299 = arith.addi %mul3A_239, %add3A_298 : i32
      %get3A_300 = arith.index_cast %add3A_299 : i32 to index
      %get3A_301 = tpu.vector_load %arg9[%get3A_300] {strides = array<i32>} : memref<12800xf32, #tpu.memory_space<vmem>>, vector<16xf32>,
      %get3A_302 = vector.shape_cast %get3A_301 : vector<16xf32> to vector<16xf32>
      %neg3A_303 = arith.constant 0.000000e+00 : f32
      %neg3A_304 = vector.broadcast %neg3A_303 : f32 to vector<16xf32>
      %neg3A_305 = arith.subf %neg3A_304, %get3A_302 : vector<16xf32>
      %exp3A_306 = math.exp %neg3A_305 : vector<16xf32>
      %add3A_307 = arith.constant 1.000000e+00 : f32
      %add3A_308 = vector.broadcast %add3A_307 : f32 to vector<16xf32>
      %add3A_309 = arith.addf %add3A_308, %exp3A_306 : vector<16xf32>
      %div3A_310 = arith.constant 1.000000e+00 : f32
      %div3A_311 = vector.broadcast %div3A_310 : f32 to vector<16xf32>
      %div3A_312 = arith.divf %div3A_311, %add3A_309 : vector<16xf32>
      %add3A_313 = arith.constant 48 : i32
      %add3A_314 = arith.addi %mul3A_239, %add3A_313 : i32
      %swap3A_315 = arith.index_cast %add3A_314 : i32 to index
      %swap3A_316 = tpu.vector_load %arg9[%swap3A_315] {strides = array<i32>} : memref<12800xf32, #tpu.memory_space<vmem>>, vector<16xf32>,
      %swap3A_317 = vector.shape_cast %swap3A_316 : vector<16xf32> to vector<16xf32>
      %swap3A_318 = vector.shape_cast %div3A_312 : vector<16xf32> to vector<16xf32>
      tpu.vector_store %arg9[%swap3A_315], %swap3A_318 {strides = array<i32>} : memref<12800xf32, #tpu.memory_space<vmem>>, vector<16xf32>,
      %add3A_319 = arith.constant 64 : i32
      %add3A_320 = arith.addi %mul3A_239, %add3A_319 : i32
      %get3A_321 = arith.index_cast %add3A_320 : i32 to index
      %get3A_322 = tpu.vector_load %arg9[%get3A_321] {strides = array<i32>} : memref<12800xf32, #tpu.memory_space<vmem>>, vector<16xf32>,
      %get3A_323 = vector.shape_cast %get3A_322 : vector<16xf32> to vector<16xf32>
      %neg3A_324 = arith.constant 0.000000e+00 : f32
      %neg3A_325 = vector.broadcast %neg3A_324 : f32 to vector<16xf32>
      %neg3A_326 = arith.subf %neg3A_325, %get3A_323 : vector<16xf32>
      %exp3A_327 = math.exp %neg3A_326 : vector<16xf32>
      %add3A_328 = arith.constant 1.000000e+00 : f32
      %add3A_329 = vector.broadcast %add3A_328 : f32 to vector<16xf32>
      %add3A_330 = arith.addf %add3A_329, %exp3A_327 : vector<16xf32>
      %div3A_331 = arith.constant 1.000000e+00 : f32
      %div3A_332 = vector.broadcast %div3A_331 : f32 to vector<16xf32>
      %div3A_333 = arith.divf %div3A_332, %add3A_330 : vector<16xf32>
      %add3A_334 = arith.constant 64 : i32
      %add3A_335 = arith.addi %mul3A_239, %add3A_334 : i32
      %swap3A_336 = arith.index_cast %add3A_335 : i32 to index
      %swap3A_337 = tpu.vector_load %arg9[%swap3A_336] {strides = array<i32>} : memref<12800xf32, #tpu.memory_space<vmem>>, vector<16xf32>,
      %swap3A_338 = vector.shape_cast %swap3A_337 : vector<16xf32> to vector<16xf32>
      %swap3A_339 = vector.shape_cast %div3A_333 : vector<16xf32> to vector<16xf32>
      tpu.vector_store %arg9[%swap3A_336], %swap3A_339 {strides = array<i32>} : memref<12800xf32, #tpu.memory_space<vmem>>, vector<16xf32>,
      %add3A_340 = arith.constant 80 : i32
      %add3A_341 = arith.addi %mul3A_239, %add3A_340 : i32
      %get3A_342 = arith.index_cast %add3A_341 : i32 to index
      %get3A_343 = tpu.vector_load %arg9[%get3A_342] {strides = array<i32>} : memref<12800xf32, #tpu.memory_space<vmem>>, vector<16xf32>,
      %get3A_344 = vector.shape_cast %get3A_343 : vector<16xf32> to vector<16xf32>
      %neg3A_345 = arith.constant 0.000000e+00 : f32
      %neg3A_346 = vector.broadcast %neg3A_345 : f32 to vector<16xf32>
      %neg3A_347 = arith.subf %neg3A_346, %get3A_344 : vector<16xf32>
      %exp3A_348 = math.exp %neg3A_347 : vector<16xf32>
      %add3A_349 = arith.constant 1.000000e+00 : f32
      %add3A_350 = vector.broadcast %add3A_349 : f32 to vector<16xf32>
      %add3A_351 = arith.addf %add3A_350, %exp3A_348 : vector<16xf32>
      %div3A_352 = arith.constant 1.000000e+00 : f32
      %div3A_353 = vector.broadcast %div3A_352 : f32 to vector<16xf32>
      %div3A_354 = arith.divf %div3A_353, %add3A_351 : vector<16xf32>
      %add3A_355 = arith.constant 80 : i32
      %add3A_356 = arith.addi %mul3A_239, %add3A_355 : i32
      %swap3A_357 = arith.index_cast %add3A_356 : i32 to index
      %swap3A_358 = tpu.vector_load %arg9[%swap3A_357] {strides = array<i32>} : memref<12800xf32, #tpu.memory_space<vmem>>, vector<16xf32>,
      %swap3A_359 = vector.shape_cast %swap3A_358 : vector<16xf32> to vector<16xf32>
      %swap3A_360 = vector.shape_cast %div3A_354 : vector<16xf32> to vector<16xf32>
      tpu.vector_store %arg9[%swap3A_357], %swap3A_360 {strides = array<i32>} : memref<12800xf32, #tpu.memory_space<vmem>>, vector<16xf32>,
      %add3A_361 = arith.constant 96 : i32
      %add3A_362 = arith.addi %mul3A_239, %add3A_361 : i32
      %get3A_363 = arith.index_cast %add3A_362 : i32 to index
      %get3A_364 = tpu.vector_load %arg9[%get3A_363] {strides = array<i32>} : memref<12800xf32, #tpu.memory_space<vmem>>, vector<16xf32>,
      %get3A_365 = vector.shape_cast %get3A_364 : vector<16xf32> to vector<16xf32>
      %neg3A_366 = arith.constant 0.000000e+00 : f32
      %neg3A_367 = vector.broadcast %neg3A_366 : f32 to vector<16xf32>
      %neg3A_368 = arith.subf %neg3A_367, %get3A_365 : vector<16xf32>
      %exp3A_369 = math.exp %neg3A_368 : vector<16xf32>
      %add3A_370 = arith.constant 1.000000e+00 : f32
      %add3A_371 = vector.broadcast %add3A_370 : f32 to vector<16xf32>
      %add3A_372 = arith.addf %add3A_371, %exp3A_369 : vector<16xf32>
      %div3A_373 = arith.constant 1.000000e+00 : f32
      %div3A_374 = vector.broadcast %div3A_373 : f32 to vector<16xf32>
      %div3A_375 = arith.divf %div3A_374, %add3A_372 : vector<16xf32>
      %add3A_376 = arith.constant 96 : i32
      %add3A_377 = arith.addi %mul3A_239, %add3A_376 : i32
      %swap3A_378 = arith.index_cast %add3A_377 : i32 to index
      %swap3A_379 = tpu.vector_load %arg9[%swap3A_378] {strides = array<i32>} : memref<12800xf32, #tpu.memory_space<vmem>>, vector<16xf32>,
      %swap3A_380 = vector.shape_cast %swap3A_379 : vector<16xf32> to vector<16xf32>
      %swap3A_381 = vector.shape_cast %div3A_375 : vector<16xf32> to vector<16xf32>
      tpu.vector_store %arg9[%swap3A_378], %swap3A_381 {strides = array<i32>} : memref<12800xf32, #tpu.memory_space<vmem>>, vector<16xf32>,
      %add3A_382 = arith.constant 112 : i32
      %add3A_383 = arith.addi %mul3A_239, %add3A_382 : i32
      %get3A_384 = arith.index_cast %add3A_383 : i32 to index
      %get3A_385 = tpu.vector_load %arg9[%get3A_384] {strides = array<i32>} : memref<12800xf32, #tpu.memory_space<vmem>>, vector<16xf32>,
      %get3A_386 = vector.shape_cast %get3A_385 : vector<16xf32> to vector<16xf32>
      %neg3A_387 = arith.constant 0.000000e+00 : f32
      %neg3A_388 = vector.broadcast %neg3A_387 : f32 to vector<16xf32>
      %neg3A_389 = arith.subf %neg3A_388, %get3A_386 : vector<16xf32>
      %exp3A_390 = math.exp %neg3A_389 : vector<16xf32>
      %add3A_391 = arith.constant 1.000000e+00 : f32
      %add3A_392 = vector.broadcast %add3A_391 : f32 to vector<16xf32>
      %add3A_393 = arith.addf %add3A_392, %exp3A_390 : vector<16xf32>
      %div3A_394 = arith.constant 1.000000e+00 : f32
      %div3A_395 = vector.broadcast %div3A_394 : f32 to vector<16xf32>
      %div3A_396 = arith.divf %div3A_395, %add3A_393 : vector<16xf32>
      %add3A_397 = arith.constant 112 : i32
      %add3A_398 = arith.addi %mul3A_239, %add3A_397 : i32
      %swap3A_399 = arith.index_cast %add3A_398 : i32 to index
      %swap3A_400 = tpu.vector_load %arg9[%swap3A_399] {strides = array<i32>} : memref<12800xf32, #tpu.memory_space<vmem>>, vector<16xf32>,
      %swap3A_401 = vector.shape_cast %swap3A_400 : vector<16xf32> to vector<16xf32>
      %swap3A_402 = vector.shape_cast %div3A_396 : vector<16xf32> to vector<16xf32>
      tpu.vector_store %arg9[%swap3A_399], %swap3A_402 {strides = array<i32>} : memref<12800xf32, #tpu.memory_space<vmem>>, vector<16xf32>,
      %scan3A_403 = arith.constant 0 : i32
      scf.yield %scan3A_403 : i32
    }
    %scan3A_128 = arith.constant 100 : i32
    %mul3A_129 = arith.constant 102400 : i32
    %mul3A_130 = arith.muli %add3A, %mul3A_129 : i32
    %add3A_131 = arith.constant 38400 : i32
    %add3A_132 = arith.addi %mul3A_130, %add3A_131 : i32
    %multiple_of3A_133 = tpu.assume_multiple %add3A_132, 8 : i32
    %dma_start3A_134 = tpu.memref_slice %arg4[%multiple_of3A_133] : memref<3276800xf32, #tpu.memory_space<hbm>> -> memref<12800xf32, #tpu.memory_space<hbm>>
    %dma_start3A_135 = tpu.memref_slice %arg4[%multiple_of3A_133] : memref<3276800xf32, #tpu.memory_space<hbm>> -> memref<12800xf32, #tpu.memory_space<hbm>>
    tpu.enqueue_dma source(%arg9 : memref<12800xf32, #tpu.memory_space<vmem>>) target(%dma_start3A_135 : memref<12800xf32, #tpu.memory_space<hbm>>) target_semaphore(%arg16 : memref<!tpu.dma_semaphore, #tpu.memory_space<semaphore_mem>>)
    %dma_wait3A_136 = arith.constant 0 : i32
    %dma_wait3A_137 = tpu.memref_slice %arg5[%dma_wait3A_136] : memref<1048576xf32, #tpu.memory_space<vmem_shared>> -> memref<1048576xf32, #tpu.memory_space<vmem_shared>>
    tpu.wait_indirect_dma semaphore(%arg13 : memref<!tpu.dma_semaphore, #tpu.memory_space<semaphore_mem>>) src(%dma_wait3A_137 : memref<1048576xf32, #tpu.memory_space<vmem_shared>>) dst(%arg8 : memref<12800xf32, #tpu.memory_space<vmem>>)
    %mul3A_138 = arith.constant 102400 : i32
    %mul3A_139 = arith.muli %add3A, %mul3A_138 : i32
    %add3A_140 = arith.constant 76800 : i32
    %add3A_141 = arith.addi %mul3A_139, %add3A_140 : i32
    %multiple_of3A_142 = tpu.assume_multiple %add3A_141, 8 : i32
    %dma_start3A_143 = tpu.memref_slice %arg3[%multiple_of3A_142] : memref<3276800xi32, #tpu.memory_space<hbm>> -> memref<12800xi32, #tpu.memory_space<hbm>>
    %dma_start3A_144 = tpu.memref_slice %arg3[%multiple_of3A_142] : memref<3276800xi32, #tpu.memory_space<hbm>> -> memref<12800xi32, #tpu.memory_space<hbm>>
    tpu.enqueue_dma source(%dma_start3A_144 : memref<12800xi32, #tpu.memory_space<hbm>>) target(%arg6 : memref<12800xi32, #tpu.memory_space<vmem>>) target_semaphore(%arg11 : memref<!tpu.dma_semaphore, #tpu.memory_space<semaphore_mem>>)
    %dma_wait3A_145 = tpu.memref_slice %arg4[%multiple_of3A_133] : memref<3276800xf32, #tpu.memory_space<hbm>> -> memref<12800xf32, #tpu.memory_space<hbm>>
    %dma_wait3A_146 = tpu.memref_slice %arg4[%multiple_of3A_133] : memref<3276800xf32, #tpu.memory_space<hbm>> -> memref<12800xf32, #tpu.memory_space<hbm>>
    tpu.wait_dma2 semaphore(%arg16 : memref<!tpu.dma_semaphore, #tpu.memory_space<semaphore_mem>>) src(%arg9 : memref<12800xf32, #tpu.memory_space<vmem>>) dst(%dma_wait3A_146 : memref<12800xf32, #tpu.memory_space<hbm>>)
    %dma_wait3A_147 = tpu.memref_slice %arg3[%multiple_of3A_113] : memref<3276800xi32, #tpu.memory_space<hbm>> -> memref<12800xi32, #tpu.memory_space<hbm>>
    %dma_wait3A_148 = tpu.memref_slice %arg3[%multiple_of3A_113] : memref<3276800xi32, #tpu.memory_space<hbm>> -> memref<12800xi32, #tpu.memory_space<hbm>>
    tpu.wait_dma2 semaphore(%arg12 : memref<!tpu.dma_semaphore, #tpu.memory_space<semaphore_mem>>) src(%dma_wait3A_148 : memref<12800xi32, #tpu.memory_space<hbm>>) dst(%arg7 : memref<12800xi32, #tpu.memory_space<vmem>>)
    %dma_start3A_149 = arith.constant 0 : i32
    %dma_start3A_150 = tpu.memref_slice %arg5[%dma_start3A_149] : memref<1048576xf32, #tpu.memory_space<vmem_shared>> -> memref<1048576xf32, #tpu.memory_space<vmem_shared>>
    tpu.enqueue_indirect_dma source(%dma_start3A_150 : memref<1048576xf32, #tpu.memory_space<vmem_shared>>) target(%arg9 : memref<12800xf32, #tpu.memory_space<vmem>>) offsets(%arg7 : memref<12800xi32, #tpu.memory_space<vmem>>) semaphore(%arg14 : memref<!tpu.dma_semaphore, #tpu.memory_space<semaphore_mem>>)
    %scan3A_151 = arith.constant 0 : i32
    %scan3A_152 = arith.constant 0 : i32
    %scan3A_153 = arith.constant 100 : i32
    %scan3A_154 = arith.addi %scan3A_152, %scan3A_153 : i32
    %scan3A_155 = arith.constant 1 : i32
    %scan3A_156 = scf.for %scan3A_236 = %scan3A_152 to %scan3A_154 step %scan3A_155 iter_args(%scan3A_237 = %scan3A_151) -> (i32)  : i32 {
      %mul3A_238 = arith.constant 128 : i32
      %mul3A_239 = arith.muli %scan3A_236, %mul3A_238 : i32
      %add3A_240 = arith.constant 0 : i32
      %add3A_241 = arith.addi %mul3A_239, %add3A_240 : i32
      %get3A = arith.index_cast %add3A_241 : i32 to index
      %get3A_242 = tpu.vector_load %arg8[%get3A] {strides = array<i32>} : memref<12800xf32, #tpu.memory_space<vmem>>, vector<16xf32>,
      %get3A_243 = vector.shape_cast %get3A_242 : vector<16xf32> to vector<16xf32>
      %neg3A = arith.constant 0.000000e+00 : f32
      %neg3A_244 = vector.broadcast %neg3A : f32 to vector<16xf32>
      %neg3A_245 = arith.subf %neg3A_244, %get3A_243 : vector<16xf32>
      %exp3A = math.exp %neg3A_245 : vector<16xf32>
      %add3A_246 = arith.constant 1.000000e+00 : f32
      %add3A_247 = vector.broadcast %add3A_246 : f32 to vector<16xf32>
      %add3A_248 = arith.addf %add3A_247, %exp3A : vector<16xf32>
      %div3A = arith.constant 1.000000e+00 : f32
      %div3A_249 = vector.broadcast %div3A : f32 to vector<16xf32>
      %div3A_250 = arith.divf %div3A_249, %add3A_248 : vector<16xf32>
      %add3A_251 = arith.constant 0 : i32
      %add3A_252 = arith.addi %mul3A_239, %add3A_251 : i32
      %swap3A = arith.index_cast %add3A_252 : i32 to index
      %swap3A_253 = tpu.vector_load %arg8[%swap3A] {strides = array<i32>} : memref<12800xf32, #tpu.memory_space<vmem>>, vector<16xf32>,
      %swap3A_254 = vector.shape_cast %swap3A_253 : vector<16xf32> to vector<16xf32>
      %swap3A_255 = vector.shape_cast %div3A_250 : vector<16xf32> to vector<16xf32>
      tpu.vector_store %arg8[%swap3A], %swap3A_255 {strides = array<i32>} : memref<12800xf32, #tpu.memory_space<vmem>>, vector<16xf32>,
      %add3A_256 = arith.constant 16 : i32
      %add3A_257 = arith.addi %mul3A_239, %add3A_256 : i32
      %get3A_258 = arith.index_cast %add3A_257 : i32 to index
      %get3A_259 = tpu.vector_load %arg8[%get3A_258] {strides = array<i32>} : memref<12800xf32, #tpu.memory_space<vmem>>, vector<16xf32>,
      %get3A_260 = vector.shape_cast %get3A_259 : vector<16xf32> to vector<16xf32>
      %neg3A_261 = arith.constant 0.000000e+00 : f32
      %neg3A_262 = vector.broadcast %neg3A_261 : f32 to vector<16xf32>
      %neg3A_263 = arith.subf %neg3A_262, %get3A_260 : vector<16xf32>
      %exp3A_264 = math.exp %neg3A_263 : vector<16xf32>
      %add3A_265 = arith.constant 1.000000e+00 : f32
      %add3A_266 = vector.broadcast %add3A_265 : f32 to vector<16xf32>
      %add3A_267 = arith.addf %add3A_266, %exp3A_264 : vector<16xf32>
      %div3A_268 = arith.constant 1.000000e+00 : f32
      %div3A_269 = vector.broadcast %div3A_268 : f32 to vector<16xf32>
      %div3A_270 = arith.divf %div3A_269, %add3A_267 : vector<16xf32>
      %add3A_271 = arith.constant 16 : i32
      %add3A_272 = arith.addi %mul3A_239, %add3A_271 : i32
      %swap3A_273 = arith.index_cast %add3A_272 : i32 to index
      %swap3A_274 = tpu.vector_load %arg8[%swap3A_273] {strides = array<i32>} : memref<12800xf32, #tpu.memory_space<vmem>>, vector<16xf32>,
      %swap3A_275 = vector.shape_cast %swap3A_274 : vector<16xf32> to vector<16xf32>
      %swap3A_276 = vector.shape_cast %div3A_270 : vector<16xf32> to vector<16xf32>
      tpu.vector_store %arg8[%swap3A_273], %swap3A_276 {strides = array<i32>} : memref<12800xf32, #tpu.memory_space<vmem>>, vector<16xf32>,
      %add3A_277 = arith.constant 32 : i32
      %add3A_278 = arith.addi %mul3A_239, %add3A_277 : i32
      %get3A_279 = arith.index_cast %add3A_278 : i32 to index
      %get3A_280 = tpu.vector_load %arg8[%get3A_279] {strides = array<i32>} : memref<12800xf32, #tpu.memory_space<vmem>>, vector<16xf32>,
      %get3A_281 = vector.shape_cast %get3A_280 : vector<16xf32> to vector<16xf32>
      %neg3A_282 = arith.constant 0.000000e+00 : f32
      %neg3A_283 = vector.broadcast %neg3A_282 : f32 to vector<16xf32>
      %neg3A_284 = arith.subf %neg3A_283, %get3A_281 : vector<16xf32>
      %exp3A_285 = math.exp %neg3A_284 : vector<16xf32>
      %add3A_286 = arith.constant 1.000000e+00 : f32
      %add3A_287 = vector.broadcast %add3A_286 : f32 to vector<16xf32>
      %add3A_288 = arith.addf %add3A_287, %exp3A_285 : vector<16xf32>
      %div3A_289 = arith.constant 1.000000e+00 : f32
      %div3A_290 = vector.broadcast %div3A_289 : f32 to vector<16xf32>
      %div3A_291 = arith.divf %div3A_290, %add3A_288 : vector<16xf32>
      %add3A_292 = arith.constant 32 : i32
      %add3A_293 = arith.addi %mul3A_239, %add3A_292 : i32
      %swap3A_294 = arith.index_cast %add3A_293 : i32 to index
      %swap3A_295 = tpu.vector_load %arg8[%swap3A_294] {strides = array<i32>} : memref<12800xf32, #tpu.memory_space<vmem>>, vector<16xf32>,
      %swap3A_296 = vector.shape_cast %swap3A_295 : vector<16xf32> to vector<16xf32>
      %swap3A_297 = vector.shape_cast %div3A_291 : vector<16xf32> to vector<16xf32>
      tpu.vector_store %arg8[%swap3A_294], %swap3A_297 {strides = array<i32>} : memref<12800xf32, #tpu.memory_space<vmem>>, vector<16xf32>,
      %add3A_298 = arith.constant 48 : i32
      %add3A_299 = arith.addi %mul3A_239, %add3A_298 : i32
      %get3A_300 = arith.index_cast %add3A_299 : i32 to index
      %get3A_301 = tpu.vector_load %arg8[%get3A_300] {strides = array<i32>} : memref<12800xf32, #tpu.memory_space<vmem>>, vector<16xf32>,
      %get3A_302 = vector.shape_cast %get3A_301 : vector<16xf32> to vector<16xf32>
      %neg3A_303 = arith.constant 0.000000e+00 : f32
      %neg3A_304 = vector.broadcast %neg3A_303 : f32 to vector<16xf32>
      %neg3A_305 = arith.subf %neg3A_304, %get3A_302 : vector<16xf32>
      %exp3A_306 = math.exp %neg3A_305 : vector<16xf32>
      %add3A_307 = arith.constant 1.000000e+00 : f32
      %add3A_308 = vector.broadcast %add3A_307 : f32 to vector<16xf32>
      %add3A_309 = arith.addf %add3A_308, %exp3A_306 : vector<16xf32>
      %div3A_310 = arith.constant 1.000000e+00 : f32
      %div3A_311 = vector.broadcast %div3A_310 : f32 to vector<16xf32>
      %div3A_312 = arith.divf %div3A_311, %add3A_309 : vector<16xf32>
      %add3A_313 = arith.constant 48 : i32
      %add3A_314 = arith.addi %mul3A_239, %add3A_313 : i32
      %swap3A_315 = arith.index_cast %add3A_314 : i32 to index
      %swap3A_316 = tpu.vector_load %arg8[%swap3A_315] {strides = array<i32>} : memref<12800xf32, #tpu.memory_space<vmem>>, vector<16xf32>,
      %swap3A_317 = vector.shape_cast %swap3A_316 : vector<16xf32> to vector<16xf32>
      %swap3A_318 = vector.shape_cast %div3A_312 : vector<16xf32> to vector<16xf32>
      tpu.vector_store %arg8[%swap3A_315], %swap3A_318 {strides = array<i32>} : memref<12800xf32, #tpu.memory_space<vmem>>, vector<16xf32>,
      %add3A_319 = arith.constant 64 : i32
      %add3A_320 = arith.addi %mul3A_239, %add3A_319 : i32
      %get3A_321 = arith.index_cast %add3A_320 : i32 to index
      %get3A_322 = tpu.vector_load %arg8[%get3A_321] {strides = array<i32>} : memref<12800xf32, #tpu.memory_space<vmem>>, vector<16xf32>,
      %get3A_323 = vector.shape_cast %get3A_322 : vector<16xf32> to vector<16xf32>
      %neg3A_324 = arith.constant 0.000000e+00 : f32
      %neg3A_325 = vector.broadcast %neg3A_324 : f32 to vector<16xf32>
      %neg3A_326 = arith.subf %neg3A_325, %get3A_323 : vector<16xf32>
      %exp3A_327 = math.exp %neg3A_326 : vector<16xf32>
      %add3A_328 = arith.constant 1.000000e+00 : f32
      %add3A_329 = vector.broadcast %add3A_328 : f32 to vector<16xf32>
      %add3A_330 = arith.addf %add3A_329, %exp3A_327 : vector<16xf32>
      %div3A_331 = arith.constant 1.000000e+00 : f32
      %div3A_332 = vector.broadcast %div3A_331 : f32 to vector<16xf32>
      %div3A_333 = arith.divf %div3A_332, %add3A_330 : vector<16xf32>
      %add3A_334 = arith.constant 64 : i32
      %add3A_335 = arith.addi %mul3A_239, %add3A_334 : i32
      %swap3A_336 = arith.index_cast %add3A_335 : i32 to index
      %swap3A_337 = tpu.vector_load %arg8[%swap3A_336] {strides = array<i32>} : memref<12800xf32, #tpu.memory_space<vmem>>, vector<16xf32>,
      %swap3A_338 = vector.shape_cast %swap3A_337 : vector<16xf32> to vector<16xf32>
      %swap3A_339 = vector.shape_cast %div3A_333 : vector<16xf32> to vector<16xf32>
      tpu.vector_store %arg8[%swap3A_336], %swap3A_339 {strides = array<i32>} : memref<12800xf32, #tpu.memory_space<vmem>>, vector<16xf32>,
      %add3A_340 = arith.constant 80 : i32
      %add3A_341 = arith.addi %mul3A_239, %add3A_340 : i32
      %get3A_342 = arith.index_cast %add3A_341 : i32 to index
      %get3A_343 = tpu.vector_load %arg8[%get3A_342] {strides = array<i32>} : memref<12800xf32, #tpu.memory_space<vmem>>, vector<16xf32>,
      %get3A_344 = vector.shape_cast %get3A_343 : vector<16xf32> to vector<16xf32>
      %neg3A_345 = arith.constant 0.000000e+00 : f32
      %neg3A_346 = vector.broadcast %neg3A_345 : f32 to vector<16xf32>
      %neg3A_347 = arith.subf %neg3A_346, %get3A_344 : vector<16xf32>
      %exp3A_348 = math.exp %neg3A_347 : vector<16xf32>
      %add3A_349 = arith.constant 1.000000e+00 : f32
      %add3A_350 = vector.broadcast %add3A_349 : f32 to vector<16xf32>
      %add3A_351 = arith.addf %add3A_350, %exp3A_348 : vector<16xf32>
      %div3A_352 = arith.constant 1.000000e+00 : f32
      %div3A_353 = vector.broadcast %div3A_352 : f32 to vector<16xf32>
      %div3A_354 = arith.divf %div3A_353, %add3A_351 : vector<16xf32>
      %add3A_355 = arith.constant 80 : i32
      %add3A_356 = arith.addi %mul3A_239, %add3A_355 : i32
      %swap3A_357 = arith.index_cast %add3A_356 : i32 to index
      %swap3A_358 = tpu.vector_load %arg8[%swap3A_357] {strides = array<i32>} : memref<12800xf32, #tpu.memory_space<vmem>>, vector<16xf32>,
      %swap3A_359 = vector.shape_cast %swap3A_358 : vector<16xf32> to vector<16xf32>
      %swap3A_360 = vector.shape_cast %div3A_354 : vector<16xf32> to vector<16xf32>
      tpu.vector_store %arg8[%swap3A_357], %swap3A_360 {strides = array<i32>} : memref<12800xf32, #tpu.memory_space<vmem>>, vector<16xf32>,
      %add3A_361 = arith.constant 96 : i32
      %add3A_362 = arith.addi %mul3A_239, %add3A_361 : i32
      %get3A_363 = arith.index_cast %add3A_362 : i32 to index
      %get3A_364 = tpu.vector_load %arg8[%get3A_363] {strides = array<i32>} : memref<12800xf32, #tpu.memory_space<vmem>>, vector<16xf32>,
      %get3A_365 = vector.shape_cast %get3A_364 : vector<16xf32> to vector<16xf32>
      %neg3A_366 = arith.constant 0.000000e+00 : f32
      %neg3A_367 = vector.broadcast %neg3A_366 : f32 to vector<16xf32>
      %neg3A_368 = arith.subf %neg3A_367, %get3A_365 : vector<16xf32>
      %exp3A_369 = math.exp %neg3A_368 : vector<16xf32>
      %add3A_370 = arith.constant 1.000000e+00 : f32
      %add3A_371 = vector.broadcast %add3A_370 : f32 to vector<16xf32>
      %add3A_372 = arith.addf %add3A_371, %exp3A_369 : vector<16xf32>
      %div3A_373 = arith.constant 1.000000e+00 : f32
      %div3A_374 = vector.broadcast %div3A_373 : f32 to vector<16xf32>
      %div3A_375 = arith.divf %div3A_374, %add3A_372 : vector<16xf32>
      %add3A_376 = arith.constant 96 : i32
      %add3A_377 = arith.addi %mul3A_239, %add3A_376 : i32
      %swap3A_378 = arith.index_cast %add3A_377 : i32 to index
      %swap3A_379 = tpu.vector_load %arg8[%swap3A_378] {strides = array<i32>} : memref<12800xf32, #tpu.memory_space<vmem>>, vector<16xf32>,
      %swap3A_380 = vector.shape_cast %swap3A_379 : vector<16xf32> to vector<16xf32>
      %swap3A_381 = vector.shape_cast %div3A_375 : vector<16xf32> to vector<16xf32>
      tpu.vector_store %arg8[%swap3A_378], %swap3A_381 {strides = array<i32>} : memref<12800xf32, #tpu.memory_space<vmem>>, vector<16xf32>,
      %add3A_382 = arith.constant 112 : i32
      %add3A_383 = arith.addi %mul3A_239, %add3A_382 : i32
      %get3A_384 = arith.index_cast %add3A_383 : i32 to index
      %get3A_385 = tpu.vector_load %arg8[%get3A_384] {strides = array<i32>} : memref<12800xf32, #tpu.memory_space<vmem>>, vector<16xf32>,
      %get3A_386 = vector.shape_cast %get3A_385 : vector<16xf32> to vector<16xf32>
      %neg3A_387 = arith.constant 0.000000e+00 : f32
      %neg3A_388 = vector.broadcast %neg3A_387 : f32 to vector<16xf32>
      %neg3A_389 = arith.subf %neg3A_388, %get3A_386 : vector<16xf32>
      %exp3A_390 = math.exp %neg3A_389 : vector<16xf32>
      %add3A_391 = arith.constant 1.000000e+00 : f32
      %add3A_392 = vector.broadcast %add3A_391 : f32 to vector<16xf32>
      %add3A_393 = arith.addf %add3A_392, %exp3A_390 : vector<16xf32>
      %div3A_394 = arith.constant 1.000000e+00 : f32
      %div3A_395 = vector.broadcast %div3A_394 : f32 to vector<16xf32>
      %div3A_396 = arith.divf %div3A_395, %add3A_393 : vector<16xf32>
      %add3A_397 = arith.constant 112 : i32
      %add3A_398 = arith.addi %mul3A_239, %add3A_397 : i32
      %swap3A_399 = arith.index_cast %add3A_398 : i32 to index
      %swap3A_400 = tpu.vector_load %arg8[%swap3A_399] {strides = array<i32>} : memref<12800xf32, #tpu.memory_space<vmem>>, vector<16xf32>,
      %swap3A_401 = vector.shape_cast %swap3A_400 : vector<16xf32> to vector<16xf32>
      %swap3A_402 = vector.shape_cast %div3A_396 : vector<16xf32> to vector<16xf32>
      tpu.vector_store %arg8[%swap3A_399], %swap3A_402 {strides = array<i32>} : memref<12800xf32, #tpu.memory_space<vmem>>, vector<16xf32>,
      %scan3A_403 = arith.constant 0 : i32
      scf.yield %scan3A_403 : i32
    }
    %scan3A_157 = arith.constant 100 : i32
    %mul3A_158 = arith.constant 102400 : i32
    %mul3A_159 = arith.muli %add3A, %mul3A_158 : i32
    %add3A_160 = arith.constant 51200 : i32
    %add3A_161 = arith.addi %mul3A_159, %add3A_160 : i32
    %multiple_of3A_162 = tpu.assume_multiple %add3A_161, 8 : i32
    %dma_start3A_163 = tpu.memref_slice %arg4[%multiple_of3A_162] : memref<3276800xf32, #tpu.memory_space<hbm>> -> memref<12800xf32, #tpu.memory_space<hbm>>
    %dma_start3A_164 = tpu.memref_slice %arg4[%multiple_of3A_162] : memref<3276800xf32, #tpu.memory_space<hbm>> -> memref<12800xf32, #tpu.memory_space<hbm>>
    tpu.enqueue_dma source(%arg8 : memref<12800xf32, #tpu.memory_space<vmem>>) target(%dma_start3A_164 : memref<12800xf32, #tpu.memory_space<hbm>>) target_semaphore(%arg15 : memref<!tpu.dma_semaphore, #tpu.memory_space<semaphore_mem>>)
    %dma_wait3A_165 = arith.constant 0 : i32
    %dma_wait3A_166 = tpu.memref_slice %arg5[%dma_wait3A_165] : memref<1048576xf32, #tpu.memory_space<vmem_shared>> -> memref<1048576xf32, #tpu.memory_space<vmem_shared>>
    tpu.wait_indirect_dma semaphore(%arg14 : memref<!tpu.dma_semaphore, #tpu.memory_space<semaphore_mem>>) src(%dma_wait3A_166 : memref<1048576xf32, #tpu.memory_space<vmem_shared>>) dst(%arg9 : memref<12800xf32, #tpu.memory_space<vmem>>)
    %mul3A_167 = arith.constant 102400 : i32
    %mul3A_168 = arith.muli %add3A, %mul3A_167 : i32
    %add3A_169 = arith.constant 89600 : i32
    %add3A_170 = arith.addi %mul3A_168, %add3A_169 : i32
    %multiple_of3A_171 = tpu.assume_multiple %add3A_170, 8 : i32
    %dma_start3A_172 = tpu.memref_slice %arg3[%multiple_of3A_171] : memref<3276800xi32, #tpu.memory_space<hbm>> -> memref<12800xi32, #tpu.memory_space<hbm>>
    %dma_start3A_173 = tpu.memref_slice %arg3[%multiple_of3A_171] : memref<3276800xi32, #tpu.memory_space<hbm>> -> memref<12800xi32, #tpu.memory_space<hbm>>
    tpu.enqueue_dma source(%dma_start3A_173 : memref<12800xi32, #tpu.memory_space<hbm>>) target(%arg7 : memref<12800xi32, #tpu.memory_space<vmem>>) target_semaphore(%arg12 : memref<!tpu.dma_semaphore, #tpu.memory_space<semaphore_mem>>)
    %dma_wait3A_174 = tpu.memref_slice %arg4[%multiple_of3A_162] : memref<3276800xf32, #tpu.memory_space<hbm>> -> memref<12800xf32, #tpu.memory_space<hbm>>
    %dma_wait3A_175 = tpu.memref_slice %arg4[%multiple_of3A_162] : memref<3276800xf32, #tpu.memory_space<hbm>> -> memref<12800xf32, #tpu.memory_space<hbm>>
    tpu.wait_dma2 semaphore(%arg15 : memref<!tpu.dma_semaphore, #tpu.memory_space<semaphore_mem>>) src(%arg8 : memref<12800xf32, #tpu.memory_space<vmem>>) dst(%dma_wait3A_175 : memref<12800xf32, #tpu.memory_space<hbm>>)
    %dma_wait3A_176 = tpu.memref_slice %arg3[%multiple_of3A_142] : memref<3276800xi32, #tpu.memory_space<hbm>> -> memref<12800xi32, #tpu.memory_space<hbm>>
    %dma_wait3A_177 = tpu.memref_slice %arg3[%multiple_of3A_142] : memref<3276800xi32, #tpu.memory_space<hbm>> -> memref<12800xi32, #tpu.memory_space<hbm>>
    tpu.wait_dma2 semaphore(%arg11 : memref<!tpu.dma_semaphore, #tpu.memory_space<semaphore_mem>>) src(%dma_wait3A_177 : memref<12800xi32, #tpu.memory_space<hbm>>) dst(%arg6 : memref<12800xi32, #tpu.memory_space<vmem>>)
    %dma_start3A_178 = arith.constant 0 : i32
    %dma_start3A_179 = tpu.memref_slice %arg5[%dma_start3A_178] : memref<1048576xf32, #tpu.memory_space<vmem_shared>> -> memref<1048576xf32, #tpu.memory_space<vmem_shared>>
    tpu.enqueue_indirect_dma source(%dma_start3A_179 : memref<1048576xf32, #tpu.memory_space<vmem_shared>>) target(%arg8 : memref<12800xf32, #tpu.memory_space<vmem>>) offsets(%arg6 : memref<12800xi32, #tpu.memory_space<vmem>>) semaphore(%arg13 : memref<!tpu.dma_semaphore, #tpu.memory_space<semaphore_mem>>)
    %scan3A_180 = arith.constant 0 : i32
    %scan3A_181 = arith.constant 0 : i32
    %scan3A_182 = arith.constant 100 : i32
    %scan3A_183 = arith.addi %scan3A_181, %scan3A_182 : i32
    %scan3A_184 = arith.constant 1 : i32
    %scan3A_185 = scf.for %scan3A_236 = %scan3A_181 to %scan3A_183 step %scan3A_184 iter_args(%scan3A_237 = %scan3A_180) -> (i32)  : i32 {
      %mul3A_238 = arith.constant 128 : i32
      %mul3A_239 = arith.muli %scan3A_236, %mul3A_238 : i32
      %add3A_240 = arith.constant 0 : i32
      %add3A_241 = arith.addi %mul3A_239, %add3A_240 : i32
      %get3A = arith.index_cast %add3A_241 : i32 to index
      %get3A_242 = tpu.vector_load %arg9[%get3A] {strides = array<i32>} : memref<12800xf32, #tpu.memory_space<vmem>>, vector<16xf32>,
      %get3A_243 = vector.shape_cast %get3A_242 : vector<16xf32> to vector<16xf32>
      %neg3A = arith.constant 0.000000e+00 : f32
      %neg3A_244 = vector.broadcast %neg3A : f32 to vector<16xf32>
      %neg3A_245 = arith.subf %neg3A_244, %get3A_243 : vector<16xf32>
      %exp3A = math.exp %neg3A_245 : vector<16xf32>
      %add3A_246 = arith.constant 1.000000e+00 : f32
      %add3A_247 = vector.broadcast %add3A_246 : f32 to vector<16xf32>
      %add3A_248 = arith.addf %add3A_247, %exp3A : vector<16xf32>
      %div3A = arith.constant 1.000000e+00 : f32
      %div3A_249 = vector.broadcast %div3A : f32 to vector<16xf32>
      %div3A_250 = arith.divf %div3A_249, %add3A_248 : vector<16xf32>
      %add3A_251 = arith.constant 0 : i32
      %add3A_252 = arith.addi %mul3A_239, %add3A_251 : i32
      %swap3A = arith.index_cast %add3A_252 : i32 to index
      %swap3A_253 = tpu.vector_load %arg9[%swap3A] {strides = array<i32>} : memref<12800xf32, #tpu.memory_space<vmem>>, vector<16xf32>,
      %swap3A_254 = vector.shape_cast %swap3A_253 : vector<16xf32> to vector<16xf32>
      %swap3A_255 = vector.shape_cast %div3A_250 : vector<16xf32> to vector<16xf32>
      tpu.vector_store %arg9[%swap3A], %swap3A_255 {strides = array<i32>} : memref<12800xf32, #tpu.memory_space<vmem>>, vector<16xf32>,
      %add3A_256 = arith.constant 16 : i32
      %add3A_257 = arith.addi %mul3A_239, %add3A_256 : i32
      %get3A_258 = arith.index_cast %add3A_257 : i32 to index
      %get3A_259 = tpu.vector_load %arg9[%get3A_258] {strides = array<i32>} : memref<12800xf32, #tpu.memory_space<vmem>>, vector<16xf32>,
      %get3A_260 = vector.shape_cast %get3A_259 : vector<16xf32> to vector<16xf32>
      %neg3A_261 = arith.constant 0.000000e+00 : f32
      %neg3A_262 = vector.broadcast %neg3A_261 : f32 to vector<16xf32>
      %neg3A_263 = arith.subf %neg3A_262, %get3A_260 : vector<16xf32>
      %exp3A_264 = math.exp %neg3A_263 : vector<16xf32>
      %add3A_265 = arith.constant 1.000000e+00 : f32
      %add3A_266 = vector.broadcast %add3A_265 : f32 to vector<16xf32>
      %add3A_267 = arith.addf %add3A_266, %exp3A_264 : vector<16xf32>
      %div3A_268 = arith.constant 1.000000e+00 : f32
      %div3A_269 = vector.broadcast %div3A_268 : f32 to vector<16xf32>
      %div3A_270 = arith.divf %div3A_269, %add3A_267 : vector<16xf32>
      %add3A_271 = arith.constant 16 : i32
      %add3A_272 = arith.addi %mul3A_239, %add3A_271 : i32
      %swap3A_273 = arith.index_cast %add3A_272 : i32 to index
      %swap3A_274 = tpu.vector_load %arg9[%swap3A_273] {strides = array<i32>} : memref<12800xf32, #tpu.memory_space<vmem>>, vector<16xf32>,
      %swap3A_275 = vector.shape_cast %swap3A_274 : vector<16xf32> to vector<16xf32>
      %swap3A_276 = vector.shape_cast %div3A_270 : vector<16xf32> to vector<16xf32>
      tpu.vector_store %arg9[%swap3A_273], %swap3A_276 {strides = array<i32>} : memref<12800xf32, #tpu.memory_space<vmem>>, vector<16xf32>,
      %add3A_277 = arith.constant 32 : i32
      %add3A_278 = arith.addi %mul3A_239, %add3A_277 : i32
      %get3A_279 = arith.index_cast %add3A_278 : i32 to index
      %get3A_280 = tpu.vector_load %arg9[%get3A_279] {strides = array<i32>} : memref<12800xf32, #tpu.memory_space<vmem>>, vector<16xf32>,
      %get3A_281 = vector.shape_cast %get3A_280 : vector<16xf32> to vector<16xf32>
      %neg3A_282 = arith.constant 0.000000e+00 : f32
      %neg3A_283 = vector.broadcast %neg3A_282 : f32 to vector<16xf32>
      %neg3A_284 = arith.subf %neg3A_283, %get3A_281 : vector<16xf32>
      %exp3A_285 = math.exp %neg3A_284 : vector<16xf32>
      %add3A_286 = arith.constant 1.000000e+00 : f32
      %add3A_287 = vector.broadcast %add3A_286 : f32 to vector<16xf32>
      %add3A_288 = arith.addf %add3A_287, %exp3A_285 : vector<16xf32>
      %div3A_289 = arith.constant 1.000000e+00 : f32
      %div3A_290 = vector.broadcast %div3A_289 : f32 to vector<16xf32>
      %div3A_291 = arith.divf %div3A_290, %add3A_288 : vector<16xf32>
      %add3A_292 = arith.constant 32 : i32
      %add3A_293 = arith.addi %mul3A_239, %add3A_292 : i32
      %swap3A_294 = arith.index_cast %add3A_293 : i32 to index
      %swap3A_295 = tpu.vector_load %arg9[%swap3A_294] {strides = array<i32>} : memref<12800xf32, #tpu.memory_space<vmem>>, vector<16xf32>,
      %swap3A_296 = vector.shape_cast %swap3A_295 : vector<16xf32> to vector<16xf32>
      %swap3A_297 = vector.shape_cast %div3A_291 : vector<16xf32> to vector<16xf32>
      tpu.vector_store %arg9[%swap3A_294], %swap3A_297 {strides = array<i32>} : memref<12800xf32, #tpu.memory_space<vmem>>, vector<16xf32>,
      %add3A_298 = arith.constant 48 : i32
      %add3A_299 = arith.addi %mul3A_239, %add3A_298 : i32
      %get3A_300 = arith.index_cast %add3A_299 : i32 to index
      %get3A_301 = tpu.vector_load %arg9[%get3A_300] {strides = array<i32>} : memref<12800xf32, #tpu.memory_space<vmem>>, vector<16xf32>,
      %get3A_302 = vector.shape_cast %get3A_301 : vector<16xf32> to vector<16xf32>
      %neg3A_303 = arith.constant 0.000000e+00 : f32
      %neg3A_304 = vector.broadcast %neg3A_303 : f32 to vector<16xf32>
      %neg3A_305 = arith.subf %neg3A_304, %get3A_302 : vector<16xf32>
      %exp3A_306 = math.exp %neg3A_305 : vector<16xf32>
      %add3A_307 = arith.constant 1.000000e+00 : f32
      %add3A_308 = vector.broadcast %add3A_307 : f32 to vector<16xf32>
      %add3A_309 = arith.addf %add3A_308, %exp3A_306 : vector<16xf32>
      %div3A_310 = arith.constant 1.000000e+00 : f32
      %div3A_311 = vector.broadcast %div3A_310 : f32 to vector<16xf32>
      %div3A_312 = arith.divf %div3A_311, %add3A_309 : vector<16xf32>
      %add3A_313 = arith.constant 48 : i32
      %add3A_314 = arith.addi %mul3A_239, %add3A_313 : i32
      %swap3A_315 = arith.index_cast %add3A_314 : i32 to index
      %swap3A_316 = tpu.vector_load %arg9[%swap3A_315] {strides = array<i32>} : memref<12800xf32, #tpu.memory_space<vmem>>, vector<16xf32>,
      %swap3A_317 = vector.shape_cast %swap3A_316 : vector<16xf32> to vector<16xf32>
      %swap3A_318 = vector.shape_cast %div3A_312 : vector<16xf32> to vector<16xf32>
      tpu.vector_store %arg9[%swap3A_315], %swap3A_318 {strides = array<i32>} : memref<12800xf32, #tpu.memory_space<vmem>>, vector<16xf32>,
      %add3A_319 = arith.constant 64 : i32
      %add3A_320 = arith.addi %mul3A_239, %add3A_319 : i32
      %get3A_321 = arith.index_cast %add3A_320 : i32 to index
      %get3A_322 = tpu.vector_load %arg9[%get3A_321] {strides = array<i32>} : memref<12800xf32, #tpu.memory_space<vmem>>, vector<16xf32>,
      %get3A_323 = vector.shape_cast %get3A_322 : vector<16xf32> to vector<16xf32>
      %neg3A_324 = arith.constant 0.000000e+00 : f32
      %neg3A_325 = vector.broadcast %neg3A_324 : f32 to vector<16xf32>
      %neg3A_326 = arith.subf %neg3A_325, %get3A_323 : vector<16xf32>
      %exp3A_327 = math.exp %neg3A_326 : vector<16xf32>
      %add3A_328 = arith.constant 1.000000e+00 : f32
      %add3A_329 = vector.broadcast %add3A_328 : f32 to vector<16xf32>
      %add3A_330 = arith.addf %add3A_329, %exp3A_327 : vector<16xf32>
      %div3A_331 = arith.constant 1.000000e+00 : f32
      %div3A_332 = vector.broadcast %div3A_331 : f32 to vector<16xf32>
      %div3A_333 = arith.divf %div3A_332, %add3A_330 : vector<16xf32>
      %add3A_334 = arith.constant 64 : i32
      %add3A_335 = arith.addi %mul3A_239, %add3A_334 : i32
      %swap3A_336 = arith.index_cast %add3A_335 : i32 to index
      %swap3A_337 = tpu.vector_load %arg9[%swap3A_336] {strides = array<i32>} : memref<12800xf32, #tpu.memory_space<vmem>>, vector<16xf32>,
      %swap3A_338 = vector.shape_cast %swap3A_337 : vector<16xf32> to vector<16xf32>
      %swap3A_339 = vector.shape_cast %div3A_333 : vector<16xf32> to vector<16xf32>
      tpu.vector_store %arg9[%swap3A_336], %swap3A_339 {strides = array<i32>} : memref<12800xf32, #tpu.memory_space<vmem>>, vector<16xf32>,
      %add3A_340 = arith.constant 80 : i32
      %add3A_341 = arith.addi %mul3A_239, %add3A_340 : i32
      %get3A_342 = arith.index_cast %add3A_341 : i32 to index
      %get3A_343 = tpu.vector_load %arg9[%get3A_342] {strides = array<i32>} : memref<12800xf32, #tpu.memory_space<vmem>>, vector<16xf32>,
      %get3A_344 = vector.shape_cast %get3A_343 : vector<16xf32> to vector<16xf32>
      %neg3A_345 = arith.constant 0.000000e+00 : f32
      %neg3A_346 = vector.broadcast %neg3A_345 : f32 to vector<16xf32>
      %neg3A_347 = arith.subf %neg3A_346, %get3A_344 : vector<16xf32>
      %exp3A_348 = math.exp %neg3A_347 : vector<16xf32>
      %add3A_349 = arith.constant 1.000000e+00 : f32
      %add3A_350 = vector.broadcast %add3A_349 : f32 to vector<16xf32>
      %add3A_351 = arith.addf %add3A_350, %exp3A_348 : vector<16xf32>
      %div3A_352 = arith.constant 1.000000e+00 : f32
      %div3A_353 = vector.broadcast %div3A_352 : f32 to vector<16xf32>
      %div3A_354 = arith.divf %div3A_353, %add3A_351 : vector<16xf32>
      %add3A_355 = arith.constant 80 : i32
      %add3A_356 = arith.addi %mul3A_239, %add3A_355 : i32
      %swap3A_357 = arith.index_cast %add3A_356 : i32 to index
      %swap3A_358 = tpu.vector_load %arg9[%swap3A_357] {strides = array<i32>} : memref<12800xf32, #tpu.memory_space<vmem>>, vector<16xf32>,
      %swap3A_359 = vector.shape_cast %swap3A_358 : vector<16xf32> to vector<16xf32>
      %swap3A_360 = vector.shape_cast %div3A_354 : vector<16xf32> to vector<16xf32>
      tpu.vector_store %arg9[%swap3A_357], %swap3A_360 {strides = array<i32>} : memref<12800xf32, #tpu.memory_space<vmem>>, vector<16xf32>,
      %add3A_361 = arith.constant 96 : i32
      %add3A_362 = arith.addi %mul3A_239, %add3A_361 : i32
      %get3A_363 = arith.index_cast %add3A_362 : i32 to index
      %get3A_364 = tpu.vector_load %arg9[%get3A_363] {strides = array<i32>} : memref<12800xf32, #tpu.memory_space<vmem>>, vector<16xf32>,
      %get3A_365 = vector.shape_cast %get3A_364 : vector<16xf32> to vector<16xf32>
      %neg3A_366 = arith.constant 0.000000e+00 : f32
      %neg3A_367 = vector.broadcast %neg3A_366 : f32 to vector<16xf32>
      %neg3A_368 = arith.subf %neg3A_367, %get3A_365 : vector<16xf32>
      %exp3A_369 = math.exp %neg3A_368 : vector<16xf32>
      %add3A_370 = arith.constant 1.000000e+00 : f32
      %add3A_371 = vector.broadcast %add3A_370 : f32 to vector<16xf32>
      %add3A_372 = arith.addf %add3A_371, %exp3A_369 : vector<16xf32>
      %div3A_373 = arith.constant 1.000000e+00 : f32
      %div3A_374 = vector.broadcast %div3A_373 : f32 to vector<16xf32>
      %div3A_375 = arith.divf %div3A_374, %add3A_372 : vector<16xf32>
      %add3A_376 = arith.constant 96 : i32
      %add3A_377 = arith.addi %mul3A_239, %add3A_376 : i32
      %swap3A_378 = arith.index_cast %add3A_377 : i32 to index
      %swap3A_379 = tpu.vector_load %arg9[%swap3A_378] {strides = array<i32>} : memref<12800xf32, #tpu.memory_space<vmem>>, vector<16xf32>,
      %swap3A_380 = vector.shape_cast %swap3A_379 : vector<16xf32> to vector<16xf32>
      %swap3A_381 = vector.shape_cast %div3A_375 : vector<16xf32> to vector<16xf32>
      tpu.vector_store %arg9[%swap3A_378], %swap3A_381 {strides = array<i32>} : memref<12800xf32, #tpu.memory_space<vmem>>, vector<16xf32>,
      %add3A_382 = arith.constant 112 : i32
      %add3A_383 = arith.addi %mul3A_239, %add3A_382 : i32
      %get3A_384 = arith.index_cast %add3A_383 : i32 to index
      %get3A_385 = tpu.vector_load %arg9[%get3A_384] {strides = array<i32>} : memref<12800xf32, #tpu.memory_space<vmem>>, vector<16xf32>,
      %get3A_386 = vector.shape_cast %get3A_385 : vector<16xf32> to vector<16xf32>
      %neg3A_387 = arith.constant 0.000000e+00 : f32
      %neg3A_388 = vector.broadcast %neg3A_387 : f32 to vector<16xf32>
      %neg3A_389 = arith.subf %neg3A_388, %get3A_386 : vector<16xf32>
      %exp3A_390 = math.exp %neg3A_389 : vector<16xf32>
      %add3A_391 = arith.constant 1.000000e+00 : f32
      %add3A_392 = vector.broadcast %add3A_391 : f32 to vector<16xf32>
      %add3A_393 = arith.addf %add3A_392, %exp3A_390 : vector<16xf32>
      %div3A_394 = arith.constant 1.000000e+00 : f32
      %div3A_395 = vector.broadcast %div3A_394 : f32 to vector<16xf32>
      %div3A_396 = arith.divf %div3A_395, %add3A_393 : vector<16xf32>
      %add3A_397 = arith.constant 112 : i32
      %add3A_398 = arith.addi %mul3A_239, %add3A_397 : i32
      %swap3A_399 = arith.index_cast %add3A_398 : i32 to index
      %swap3A_400 = tpu.vector_load %arg9[%swap3A_399] {strides = array<i32>} : memref<12800xf32, #tpu.memory_space<vmem>>, vector<16xf32>,
      %swap3A_401 = vector.shape_cast %swap3A_400 : vector<16xf32> to vector<16xf32>
      %swap3A_402 = vector.shape_cast %div3A_396 : vector<16xf32> to vector<16xf32>
      tpu.vector_store %arg9[%swap3A_399], %swap3A_402 {strides = array<i32>} : memref<12800xf32, #tpu.memory_space<vmem>>, vector<16xf32>,
      %scan3A_403 = arith.constant 0 : i32
      scf.yield %scan3A_403 : i32
    }
    %scan3A_186 = arith.constant 100 : i32
    %mul3A_187 = arith.constant 102400 : i32
    %mul3A_188 = arith.muli %add3A, %mul3A_187 : i32
    %add3A_189 = arith.constant 64000 : i32
    %add3A_190 = arith.addi %mul3A_188, %add3A_189 : i32
    %multiple_of3A_191 = tpu.assume_multiple %add3A_190, 8 : i32
    %dma_start3A_192 = tpu.memref_slice %arg4[%multiple_of3A_191] : memref<3276800xf32, #tpu.memory_space<hbm>> -> memref<12800xf32, #tpu.memory_space<hbm>>
    %dma_start3A_193 = tpu.memref_slice %arg4[%multiple_of3A_191] : memref<3276800xf32, #tpu.memory_space<hbm>> -> memref<12800xf32, #tpu.memory_space<hbm>>
    tpu.enqueue_dma source(%arg9 : memref<12800xf32, #tpu.memory_space<vmem>>) target(%dma_start3A_193 : memref<12800xf32, #tpu.memory_space<hbm>>) target_semaphore(%arg16 : memref<!tpu.dma_semaphore, #tpu.memory_space<semaphore_mem>>)
    %dma_wait3A_194 = arith.constant 0 : i32
    %dma_wait3A_195 = tpu.memref_slice %arg5[%dma_wait3A_194] : memref<1048576xf32, #tpu.memory_space<vmem_shared>> -> memref<1048576xf32, #tpu.memory_space<vmem_shared>>
    tpu.wait_indirect_dma semaphore(%arg13 : memref<!tpu.dma_semaphore, #tpu.memory_space<semaphore_mem>>) src(%dma_wait3A_195 : memref<1048576xf32, #tpu.memory_space<vmem_shared>>) dst(%arg8 : memref<12800xf32, #tpu.memory_space<vmem>>)
    %dma_wait3A_196 = tpu.memref_slice %arg4[%multiple_of3A_191] : memref<3276800xf32, #tpu.memory_space<hbm>> -> memref<12800xf32, #tpu.memory_space<hbm>>
    %dma_wait3A_197 = tpu.memref_slice %arg4[%multiple_of3A_191] : memref<3276800xf32, #tpu.memory_space<hbm>> -> memref<12800xf32, #tpu.memory_space<hbm>>
    tpu.wait_dma2 semaphore(%arg16 : memref<!tpu.dma_semaphore, #tpu.memory_space<semaphore_mem>>) src(%arg9 : memref<12800xf32, #tpu.memory_space<vmem>>) dst(%dma_wait3A_197 : memref<12800xf32, #tpu.memory_space<hbm>>)
    %dma_wait3A_198 = tpu.memref_slice %arg3[%multiple_of3A_171] : memref<3276800xi32, #tpu.memory_space<hbm>> -> memref<12800xi32, #tpu.memory_space<hbm>>
    %dma_wait3A_199 = tpu.memref_slice %arg3[%multiple_of3A_171] : memref<3276800xi32, #tpu.memory_space<hbm>> -> memref<12800xi32, #tpu.memory_space<hbm>>
    tpu.wait_dma2 semaphore(%arg12 : memref<!tpu.dma_semaphore, #tpu.memory_space<semaphore_mem>>) src(%dma_wait3A_199 : memref<12800xi32, #tpu.memory_space<hbm>>) dst(%arg7 : memref<12800xi32, #tpu.memory_space<vmem>>)
    %dma_start3A_200 = arith.constant 0 : i32
    %dma_start3A_201 = tpu.memref_slice %arg5[%dma_start3A_200] : memref<1048576xf32, #tpu.memory_space<vmem_shared>> -> memref<1048576xf32, #tpu.memory_space<vmem_shared>>
    tpu.enqueue_indirect_dma source(%dma_start3A_201 : memref<1048576xf32, #tpu.memory_space<vmem_shared>>) target(%arg9 : memref<12800xf32, #tpu.memory_space<vmem>>) offsets(%arg7 : memref<12800xi32, #tpu.memory_space<vmem>>) semaphore(%arg14 : memref<!tpu.dma_semaphore, #tpu.memory_space<semaphore_mem>>)
    %scan3A_202 = arith.constant 0 : i32
    %scan3A_203 = arith.constant 0 : i32
    %scan3A_204 = arith.constant 100 : i32
    %scan3A_205 = arith.addi %scan3A_203, %scan3A_204 : i32
    %scan3A_206 = arith.constant 1 : i32
    %scan3A_207 = scf.for %scan3A_236 = %scan3A_203 to %scan3A_205 step %scan3A_206 iter_args(%scan3A_237 = %scan3A_202) -> (i32)  : i32 {
      %mul3A_238 = arith.constant 128 : i32
      %mul3A_239 = arith.muli %scan3A_236, %mul3A_238 : i32
      %add3A_240 = arith.constant 0 : i32
      %add3A_241 = arith.addi %mul3A_239, %add3A_240 : i32
      %get3A = arith.index_cast %add3A_241 : i32 to index
      %get3A_242 = tpu.vector_load %arg8[%get3A] {strides = array<i32>} : memref<12800xf32, #tpu.memory_space<vmem>>, vector<16xf32>,
      %get3A_243 = vector.shape_cast %get3A_242 : vector<16xf32> to vector<16xf32>
      %neg3A = arith.constant 0.000000e+00 : f32
      %neg3A_244 = vector.broadcast %neg3A : f32 to vector<16xf32>
      %neg3A_245 = arith.subf %neg3A_244, %get3A_243 : vector<16xf32>
      %exp3A = math.exp %neg3A_245 : vector<16xf32>
      %add3A_246 = arith.constant 1.000000e+00 : f32
      %add3A_247 = vector.broadcast %add3A_246 : f32 to vector<16xf32>
      %add3A_248 = arith.addf %add3A_247, %exp3A : vector<16xf32>
      %div3A = arith.constant 1.000000e+00 : f32
      %div3A_249 = vector.broadcast %div3A : f32 to vector<16xf32>
      %div3A_250 = arith.divf %div3A_249, %add3A_248 : vector<16xf32>
      %add3A_251 = arith.constant 0 : i32
      %add3A_252 = arith.addi %mul3A_239, %add3A_251 : i32
      %swap3A = arith.index_cast %add3A_252 : i32 to index
      %swap3A_253 = tpu.vector_load %arg8[%swap3A] {strides = array<i32>} : memref<12800xf32, #tpu.memory_space<vmem>>, vector<16xf32>,
      %swap3A_254 = vector.shape_cast %swap3A_253 : vector<16xf32> to vector<16xf32>
      %swap3A_255 = vector.shape_cast %div3A_250 : vector<16xf32> to vector<16xf32>
      tpu.vector_store %arg8[%swap3A], %swap3A_255 {strides = array<i32>} : memref<12800xf32, #tpu.memory_space<vmem>>, vector<16xf32>,
      %add3A_256 = arith.constant 16 : i32
      %add3A_257 = arith.addi %mul3A_239, %add3A_256 : i32
      %get3A_258 = arith.index_cast %add3A_257 : i32 to index
      %get3A_259 = tpu.vector_load %arg8[%get3A_258] {strides = array<i32>} : memref<12800xf32, #tpu.memory_space<vmem>>, vector<16xf32>,
      %get3A_260 = vector.shape_cast %get3A_259 : vector<16xf32> to vector<16xf32>
      %neg3A_261 = arith.constant 0.000000e+00 : f32
      %neg3A_262 = vector.broadcast %neg3A_261 : f32 to vector<16xf32>
      %neg3A_263 = arith.subf %neg3A_262, %get3A_260 : vector<16xf32>
      %exp3A_264 = math.exp %neg3A_263 : vector<16xf32>
      %add3A_265 = arith.constant 1.000000e+00 : f32
      %add3A_266 = vector.broadcast %add3A_265 : f32 to vector<16xf32>
      %add3A_267 = arith.addf %add3A_266, %exp3A_264 : vector<16xf32>
      %div3A_268 = arith.constant 1.000000e+00 : f32
      %div3A_269 = vector.broadcast %div3A_268 : f32 to vector<16xf32>
      %div3A_270 = arith.divf %div3A_269, %add3A_267 : vector<16xf32>
      %add3A_271 = arith.constant 16 : i32
      %add3A_272 = arith.addi %mul3A_239, %add3A_271 : i32
      %swap3A_273 = arith.index_cast %add3A_272 : i32 to index
      %swap3A_274 = tpu.vector_load %arg8[%swap3A_273] {strides = array<i32>} : memref<12800xf32, #tpu.memory_space<vmem>>, vector<16xf32>,
      %swap3A_275 = vector.shape_cast %swap3A_274 : vector<16xf32> to vector<16xf32>
      %swap3A_276 = vector.shape_cast %div3A_270 : vector<16xf32> to vector<16xf32>
      tpu.vector_store %arg8[%swap3A_273], %swap3A_276 {strides = array<i32>} : memref<12800xf32, #tpu.memory_space<vmem>>, vector<16xf32>,
      %add3A_277 = arith.constant 32 : i32
      %add3A_278 = arith.addi %mul3A_239, %add3A_277 : i32
      %get3A_279 = arith.index_cast %add3A_278 : i32 to index
      %get3A_280 = tpu.vector_load %arg8[%get3A_279] {strides = array<i32>} : memref<12800xf32, #tpu.memory_space<vmem>>, vector<16xf32>,
      %get3A_281 = vector.shape_cast %get3A_280 : vector<16xf32> to vector<16xf32>
      %neg3A_282 = arith.constant 0.000000e+00 : f32
      %neg3A_283 = vector.broadcast %neg3A_282 : f32 to vector<16xf32>
      %neg3A_284 = arith.subf %neg3A_283, %get3A_281 : vector<16xf32>
      %exp3A_285 = math.exp %neg3A_284 : vector<16xf32>
      %add3A_286 = arith.constant 1.000000e+00 : f32
      %add3A_287 = vector.broadcast %add3A_286 : f32 to vector<16xf32>
      %add3A_288 = arith.addf %add3A_287, %exp3A_285 : vector<16xf32>
      %div3A_289 = arith.constant 1.000000e+00 : f32
      %div3A_290 = vector.broadcast %div3A_289 : f32 to vector<16xf32>
      %div3A_291 = arith.divf %div3A_290, %add3A_288 : vector<16xf32>
      %add3A_292 = arith.constant 32 : i32
      %add3A_293 = arith.addi %mul3A_239, %add3A_292 : i32
      %swap3A_294 = arith.index_cast %add3A_293 : i32 to index
      %swap3A_295 = tpu.vector_load %arg8[%swap3A_294] {strides = array<i32>} : memref<12800xf32, #tpu.memory_space<vmem>>, vector<16xf32>,
      %swap3A_296 = vector.shape_cast %swap3A_295 : vector<16xf32> to vector<16xf32>
      %swap3A_297 = vector.shape_cast %div3A_291 : vector<16xf32> to vector<16xf32>
      tpu.vector_store %arg8[%swap3A_294], %swap3A_297 {strides = array<i32>} : memref<12800xf32, #tpu.memory_space<vmem>>, vector<16xf32>,
      %add3A_298 = arith.constant 48 : i32
      %add3A_299 = arith.addi %mul3A_239, %add3A_298 : i32
      %get3A_300 = arith.index_cast %add3A_299 : i32 to index
      %get3A_301 = tpu.vector_load %arg8[%get3A_300] {strides = array<i32>} : memref<12800xf32, #tpu.memory_space<vmem>>, vector<16xf32>,
      %get3A_302 = vector.shape_cast %get3A_301 : vector<16xf32> to vector<16xf32>
      %neg3A_303 = arith.constant 0.000000e+00 : f32
      %neg3A_304 = vector.broadcast %neg3A_303 : f32 to vector<16xf32>
      %neg3A_305 = arith.subf %neg3A_304, %get3A_302 : vector<16xf32>
      %exp3A_306 = math.exp %neg3A_305 : vector<16xf32>
      %add3A_307 = arith.constant 1.000000e+00 : f32
      %add3A_308 = vector.broadcast %add3A_307 : f32 to vector<16xf32>
      %add3A_309 = arith.addf %add3A_308, %exp3A_306 : vector<16xf32>
      %div3A_310 = arith.constant 1.000000e+00 : f32
      %div3A_311 = vector.broadcast %div3A_310 : f32 to vector<16xf32>
      %div3A_312 = arith.divf %div3A_311, %add3A_309 : vector<16xf32>
      %add3A_313 = arith.constant 48 : i32
      %add3A_314 = arith.addi %mul3A_239, %add3A_313 : i32
      %swap3A_315 = arith.index_cast %add3A_314 : i32 to index
      %swap3A_316 = tpu.vector_load %arg8[%swap3A_315] {strides = array<i32>} : memref<12800xf32, #tpu.memory_space<vmem>>, vector<16xf32>,
      %swap3A_317 = vector.shape_cast %swap3A_316 : vector<16xf32> to vector<16xf32>
      %swap3A_318 = vector.shape_cast %div3A_312 : vector<16xf32> to vector<16xf32>
      tpu.vector_store %arg8[%swap3A_315], %swap3A_318 {strides = array<i32>} : memref<12800xf32, #tpu.memory_space<vmem>>, vector<16xf32>,
      %add3A_319 = arith.constant 64 : i32
      %add3A_320 = arith.addi %mul3A_239, %add3A_319 : i32
      %get3A_321 = arith.index_cast %add3A_320 : i32 to index
      %get3A_322 = tpu.vector_load %arg8[%get3A_321] {strides = array<i32>} : memref<12800xf32, #tpu.memory_space<vmem>>, vector<16xf32>,
      %get3A_323 = vector.shape_cast %get3A_322 : vector<16xf32> to vector<16xf32>
      %neg3A_324 = arith.constant 0.000000e+00 : f32
      %neg3A_325 = vector.broadcast %neg3A_324 : f32 to vector<16xf32>
      %neg3A_326 = arith.subf %neg3A_325, %get3A_323 : vector<16xf32>
      %exp3A_327 = math.exp %neg3A_326 : vector<16xf32>
      %add3A_328 = arith.constant 1.000000e+00 : f32
      %add3A_329 = vector.broadcast %add3A_328 : f32 to vector<16xf32>
      %add3A_330 = arith.addf %add3A_329, %exp3A_327 : vector<16xf32>
      %div3A_331 = arith.constant 1.000000e+00 : f32
      %div3A_332 = vector.broadcast %div3A_331 : f32 to vector<16xf32>
      %div3A_333 = arith.divf %div3A_332, %add3A_330 : vector<16xf32>
      %add3A_334 = arith.constant 64 : i32
      %add3A_335 = arith.addi %mul3A_239, %add3A_334 : i32
      %swap3A_336 = arith.index_cast %add3A_335 : i32 to index
      %swap3A_337 = tpu.vector_load %arg8[%swap3A_336] {strides = array<i32>} : memref<12800xf32, #tpu.memory_space<vmem>>, vector<16xf32>,
      %swap3A_338 = vector.shape_cast %swap3A_337 : vector<16xf32> to vector<16xf32>
      %swap3A_339 = vector.shape_cast %div3A_333 : vector<16xf32> to vector<16xf32>
      tpu.vector_store %arg8[%swap3A_336], %swap3A_339 {strides = array<i32>} : memref<12800xf32, #tpu.memory_space<vmem>>, vector<16xf32>,
      %add3A_340 = arith.constant 80 : i32
      %add3A_341 = arith.addi %mul3A_239, %add3A_340 : i32
      %get3A_342 = arith.index_cast %add3A_341 : i32 to index
      %get3A_343 = tpu.vector_load %arg8[%get3A_342] {strides = array<i32>} : memref<12800xf32, #tpu.memory_space<vmem>>, vector<16xf32>,
      %get3A_344 = vector.shape_cast %get3A_343 : vector<16xf32> to vector<16xf32>
      %neg3A_345 = arith.constant 0.000000e+00 : f32
      %neg3A_346 = vector.broadcast %neg3A_345 : f32 to vector<16xf32>
      %neg3A_347 = arith.subf %neg3A_346, %get3A_344 : vector<16xf32>
      %exp3A_348 = math.exp %neg3A_347 : vector<16xf32>
      %add3A_349 = arith.constant 1.000000e+00 : f32
      %add3A_350 = vector.broadcast %add3A_349 : f32 to vector<16xf32>
      %add3A_351 = arith.addf %add3A_350, %exp3A_348 : vector<16xf32>
      %div3A_352 = arith.constant 1.000000e+00 : f32
      %div3A_353 = vector.broadcast %div3A_352 : f32 to vector<16xf32>
      %div3A_354 = arith.divf %div3A_353, %add3A_351 : vector<16xf32>
      %add3A_355 = arith.constant 80 : i32
      %add3A_356 = arith.addi %mul3A_239, %add3A_355 : i32
      %swap3A_357 = arith.index_cast %add3A_356 : i32 to index
      %swap3A_358 = tpu.vector_load %arg8[%swap3A_357] {strides = array<i32>} : memref<12800xf32, #tpu.memory_space<vmem>>, vector<16xf32>,
      %swap3A_359 = vector.shape_cast %swap3A_358 : vector<16xf32> to vector<16xf32>
      %swap3A_360 = vector.shape_cast %div3A_354 : vector<16xf32> to vector<16xf32>
      tpu.vector_store %arg8[%swap3A_357], %swap3A_360 {strides = array<i32>} : memref<12800xf32, #tpu.memory_space<vmem>>, vector<16xf32>,
      %add3A_361 = arith.constant 96 : i32
      %add3A_362 = arith.addi %mul3A_239, %add3A_361 : i32
      %get3A_363 = arith.index_cast %add3A_362 : i32 to index
      %get3A_364 = tpu.vector_load %arg8[%get3A_363] {strides = array<i32>} : memref<12800xf32, #tpu.memory_space<vmem>>, vector<16xf32>,
      %get3A_365 = vector.shape_cast %get3A_364 : vector<16xf32> to vector<16xf32>
      %neg3A_366 = arith.constant 0.000000e+00 : f32
      %neg3A_367 = vector.broadcast %neg3A_366 : f32 to vector<16xf32>
      %neg3A_368 = arith.subf %neg3A_367, %get3A_365 : vector<16xf32>
      %exp3A_369 = math.exp %neg3A_368 : vector<16xf32>
      %add3A_370 = arith.constant 1.000000e+00 : f32
      %add3A_371 = vector.broadcast %add3A_370 : f32 to vector<16xf32>
      %add3A_372 = arith.addf %add3A_371, %exp3A_369 : vector<16xf32>
      %div3A_373 = arith.constant 1.000000e+00 : f32
      %div3A_374 = vector.broadcast %div3A_373 : f32 to vector<16xf32>
      %div3A_375 = arith.divf %div3A_374, %add3A_372 : vector<16xf32>
      %add3A_376 = arith.constant 96 : i32
      %add3A_377 = arith.addi %mul3A_239, %add3A_376 : i32
      %swap3A_378 = arith.index_cast %add3A_377 : i32 to index
      %swap3A_379 = tpu.vector_load %arg8[%swap3A_378] {strides = array<i32>} : memref<12800xf32, #tpu.memory_space<vmem>>, vector<16xf32>,
      %swap3A_380 = vector.shape_cast %swap3A_379 : vector<16xf32> to vector<16xf32>
      %swap3A_381 = vector.shape_cast %div3A_375 : vector<16xf32> to vector<16xf32>
      tpu.vector_store %arg8[%swap3A_378], %swap3A_381 {strides = array<i32>} : memref<12800xf32, #tpu.memory_space<vmem>>, vector<16xf32>,
      %add3A_382 = arith.constant 112 : i32
      %add3A_383 = arith.addi %mul3A_239, %add3A_382 : i32
      %get3A_384 = arith.index_cast %add3A_383 : i32 to index
      %get3A_385 = tpu.vector_load %arg8[%get3A_384] {strides = array<i32>} : memref<12800xf32, #tpu.memory_space<vmem>>, vector<16xf32>,
      %get3A_386 = vector.shape_cast %get3A_385 : vector<16xf32> to vector<16xf32>
      %neg3A_387 = arith.constant 0.000000e+00 : f32
      %neg3A_388 = vector.broadcast %neg3A_387 : f32 to vector<16xf32>
      %neg3A_389 = arith.subf %neg3A_388, %get3A_386 : vector<16xf32>
      %exp3A_390 = math.exp %neg3A_389 : vector<16xf32>
      %add3A_391 = arith.constant 1.000000e+00 : f32
      %add3A_392 = vector.broadcast %add3A_391 : f32 to vector<16xf32>
      %add3A_393 = arith.addf %add3A_392, %exp3A_390 : vector<16xf32>
      %div3A_394 = arith.constant 1.000000e+00 : f32
      %div3A_395 = vector.broadcast %div3A_394 : f32 to vector<16xf32>
      %div3A_396 = arith.divf %div3A_395, %add3A_393 : vector<16xf32>
      %add3A_397 = arith.constant 112 : i32
      %add3A_398 = arith.addi %mul3A_239, %add3A_397 : i32
      %swap3A_399 = arith.index_cast %add3A_398 : i32 to index
      %swap3A_400 = tpu.vector_load %arg8[%swap3A_399] {strides = array<i32>} : memref<12800xf32, #tpu.memory_space<vmem>>, vector<16xf32>,
      %swap3A_401 = vector.shape_cast %swap3A_400 : vector<16xf32> to vector<16xf32>
      %swap3A_402 = vector.shape_cast %div3A_396 : vector<16xf32> to vector<16xf32>
      tpu.vector_store %arg8[%swap3A_399], %swap3A_402 {strides = array<i32>} : memref<12800xf32, #tpu.memory_space<vmem>>, vector<16xf32>,
      %scan3A_403 = arith.constant 0 : i32
      scf.yield %scan3A_403 : i32
    }
    %scan3A_208 = arith.constant 100 : i32
    %mul3A_209 = arith.constant 102400 : i32
    %mul3A_210 = arith.muli %add3A, %mul3A_209 : i32
    %add3A_211 = arith.constant 76800 : i32
    %add3A_212 = arith.addi %mul3A_210, %add3A_211 : i32
    %multiple_of3A_213 = tpu.assume_multiple %add3A_212, 8 : i32
    %dma_start3A_214 = tpu.memref_slice %arg4[%multiple_of3A_213] : memref<3276800xf32, #tpu.memory_space<hbm>> -> memref<12800xf32, #tpu.memory_space<hbm>>
    %dma_start3A_215 = tpu.memref_slice %arg4[%multiple_of3A_213] : memref<3276800xf32, #tpu.memory_space<hbm>> -> memref<12800xf32, #tpu.memory_space<hbm>>
    tpu.enqueue_dma source(%arg8 : memref<12800xf32, #tpu.memory_space<vmem>>) target(%dma_start3A_215 : memref<12800xf32, #tpu.memory_space<hbm>>) target_semaphore(%arg15 : memref<!tpu.dma_semaphore, #tpu.memory_space<semaphore_mem>>)
    %dma_wait3A_216 = arith.constant 0 : i32
    %dma_wait3A_217 = tpu.memref_slice %arg5[%dma_wait3A_216] : memref<1048576xf32, #tpu.memory_space<vmem_shared>> -> memref<1048576xf32, #tpu.memory_space<vmem_shared>>
    tpu.wait_indirect_dma semaphore(%arg14 : memref<!tpu.dma_semaphore, #tpu.memory_space<semaphore_mem>>) src(%dma_wait3A_217 : memref<1048576xf32, #tpu.memory_space<vmem_shared>>) dst(%arg9 : memref<12800xf32, #tpu.memory_space<vmem>>)
    %scan3A_218 = arith.constant 0 : i32
    %scan3A_219 = arith.constant 0 : i32
    %scan3A_220 = arith.constant 100 : i32
    %scan3A_221 = arith.addi %scan3A_219, %scan3A_220 : i32
    %scan3A_222 = arith.constant 1 : i32
    %scan3A_223 = scf.for %scan3A_236 = %scan3A_219 to %scan3A_221 step %scan3A_222 iter_args(%scan3A_237 = %scan3A_218) -> (i32)  : i32 {
      %mul3A_238 = arith.constant 128 : i32
      %mul3A_239 = arith.muli %scan3A_236, %mul3A_238 : i32
      %add3A_240 = arith.constant 0 : i32
      %add3A_241 = arith.addi %mul3A_239, %add3A_240 : i32
      %get3A = arith.index_cast %add3A_241 : i32 to index
      %get3A_242 = tpu.vector_load %arg9[%get3A] {strides = array<i32>} : memref<12800xf32, #tpu.memory_space<vmem>>, vector<16xf32>,
      %get3A_243 = vector.shape_cast %get3A_242 : vector<16xf32> to vector<16xf32>
      %neg3A = arith.constant 0.000000e+00 : f32
      %neg3A_244 = vector.broadcast %neg3A : f32 to vector<16xf32>
      %neg3A_245 = arith.subf %neg3A_244, %get3A_243 : vector<16xf32>
      %exp3A = math.exp %neg3A_245 : vector<16xf32>
      %add3A_246 = arith.constant 1.000000e+00 : f32
      %add3A_247 = vector.broadcast %add3A_246 : f32 to vector<16xf32>
      %add3A_248 = arith.addf %add3A_247, %exp3A : vector<16xf32>
      %div3A = arith.constant 1.000000e+00 : f32
      %div3A_249 = vector.broadcast %div3A : f32 to vector<16xf32>
      %div3A_250 = arith.divf %div3A_249, %add3A_248 : vector<16xf32>
      %add3A_251 = arith.constant 0 : i32
      %add3A_252 = arith.addi %mul3A_239, %add3A_251 : i32
      %swap3A = arith.index_cast %add3A_252 : i32 to index
      %swap3A_253 = tpu.vector_load %arg9[%swap3A] {strides = array<i32>} : memref<12800xf32, #tpu.memory_space<vmem>>, vector<16xf32>,
      %swap3A_254 = vector.shape_cast %swap3A_253 : vector<16xf32> to vector<16xf32>
      %swap3A_255 = vector.shape_cast %div3A_250 : vector<16xf32> to vector<16xf32>
      tpu.vector_store %arg9[%swap3A], %swap3A_255 {strides = array<i32>} : memref<12800xf32, #tpu.memory_space<vmem>>, vector<16xf32>,
      %add3A_256 = arith.constant 16 : i32
      %add3A_257 = arith.addi %mul3A_239, %add3A_256 : i32
      %get3A_258 = arith.index_cast %add3A_257 : i32 to index
      %get3A_259 = tpu.vector_load %arg9[%get3A_258] {strides = array<i32>} : memref<12800xf32, #tpu.memory_space<vmem>>, vector<16xf32>,
      %get3A_260 = vector.shape_cast %get3A_259 : vector<16xf32> to vector<16xf32>
      %neg3A_261 = arith.constant 0.000000e+00 : f32
      %neg3A_262 = vector.broadcast %neg3A_261 : f32 to vector<16xf32>
      %neg3A_263 = arith.subf %neg3A_262, %get3A_260 : vector<16xf32>
      %exp3A_264 = math.exp %neg3A_263 : vector<16xf32>
      %add3A_265 = arith.constant 1.000000e+00 : f32
      %add3A_266 = vector.broadcast %add3A_265 : f32 to vector<16xf32>
      %add3A_267 = arith.addf %add3A_266, %exp3A_264 : vector<16xf32>
      %div3A_268 = arith.constant 1.000000e+00 : f32
      %div3A_269 = vector.broadcast %div3A_268 : f32 to vector<16xf32>
      %div3A_270 = arith.divf %div3A_269, %add3A_267 : vector<16xf32>
      %add3A_271 = arith.constant 16 : i32
      %add3A_272 = arith.addi %mul3A_239, %add3A_271 : i32
      %swap3A_273 = arith.index_cast %add3A_272 : i32 to index
      %swap3A_274 = tpu.vector_load %arg9[%swap3A_273] {strides = array<i32>} : memref<12800xf32, #tpu.memory_space<vmem>>, vector<16xf32>,
      %swap3A_275 = vector.shape_cast %swap3A_274 : vector<16xf32> to vector<16xf32>
      %swap3A_276 = vector.shape_cast %div3A_270 : vector<16xf32> to vector<16xf32>
      tpu.vector_store %arg9[%swap3A_273], %swap3A_276 {strides = array<i32>} : memref<12800xf32, #tpu.memory_space<vmem>>, vector<16xf32>,
      %add3A_277 = arith.constant 32 : i32
      %add3A_278 = arith.addi %mul3A_239, %add3A_277 : i32
      %get3A_279 = arith.index_cast %add3A_278 : i32 to index
      %get3A_280 = tpu.vector_load %arg9[%get3A_279] {strides = array<i32>} : memref<12800xf32, #tpu.memory_space<vmem>>, vector<16xf32>,
      %get3A_281 = vector.shape_cast %get3A_280 : vector<16xf32> to vector<16xf32>
      %neg3A_282 = arith.constant 0.000000e+00 : f32
      %neg3A_283 = vector.broadcast %neg3A_282 : f32 to vector<16xf32>
      %neg3A_284 = arith.subf %neg3A_283, %get3A_281 : vector<16xf32>
      %exp3A_285 = math.exp %neg3A_284 : vector<16xf32>
      %add3A_286 = arith.constant 1.000000e+00 : f32
      %add3A_287 = vector.broadcast %add3A_286 : f32 to vector<16xf32>
      %add3A_288 = arith.addf %add3A_287, %exp3A_285 : vector<16xf32>
      %div3A_289 = arith.constant 1.000000e+00 : f32
      %div3A_290 = vector.broadcast %div3A_289 : f32 to vector<16xf32>
      %div3A_291 = arith.divf %div3A_290, %add3A_288 : vector<16xf32>
      %add3A_292 = arith.constant 32 : i32
      %add3A_293 = arith.addi %mul3A_239, %add3A_292 : i32
      %swap3A_294 = arith.index_cast %add3A_293 : i32 to index
      %swap3A_295 = tpu.vector_load %arg9[%swap3A_294] {strides = array<i32>} : memref<12800xf32, #tpu.memory_space<vmem>>, vector<16xf32>,
      %swap3A_296 = vector.shape_cast %swap3A_295 : vector<16xf32> to vector<16xf32>
      %swap3A_297 = vector.shape_cast %div3A_291 : vector<16xf32> to vector<16xf32>
      tpu.vector_store %arg9[%swap3A_294], %swap3A_297 {strides = array<i32>} : memref<12800xf32, #tpu.memory_space<vmem>>, vector<16xf32>,
      %add3A_298 = arith.constant 48 : i32
      %add3A_299 = arith.addi %mul3A_239, %add3A_298 : i32
      %get3A_300 = arith.index_cast %add3A_299 : i32 to index
      %get3A_301 = tpu.vector_load %arg9[%get3A_300] {strides = array<i32>} : memref<12800xf32, #tpu.memory_space<vmem>>, vector<16xf32>,
      %get3A_302 = vector.shape_cast %get3A_301 : vector<16xf32> to vector<16xf32>
      %neg3A_303 = arith.constant 0.000000e+00 : f32
      %neg3A_304 = vector.broadcast %neg3A_303 : f32 to vector<16xf32>
      %neg3A_305 = arith.subf %neg3A_304, %get3A_302 : vector<16xf32>
      %exp3A_306 = math.exp %neg3A_305 : vector<16xf32>
      %add3A_307 = arith.constant 1.000000e+00 : f32
      %add3A_308 = vector.broadcast %add3A_307 : f32 to vector<16xf32>
      %add3A_309 = arith.addf %add3A_308, %exp3A_306 : vector<16xf32>
      %div3A_310 = arith.constant 1.000000e+00 : f32
      %div3A_311 = vector.broadcast %div3A_310 : f32 to vector<16xf32>
      %div3A_312 = arith.divf %div3A_311, %add3A_309 : vector<16xf32>
      %add3A_313 = arith.constant 48 : i32
      %add3A_314 = arith.addi %mul3A_239, %add3A_313 : i32
      %swap3A_315 = arith.index_cast %add3A_314 : i32 to index
      %swap3A_316 = tpu.vector_load %arg9[%swap3A_315] {strides = array<i32>} : memref<12800xf32, #tpu.memory_space<vmem>>, vector<16xf32>,
      %swap3A_317 = vector.shape_cast %swap3A_316 : vector<16xf32> to vector<16xf32>
      %swap3A_318 = vector.shape_cast %div3A_312 : vector<16xf32> to vector<16xf32>
      tpu.vector_store %arg9[%swap3A_315], %swap3A_318 {strides = array<i32>} : memref<12800xf32, #tpu.memory_space<vmem>>, vector<16xf32>,
      %add3A_319 = arith.constant 64 : i32
      %add3A_320 = arith.addi %mul3A_239, %add3A_319 : i32
      %get3A_321 = arith.index_cast %add3A_320 : i32 to index
      %get3A_322 = tpu.vector_load %arg9[%get3A_321] {strides = array<i32>} : memref<12800xf32, #tpu.memory_space<vmem>>, vector<16xf32>,
      %get3A_323 = vector.shape_cast %get3A_322 : vector<16xf32> to vector<16xf32>
      %neg3A_324 = arith.constant 0.000000e+00 : f32
      %neg3A_325 = vector.broadcast %neg3A_324 : f32 to vector<16xf32>
      %neg3A_326 = arith.subf %neg3A_325, %get3A_323 : vector<16xf32>
      %exp3A_327 = math.exp %neg3A_326 : vector<16xf32>
      %add3A_328 = arith.constant 1.000000e+00 : f32
      %add3A_329 = vector.broadcast %add3A_328 : f32 to vector<16xf32>
      %add3A_330 = arith.addf %add3A_329, %exp3A_327 : vector<16xf32>
      %div3A_331 = arith.constant 1.000000e+00 : f32
      %div3A_332 = vector.broadcast %div3A_331 : f32 to vector<16xf32>
      %div3A_333 = arith.divf %div3A_332, %add3A_330 : vector<16xf32>
      %add3A_334 = arith.constant 64 : i32
      %add3A_335 = arith.addi %mul3A_239, %add3A_334 : i32
      %swap3A_336 = arith.index_cast %add3A_335 : i32 to index
      %swap3A_337 = tpu.vector_load %arg9[%swap3A_336] {strides = array<i32>} : memref<12800xf32, #tpu.memory_space<vmem>>, vector<16xf32>,
      %swap3A_338 = vector.shape_cast %swap3A_337 : vector<16xf32> to vector<16xf32>
      %swap3A_339 = vector.shape_cast %div3A_333 : vector<16xf32> to vector<16xf32>
      tpu.vector_store %arg9[%swap3A_336], %swap3A_339 {strides = array<i32>} : memref<12800xf32, #tpu.memory_space<vmem>>, vector<16xf32>,
      %add3A_340 = arith.constant 80 : i32
      %add3A_341 = arith.addi %mul3A_239, %add3A_340 : i32
      %get3A_342 = arith.index_cast %add3A_341 : i32 to index
      %get3A_343 = tpu.vector_load %arg9[%get3A_342] {strides = array<i32>} : memref<12800xf32, #tpu.memory_space<vmem>>, vector<16xf32>,
      %get3A_344 = vector.shape_cast %get3A_343 : vector<16xf32> to vector<16xf32>
      %neg3A_345 = arith.constant 0.000000e+00 : f32
      %neg3A_346 = vector.broadcast %neg3A_345 : f32 to vector<16xf32>
      %neg3A_347 = arith.subf %neg3A_346, %get3A_344 : vector<16xf32>
      %exp3A_348 = math.exp %neg3A_347 : vector<16xf32>
      %add3A_349 = arith.constant 1.000000e+00 : f32
      %add3A_350 = vector.broadcast %add3A_349 : f32 to vector<16xf32>
      %add3A_351 = arith.addf %add3A_350, %exp3A_348 : vector<16xf32>
      %div3A_352 = arith.constant 1.000000e+00 : f32
      %div3A_353 = vector.broadcast %div3A_352 : f32 to vector<16xf32>
      %div3A_354 = arith.divf %div3A_353, %add3A_351 : vector<16xf32>
      %add3A_355 = arith.constant 80 : i32
      %add3A_356 = arith.addi %mul3A_239, %add3A_355 : i32
      %swap3A_357 = arith.index_cast %add3A_356 : i32 to index
      %swap3A_358 = tpu.vector_load %arg9[%swap3A_357] {strides = array<i32>} : memref<12800xf32, #tpu.memory_space<vmem>>, vector<16xf32>,
      %swap3A_359 = vector.shape_cast %swap3A_358 : vector<16xf32> to vector<16xf32>
      %swap3A_360 = vector.shape_cast %div3A_354 : vector<16xf32> to vector<16xf32>
      tpu.vector_store %arg9[%swap3A_357], %swap3A_360 {strides = array<i32>} : memref<12800xf32, #tpu.memory_space<vmem>>, vector<16xf32>,
      %add3A_361 = arith.constant 96 : i32
      %add3A_362 = arith.addi %mul3A_239, %add3A_361 : i32
      %get3A_363 = arith.index_cast %add3A_362 : i32 to index
      %get3A_364 = tpu.vector_load %arg9[%get3A_363] {strides = array<i32>} : memref<12800xf32, #tpu.memory_space<vmem>>, vector<16xf32>,
      %get3A_365 = vector.shape_cast %get3A_364 : vector<16xf32> to vector<16xf32>
      %neg3A_366 = arith.constant 0.000000e+00 : f32
      %neg3A_367 = vector.broadcast %neg3A_366 : f32 to vector<16xf32>
      %neg3A_368 = arith.subf %neg3A_367, %get3A_365 : vector<16xf32>
      %exp3A_369 = math.exp %neg3A_368 : vector<16xf32>
      %add3A_370 = arith.constant 1.000000e+00 : f32
      %add3A_371 = vector.broadcast %add3A_370 : f32 to vector<16xf32>
      %add3A_372 = arith.addf %add3A_371, %exp3A_369 : vector<16xf32>
      %div3A_373 = arith.constant 1.000000e+00 : f32
      %div3A_374 = vector.broadcast %div3A_373 : f32 to vector<16xf32>
      %div3A_375 = arith.divf %div3A_374, %add3A_372 : vector<16xf32>
      %add3A_376 = arith.constant 96 : i32
      %add3A_377 = arith.addi %mul3A_239, %add3A_376 : i32
      %swap3A_378 = arith.index_cast %add3A_377 : i32 to index
      %swap3A_379 = tpu.vector_load %arg9[%swap3A_378] {strides = array<i32>} : memref<12800xf32, #tpu.memory_space<vmem>>, vector<16xf32>,
      %swap3A_380 = vector.shape_cast %swap3A_379 : vector<16xf32> to vector<16xf32>
      %swap3A_381 = vector.shape_cast %div3A_375 : vector<16xf32> to vector<16xf32>
      tpu.vector_store %arg9[%swap3A_378], %swap3A_381 {strides = array<i32>} : memref<12800xf32, #tpu.memory_space<vmem>>, vector<16xf32>,
      %add3A_382 = arith.constant 112 : i32
      %add3A_383 = arith.addi %mul3A_239, %add3A_382 : i32
      %get3A_384 = arith.index_cast %add3A_383 : i32 to index
      %get3A_385 = tpu.vector_load %arg9[%get3A_384] {strides = array<i32>} : memref<12800xf32, #tpu.memory_space<vmem>>, vector<16xf32>,
      %get3A_386 = vector.shape_cast %get3A_385 : vector<16xf32> to vector<16xf32>
      %neg3A_387 = arith.constant 0.000000e+00 : f32
      %neg3A_388 = vector.broadcast %neg3A_387 : f32 to vector<16xf32>
      %neg3A_389 = arith.subf %neg3A_388, %get3A_386 : vector<16xf32>
      %exp3A_390 = math.exp %neg3A_389 : vector<16xf32>
      %add3A_391 = arith.constant 1.000000e+00 : f32
      %add3A_392 = vector.broadcast %add3A_391 : f32 to vector<16xf32>
      %add3A_393 = arith.addf %add3A_392, %exp3A_390 : vector<16xf32>
      %div3A_394 = arith.constant 1.000000e+00 : f32
      %div3A_395 = vector.broadcast %div3A_394 : f32 to vector<16xf32>
      %div3A_396 = arith.divf %div3A_395, %add3A_393 : vector<16xf32>
      %add3A_397 = arith.constant 112 : i32
      %add3A_398 = arith.addi %mul3A_239, %add3A_397 : i32
      %swap3A_399 = arith.index_cast %add3A_398 : i32 to index
      %swap3A_400 = tpu.vector_load %arg9[%swap3A_399] {strides = array<i32>} : memref<12800xf32, #tpu.memory_space<vmem>>, vector<16xf32>,
      %swap3A_401 = vector.shape_cast %swap3A_400 : vector<16xf32> to vector<16xf32>
      %swap3A_402 = vector.shape_cast %div3A_396 : vector<16xf32> to vector<16xf32>
      tpu.vector_store %arg9[%swap3A_399], %swap3A_402 {strides = array<i32>} : memref<12800xf32, #tpu.memory_space<vmem>>, vector<16xf32>,
      %scan3A_403 = arith.constant 0 : i32
      scf.yield %scan3A_403 : i32
    }
    %scan3A_224 = arith.constant 100 : i32
    %mul3A_225 = arith.constant 102400 : i32
    %mul3A_226 = arith.muli %add3A, %mul3A_225 : i32
    %add3A_227 = arith.constant 89600 : i32
    %add3A_228 = arith.addi %mul3A_226, %add3A_227 : i32
    %multiple_of3A_229 = tpu.assume_multiple %add3A_228, 8 : i32
    %dma_start3A_230 = tpu.memref_slice %arg4[%multiple_of3A_229] : memref<3276800xf32, #tpu.memory_space<hbm>> -> memref<12800xf32, #tpu.memory_space<hbm>>
    %dma_start3A_231 = tpu.memref_slice %arg4[%multiple_of3A_229] : memref<3276800xf32, #tpu.memory_space<hbm>> -> memref<12800xf32, #tpu.memory_space<hbm>>
    tpu.enqueue_dma source(%arg9 : memref<12800xf32, #tpu.memory_space<vmem>>) target(%dma_start3A_231 : memref<12800xf32, #tpu.memory_space<hbm>>) target_semaphore(%arg16 : memref<!tpu.dma_semaphore, #tpu.memory_space<semaphore_mem>>)
    %dma_wait3A_232 = tpu.memref_slice %arg4[%multiple_of3A_213] : memref<3276800xf32, #tpu.memory_space<hbm>> -> memref<12800xf32, #tpu.memory_space<hbm>>
    %dma_wait3A_233 = tpu.memref_slice %arg4[%multiple_of3A_213] : memref<3276800xf32, #tpu.memory_space<hbm>> -> memref<12800xf32, #tpu.memory_space<hbm>>
    tpu.wait_dma2 semaphore(%arg15 : memref<!tpu.dma_semaphore, #tpu.memory_space<semaphore_mem>>) src(%arg8 : memref<12800xf32, #tpu.memory_space<vmem>>) dst(%dma_wait3A_233 : memref<12800xf32, #tpu.memory_space<hbm>>)
    %dma_wait3A_234 = tpu.memref_slice %arg4[%multiple_of3A_229] : memref<3276800xf32, #tpu.memory_space<hbm>> -> memref<12800xf32, #tpu.memory_space<hbm>>
    %dma_wait3A_235 = tpu.memref_slice %arg4[%multiple_of3A_229] : memref<3276800xf32, #tpu.memory_space<hbm>> -> memref<12800xf32, #tpu.memory_space<hbm>>
    tpu.wait_dma2 semaphore(%arg16 : memref<!tpu.dma_semaphore, #tpu.memory_space<semaphore_mem>>) src(%arg9 : memref<12800xf32, #tpu.memory_space<vmem>>) dst(%dma_wait3A_235 : memref<12800xf32, #tpu.memory_space<hbm>>)
    return
  }
}

</mosaic_0001>

<sc_bundles>
// kernel: kernel.3.cloned.1.call-start
scs
__scs_entry_jumppad:
0x0: {  	(pc) =	sbr.rel $0x88, $3  }
0x1: {  	(tag) =	ssettag $0x0;
	lr =	simm.s32 $0x1  }
0x2: {  	[smem:$0x3F9F] =	sst lr;
	_ =	strace $0xD0000000  }
0x3: {  	_ = 	snop  }
0x4: {  	_ = 	snop  }
0x5: {  	_ = 	snop  }
0x6: {  	_ = 	snop  }
0x7: {  	_ = 	snop  }
__scs_overlays_trampoline_lowered:
0x8: {  	[smem:$0x3FAE] =	sst s0  }
0x9: {  	[smem:$0x3FAF] =	sst s1  }
0xa: {  	[smem:$0x3FB0] =	sst s2  }
0xb: {  	[smem:$0x3FB1] =	sst s3  }
0xc: {  	[smem:$0x3FB2] =	sst s4  }
0xd: {  	[smem:$0x3FB3] =	sst s5  }
0xe: {  	[smem:$0x3FB4] =	sst s6  }
0xf: {  	[smem:$0x3FB5] =	sst s7  }
0x10: {  	[smem:$0x3FB6] =	sst s8  }
0x11: {  	[smem:$0x3FB7] =	sst s9;
	s0 =	simm.s32 @!p0 $0x0  }
0x12: {  	s1 =	sld [smem:$0x3F9D];
	s0 =	simm.s32 @p0 $0x1  }
0x13: {  	[smem:$0x3FB8] =	sst s0;
	s0 =	simm.s32 @!p1 $0x0  }
0x14: {  	s2 =	sld [smem:$0x3F9C];
	s0 =	simm.s32 @p1 $0x1  }
0x15: {  	[smem:$0x3FB9] =	sst s0;
	s0 =	simm.s32 @!p2 $0x0  }
0x16: {  	s3 =	sld [smem:$0x3FDB];
	s0 =	simm.s32 @p2 $0x1  }
0x17: {  	s4 =	simm.s32 $0x1BF5;
	[smem:$0x3FBB] =	sst s0  }
0x18: {  	s0 =	sld [smem:$0x3F9E];
	_ =	swait.ge [sflag:s4], $0x0  }
0x19: {  	s7 =	sld [smem:$0x3F9F]  }
0x1a: {  	s8 =	sadd.s32 $0xFFFFE003, lr  }
0x1b: {  	s9 =	sadd.s32 $0xFFFFFEF7, lr;
	s5 =	simm.s32 $0xFFFFFFFF;
	p2 =	slt.u32 s8, $0xFFFFF086  }
0x1c: {  	p1 =	slt.u32 s9, $0xF7A;
	s5 =	simm.s32 @!p2 $0x0  }
0x1d: {  	s5 =	simm.s32 @p1 $0x1;
	p0 =	seq.s32 s7, s2  }
0x1e: {  	s7 =	smul.u32 @!p0 $0xF7A, s2;
	p2 =	seq.s32 @!p0 s5, $0x0  }
0x1f: {  	s9 =	smul.u32 $0xF7A, s1;
	s8 =	simm.s32 @!p0 $0x1BF5;
	p2 =	por !p2, p0  }
0x20: {  	[sflag:s8] =	ssyncset.s32 @!p0 $0xFFFFF086;
	s6 =	sadd.s32 @!p0 s3, s7;
	s7 =	simm.s32 @!p0 $0x108  }
0x21: {  	s3 =	sadd.s32 s3, s9;
	s6 =	sadd.s32 @!p0 $0x88, s6;
	s7 =	simm.s32 @p2 $0x1082  }
0x22: {  	[simem:s7], [sflag:s8] =	dma.local @!p0 [hbm:s6], $0xF7A  }
0x23: {  	s9 =	sor.u32 $0xD0000000, s2;
	s6 =	simm.s32 $0x108;
	_ =	swait.ge @!p0 [sflag:s8], $0x0  }
0x24: {  	s3 =	sadd.s32 $0x88, s3;
	s6 =	simm.s32 @!p1 $0x1082;
	[sflag:s4] =	ssyncset.s32 $0xFFFFF086  }
0x25: {  	[simem:s6], [sflag:s4] =	dma.local [hbm:s3], $0xF7A  }
0x26: {  	[smem:$0x3F9F] =	sst s1;
	(tag) =	ssettag s2;
	_ =	strace s9  }
0x27: {  	s1 =	sld [smem:$0x3FAF]  }
0x28: {  	s2 =	sld [smem:$0x3FB0]  }
0x29: {  	s4 =	sld [smem:$0x3FB2]  }
0x2a: {  	p0 =	seq.s32 s5, $0x0;
	s5 =	sld [smem:$0x3FB3]  }
0x2b: {  	s6 =	sld [smem:$0x3FB4]  }
0x2c: {  	s7 =	sld [smem:$0x3FB5]  }
0x2d: {  	s3 =	simm.s32 $0x108;
	s8 =	sld [smem:$0x3FB6]  }
0x2e: {  	s3 =	simm.s32 @!p0 $0x1082;
	s9 =	sld [smem:$0x3FB7]  }
0x2f: {  	lr =	sadd.s32 s0, s3;
	s0 =	sld [smem:$0x3FAE]  }
0x30: {  	s3 =	sld [smem:$0x3FB1]  }
0x31: {  	[smem:$0x3FBA] =	sst s10  }
0x32: {  	s10 =	sld [smem:$0x3FB8];
	_ =	sdelay $0x3  }
0x33: {  	p0 =	seq.s32 s10, $0x1;
	s10 =	sld [smem:$0x3FBA];
	_ =	sdelay $0x3  }
0x34: {  	[smem:$0x3FBA] =	sst s10  }
0x35: {  	s10 =	sld [smem:$0x3FB9];
	_ =	sdelay $0x3  }
0x36: {  	p1 =	seq.s32 s10, $0x1;
	s10 =	sld [smem:$0x3FBA];
	_ =	sdelay $0x3  }
0x37: {  	[smem:$0x3FBA] =	sst s10  }
0x38: {  	s10 =	sld [smem:$0x3FBB]  }
0x39: {  	_ = 	snop;
	(pc) =	sbr.ind lr, $3  }
0x3a: {  	_ = 	snop  }
0x3b: {  	_ = 	snop  }
0x3c: {  	p2 =	seq.s32 s10, $0x1;
	s10 =	sld [smem:$0x3FBA]  }
0x3d: {  	_ =	shalt  }
0x3e: {  	_ =	shalt  }
0x3f: {  	_ =	shalt  }
0x40: {  	_ =	shalt  }
0x41: {  	_ =	shalt  }
0x42: {  	_ =	shalt  }
0x43: {  	_ =	shalt  }
0x44: {  	_ =	shalt  }
0x45: {  	_ =	shalt  }
0x46: {  	_ =	shalt  }
0x47: {  	_ =	shalt  }
0x48: {  	_ =	shalt  }
0x49: {  	_ =	shalt  }
0x4a: {  	_ =	shalt  }
0x4b: {  	_ =	shalt  }
0x4c: {  	_ =	shalt  }
0x4d: {  	_ =	shalt  }
0x4e: {  	_ =	shalt  }
0x4f: {  	_ =	shalt  }
0x50: {  	_ =	shalt  }
0x51: {  	_ =	shalt  }
0x52: {  	_ =	shalt  }
0x53: {  	_ =	shalt  }
0x54: {  	_ =	shalt  }
0x55: {  	_ =	shalt  }
0x56: {  	_ =	shalt  }
0x57: {  	_ =	shalt  }
0x58: {  	_ =	shalt  }
0x59: {  	_ =	shalt  }
0x5a: {  	_ =	shalt  }
0x5b: {  	_ =	shalt  }
0x5c: {  	_ =	shalt  }
0x5d: {  	_ =	shalt  }
0x5e: {  	_ =	shalt  }
0x5f: {  	_ =	shalt  }
0x60: {  	_ =	shalt  }
0x61: {  	_ =	shalt  }
0x62: {  	_ =	shalt  }
0x63: {  	_ =	shalt  }
0x64: {  	_ =	shalt  }
0x65: {  	_ =	shalt  }
0x66: {  	_ =	shalt  }
0x67: {  	_ =	shalt  }
0x68: {  	_ =	shalt  }
0x69: {  	_ =	shalt  }
0x6a: {  	_ =	shalt  }
0x6b: {  	_ =	shalt  }
0x6c: {  	_ =	shalt  }
0x6d: {  	_ =	shalt  }
0x6e: {  	_ =	shalt  }
0x6f: {  	_ =	shalt  }
0x70: {  	_ =	shalt  }
0x71: {  	_ =	shalt  }
0x72: {  	_ =	shalt  }
0x73: {  	_ =	shalt  }
0x74: {  	_ =	shalt  }
0x75: {  	_ =	shalt  }
0x76: {  	_ =	shalt  }
0x77: {  	_ =	shalt  }
0x78: {  	_ =	shalt  }
0x79: {  	_ =	shalt  }
0x7a: {  	_ =	shalt  }
0x7b: {  	_ =	shalt  }
0x7c: {  	_ =	shalt  }
0x7d: {  	_ =	shalt  }
0x7e: {  	_ =	shalt  }
0x7f: {  	_ =	shalt  }
0x80: {  	_ =	shalt  }
0x81: {  	_ =	shalt  }
0x82: {  	_ =	shalt  }
0x83: {  	_ =	shalt  }
0x84: {  	_ =	shalt  }
0x85: {  	_ =	shalt  }
0x86: {  	_ =	shalt  }
0x87: {  	_ =	shalt  }
.Lfunc_end0:
.L_simem_size_0:
called_computation_lowered:
.L_overlay_start_0:
0x88: {  	s2 =	sld [smem:$0x3FD9]  }
0x89: {  	s3 =	sld [smem:$0x3FFE];
	_ =	sdelay $0x1  }
0x8a: {  	s1 =	srdreg.scid  }
0x8b: {  	s0 =	sand.u32 $0x1, s1  }
0x8c: {  	s17 =	sshll.u32 s0, $0xA;
	s2 =	sadd.s32 s3, s2  }
0x8d: {  	s2 =	sadd.s32 s2, s17  }
0x8e: {  	[smem:$0x3FC6] =	sst s2  }
0x8f: {  	_ = 	snop  }
0x90: {  	s2 =	sld [smem:$0x3FD0];
	(tm) =	ssettm $0x1  }
0x91: {  	s18 =	sld [smem:$0x3FFB];
	_ =	sdelay $0x3  }
0x92: {  	_ =	strace s18  }
0x93: {  	s3 =	sld [smem:$0x3FFC];
	_ =	sdelay $0x3  }
0x94: {  	_ =	strace s3  }
0x95: {  	s3 =	sld [smem:$0x3FFD];
	_ =	sdelay $0x3  }
0x96: {  	_ =	strace s3  }
0x97: {  	_ =	strace $0x8FFFFFFF  }
0x98: {  	s19 =	sld [smem:$0x3FDB];
	_ =	sdelay $0x1  }
0x99: {  	s4 =	simm.s32 $_scs_section_size  }
0x9a: {  	s5 =	simm.s32 $_size__tile_overlayer_lowered;
	s6 =	simm.s32 $_tile_overlayer_lowered  }
0x9b: {  	s22 =	simm.s32 $0x1BFF;
	s21 =	sshll.u32 s6, $0x1;
	s3 =	sadd.s32 s4, s19  }
0x9c: {  	s7 =	simm.s32 $0x0;
	s20 =	sshll.u32 s5, $0x1;
	s5 =	sadd.s32 s21, s3  }
0x9d: {  	[timem:s7], [sflag:s22] =	dma.local [hbm:s5], s20  }
0x9e: {  	_ =	swait.ge [sflag:s22], s20  }
0x9f: {  	s4 =	ssub.s32 $0x0, s20;
	[sflag:s22] =	ssyncset.done $0x0  }
0xa0: {  	[sflag:s22] =	ssyncadd.s32 s4;
	_ =	sdelay $0x1  }
0xa1: {  	s23 =	simm.s32 $0x1B8B  }
0xa2: {  	_ =	swait.ge [sflag:s23], $0x1  }
0xa3: {  	[sflag:s23] =	ssyncset.done $0x0  }
0xa4: {  	s25 =	simm.s32 $0x1B8E;
	s24 =	sld [smem:$0x3FFE];
	[sflag:s23] =	ssyncadd.s32 $0xFFFFFFFF  }
0xa5: {  	s26 =	simm.s32 $execute0_lowered;
	[smem:$0x3FD2] =	sst s25  }
0xa6: {  	s5 =	sshll.u32 s26, $0x1;
	_ =	strace $0x80000046;
	[dreg:$0x1] =	wrdreg $0xFFFFFFFF  }
0xa7: {  	s28 =	simm.s32 $_size_execute0_lowered;
	s3 =	sadd.s32 s3, s5;
	[dreg:$0x0] =	wrdreg $0x0  }
0xa8: {  	s5 =	sshll.u32 s28, $0x1;
	[dreg:$0x2] =	wrdreg s3  }
0xa9: {  	[dreg:$0x3] =	wrdreg s5  }
0xaa: {  	[dreg:$0x4] =	wrdreg $0xC0  }
0xab: {  	_ =	task [dreg:s7], $0x5FFFF  }
0xac: {  	[dreg:$0x1] =	wrdreg $0xFFFFFFFF  }
0xad: {  	[dreg:$0x0] =	wrdreg $0x60  }
0xae: {  	[dreg:$0x2] =	wrdreg s24  }
0xaf: {  	[dreg:$0x3] =	wrdreg s2  }
0xb0: {  	[dreg:$0x4] =	wrdreg $0x0  }
0xb1: {  	[dreg:$0x5] =	wrdreg $0x9  }
0xb2: {  	_ =	task.clear_ibuf [dreg:s7], $0x6FFFF;
	_ =	strace $0x90000046  }
0xb3: {  	s29 =	simm.s32 $0x9;
	_ =	strace $0x80000048  }
0xb4: {  	_ =	swait.ge [sflag:s29], $0x1  }
0xb5: {  	[sflag:s29] =	ssyncadd.s32 $0xFFFFFFFF  }
0xb6: {  	_ =	strace $0x90000048  }
0xb7: {  	_ =	sfence  }
0xb8: {  	s30 =	sld [smem:$0x0];
	_ =	sdelay $0x2  }
0xb9: {  	s31 =	sshll.u32 s1, $0xD;
	s1 =	sshrl.u32 s1, $0x2  }
0xba: {  	s3 =	sand.u32 $0x4000, s31;
	s1 =	sadd.s32 s1, s30  }
0xbb: {  	s0 =	sor.u32 s3, s0;
	s1 =	sshll.u32 s1, $0x11  }
0xbc: {  	s0 =	sor.u32 s1, s0  }
0xbd: {  	s0 =	sadd.s32 $0x8F2B, s0  }
0xbe: {  	[sflag:s0] =	ssyncadd.remote.s32 $0x1  }
0xbf: {  	_ =	sfence.sel $0xFFFF  }
0xc0: {  	[dreg:$0x0] =	wrdreg $0xFFFFFFFF;
	(pc) =	sbr.abs _section_cstart, $3  }
0xc1: {  	[dreg:$0x1] =	wrdreg $0xFFFFFFFF  }
0xc2: {  	_ =	task.clear_ibuf [dreg:s7], $0x2FFFF;
	_ =	strace $0x9FFFFFFF  }
0xc3: {  	(tm) =	ssettm $0x7FFFFFFF  }
tec
execute0_lowered:
.L_overlay_start_1:
0x0: {  	(tag) =	ssettag $0x1  }
0x1: {  	s0 =	rddreg [dreg:$0x0]  }
0x2: {  	s2 =	rddreg [dreg:$0x1]  }
0x3: {  	s1 =	rddreg [dreg:$0x2]  }
0x4: {  	s3 =	simm.s32 $0x0;
	s9 =	stileid.u32;
	s4 =	srdreg.scid  }
0x5: {  	s28 =	simm.s32 $0x2;
	s29 =	simm.s32 $0x3200;
	s30 =	simm.s32 $0x16400  }
0x6: {  	s31 =	simm.s32 $0x4;
	[smem:$0x7FF] =	sst s3;
	s5 =	sshll.u32 s9, $0xD  }
0x7: {  	s4 =	sand.u32 $0x1, s4;
	s6 =	sshll.u32 s9, $0x1;
	s8 =	sshll.u32 s9, $0x10  }
0x8: {  	s17 =	sshll.u32 s9, $0x6;
	_ =	strace $0x80000047;
	s5 =	sadd.s32 s5, s0  }
0x9: {  	s7 =	ssub.s32 $0x2, s4;
	s4 =	sor.u32 s4, s6;
	s0 =	sadd.s32 $0x20600, s0  }
0xa: {  	s16 =	sshrl.u32 s7, $0x1;
	s4 =	smul.u32 $0x19000, s4;
	s5 =	sadd.s32 $0x600, s5  }
0xb: {  	s6 =	ssub.s32 s7, s16;
	[dreg:$0x4] =	wrdreg s5;
	s5 =	sor.u32 $0x1C01, s17  }
0xc: {  	s7 =	sadd.s32 s8, s1;
	s4 =	sshrl.u32 s4, $0x3;
	[dreg:$0x5] =	wrdreg s5  }
0xd: {  	s5 =	simm.s32 $0x6;
	s18 =	sadd.s32 s2, s4;
	s19 =	sadd.s32 $0x640, s4  }
0xe: {  	s21 =	sadd.s32 $0xC80, s4;
	s22 =	sadd.s32 $0x12C0, s4;
	s23 =	sadd.s32 s0, s4  }
0xf: {  	s25 =	sadd.s32 $0x1900, s4;
	s26 =	sadd.s32 $0x2580, s4;
	[dreg:$0x6] =	wrdreg s18  }
0x10: {  	s20 =	sadd.s32 s2, s19;
	s10 =	sadd.s32 s2, s21;
	[dreg:$0x9] =	wrdreg s23  }
0x11: {  	s24 =	sadd.s32 s2, s22;
	s11 =	sadd.s32 s0, s19;
	s19 =	sadd.s32 $0x1F40, s4  }
0x12: {  	s12 =	sadd.s32 s2, s25;
	s13 =	sadd.s32 s0, s21;
	s15 =	sadd.s32 s0, s22  }
0x13: {  	s4 =	sadd.s32 $0x2BC0, s4;
	s16 =	sadd.s32 s2, s26;
	s17 =	sadd.s32 s0, s25  }
0x14: {  	s22 =	smax.u32 s6, $0x1;
	s23 =	sshrl.u32 s7, $0x3;
	[dreg:$0x7] =	wrdreg s20  }
0x15: {  	s25 =	simm.s32 $0x13200;
	s6 =	simm.s32 $0x7;
	[dreg:$0x8] =	wrdreg s10  }
0x16: {  	s7 =	simm.s32 $0x0;
	[dreg:$0xa] =	wrdreg s24;
	s14 =	sadd.s32 s2, s19  }
0x17: {  	s18 =	sadd.s32 s2, s4;
	s19 =	sadd.s32 s0, s19;
	s20 =	sadd.s32 s0, s26  }
0x18: {  	s21 =	sadd.s32 s0, s4;
	s24 =	simm.s32 $0x10000;
	s26 =	simm.s32 $0x1  }
0x19: {  	s0 =	simm.s32 $0x3;
	s2 =	simm.s32 $0x19600;
	s4 =	simm.s32 $0x5  }
.LBB2_1:
0x1a: {  	s8 =	rddreg [dreg:$0x4]  }
0x1b: {  	s9 =	rddreg [dreg:$0x5]  }
0x1c: {  	[spmem:s23], [sflag:s9] =	dma.local [hbm:s8], $0x2000  }
0x1d: {  	s8 =	rddreg [dreg:$0x6]  }
0x1e: {  	[tilespmem:s24], [sflag:$0x2] =	stream.linear.gather [hbm4b:s8+s3], $0x3200, $0x38;
	[tilespmem:$0x1C800] =	vst v63  }
0x1f: {  	s9 =	rddreg [dreg:$0x7]  }
0x20: {  	[tilespmem:s25], [sflag:$0x3] =	stream.linear.gather [hbm4b:s9+s3], $0x3200, $0x38;
	[tilespmem:$0x1C800] =	vst v63  }
0x21: {  	_ =	swait.ge [sflag:s26], $0x2000  }
0x22: {  	[sflag:s26] =	ssyncset.done $0x0  }
0x23: {  	[sflag:s26] =	ssyncadd.s32 $0xFFFFE000  }
0x24: {  	[bflag:$0x0] =	sbarrier.arrive $0xFFFF  }
0x25: {  	_ =	swait.ge [sflag:s28], $0x3200  }
0x26: {  	[sflag:s28] =	ssyncset.done $0x0  }
0x27: {  	[sflag:s28] =	ssyncadd.s32 $0xFFFFCE00  }
0x28: {  	[tilespmem:s30], [sflag:$0x4] =	stream.indirect.gather [spmem:s1], $0x1, s24, s29, $0xb8;
	[tilespmem:$0x1C800] =	vst v63  }
0x29: {  	_ =	swait.ge [sflag:s31], $0x3200  }
0x2a: {  	[sflag:s31] =	ssyncset.done $0x0  }
0x2b: {  	s10 =	rddreg [dreg:$0x8];
	[sflag:s31] =	ssyncadd.s32 $0xFFFFCE00  }
0x2c: {  	[tilespmem:s24], [sflag:$0x2] =	stream.linear.gather [hbm4b:s10+s3], $0x3200, $0x38;
	[tilespmem:$0x1C800] =	vst v63  }
0x2d: {  	_ =	swait.ge [sflag:s0], $0x3200  }
0x2e: {  	[sflag:s0] =	ssyncset.done $0x0  }
0x2f: {  	s8 =	simm.s32 $0x0;
	[sflag:s0] =	ssyncadd.s32 $0xFFFFCE00  }
0x30: {  	[tilespmem:s2], [sflag:$0x5] =	stream.indirect.gather [spmem:s1], $0x1, s25, s29, $0xb8;
	[tilespmem:$0x1C800] =	vst v63  }
0x31: {  	v3 =	vld [tilespmem:s8+$0x16400]  }
0x32: {  	v5 =	vld [tilespmem:s8+$0x16410]  }
0x33: {  	v4 =	vld [tilespmem:s8+$0x16420]  }
0x34: {  	v1 =	vld [tilespmem:s8+$0x16430]  }
0x35: {  	v2 =	vld [tilespmem:s8+$0x16440]  }
0x36: {  	v0 =	vld [tilespmem:s8+$0x16450];
	v6 =	vsub.f32 $0.0e+00, v3  }
0x37: {  	s9 =	simm.s32 $0x200;
	v5 =	vsub.f32 $0.0e+00, v5;
	v3 =	vld [tilespmem:s8+$0x16460]  }
.LBB2_2:
0x38: {  	p0 =	sne.s32 s9, $0xC600;
	v6 =	vmul.f32 $1.442695020e+00, v6;
	v4 =	vsub.f32 $0.0e+00, v4;
	v7 =	vld [tilespmem:s8+$0x16470]  }
0x39: {  	v5 =	vmul.f32 $1.442695020e+00, v5;
	v1 =	vsub.f32 $0.0e+00, v1  }
0x3a: {  	v4 =	vmul.f32 $1.442695020e+00, v4;
	v2 =	vsub.f32 $0.0e+00, v2;
	(erf) = vpow2.f32 v6  }
0x3b: {  	v1 =	vmul.f32 $1.442695020e+00, v1;
	v0 =	vsub.f32 $0.0e+00, v0;
	(erf) = vpow2.f32 v5  }
0x3c: {  	v2 =	vmul.f32 $1.442695020e+00, v2;
	v3 =	vsub.f32 $0.0e+00, v3;
	(erf) = vpow2.f32 v4  }
0x3d: {  	v0 =	vmul.f32 $1.442695020e+00, v0;
	v4 =	vsub.f32 $0.0e+00, v7;
	(erf) = vpow2.f32 v1  }
0x3e: {  	v1 =	vmul.f32 $1.442695020e+00, v3;
	(erf) = vpow2.f32 v2  }
0x3f: {  	v2 =	vmul.f32 $1.442695020e+00, v4;
	(erf) = vpow2.f32 v0  }
0x40: {  	(erf) = vpow2.f32 v1  }
0x41: {  	(erf) = vpow2.f32 v2;
	_ =	sdelay $0x1  }
0x42: {  	v0 =	vpop (erf)  }
0x43: {  	v3 =	vadd.f32 $1.000000000e+00, v0;
	v1 =	vpop (erf)  }
0x44: {  	v4 =	vadd.f32 $1.000000000e+00, v1;
	v2 =	vpop (erf)  }
0x45: {  	v5 =	vadd.f32 $1.000000000e+00, v2;
	(erf) = vrcp.f32 v3;
	v0 =	vpop (erf)  }
0x46: {  	v3 =	vadd.f32 $1.000000000e+00, v0;
	(erf) = vrcp.f32 v4;
	v1 =	vpop (erf)  }
0x47: {  	v4 =	vadd.f32 $1.000000000e+00, v1;
	(erf) = vrcp.f32 v5;
	v2 =	vpop (erf)  }
0x48: {  	v2 =	vadd.f32 $1.000000000e+00, v2;
	(erf) = vrcp.f32 v3;
	v0 =	vpop (erf)  }
0x49: {  	v0 =	vadd.f32 $1.000000000e+00, v0;
	(erf) = vrcp.f32 v4;
	v1 =	vpop (erf)  }
0x4a: {  	v1 =	vadd.f32 $1.000000000e+00, v1;
	(erf) = vrcp.f32 v2  }
0x4b: {  	(erf) = vrcp.f32 v0  }
0x4c: {  	(erf) = vrcp.f32 v1;
	_ =	sdelay $0x1  }
0x4d: {  	v0 =	vpop (erf)  }
0x4e: {  	s10 =	sshra.s32 s9, $0x2;
	[tilespmem:s8+$0x16400] =	vst v0;
	v0 =	vpop (erf)  }
0x4f: {  	v3 =	vld [tilespmem:s10+$0x16400];
	[tilespmem:s8+$0x16410] =	vst v0;
	v0 =	vpop (erf)  }
0x50: {  	v5 =	vld [tilespmem:s10+$0x16410];
	[tilespmem:s8+$0x16420] =	vst v0;
	v0 =	vpop (erf)  }
.Ltmp0:
0x51: {  	v4 =	vld [tilespmem:s10+$0x16420];
	[tilespmem:s8+$0x16430] =	vst v0;
	v0 =	vpop (erf);
	(pc) =	sbr.rel @p0 .LBB2_2-.Ltmp0, $4  }
0x52: {  	v1 =	vld [tilespmem:s10+$0x16430];
	[tilespmem:s8+$0x16440] =	vst v0;
	v0 =	vpop (erf)  }
0x53: {  	v2 =	vld [tilespmem:s10+$0x16440];
	[tilespmem:s8+$0x16450] =	vst v0;
	v7 =	vpop (erf)  }
0x54: {  	v6 =	vsub.f32 $0.0e+00, v3;
	v0 =	vld [tilespmem:s10+$0x16450];
	[tilespmem:s8+$0x16460] =	vst v7;
	v7 =	vpop (erf)  }
0x55: {  	s9 =	sadd.s32 $0x200, s9;
	v5 =	vsub.f32 $0.0e+00, v5;
	v3 =	vld [tilespmem:s10+$0x16460];
	[tilespmem:s8+$0x16470] =	vst v7;
	s8 =	smov.u32 s10  }
0x56: {  	v6 =	vmul.f32 $1.442695020e+00, v6  }
0x57: {  	v5 =	vmul.f32 $1.442695020e+00, v5  }
0x58: {  	v4 =	vsub.f32 $0.0e+00, v4;
	(erf) = vpow2.f32 v6  }
0x59: {  	v1 =	vsub.f32 $0.0e+00, v1;
	(erf) = vpow2.f32 v5  }
0x5a: {  	v7 =	vld [tilespmem:s8+$0x16470];
	v4 =	vmul.f32 $1.442695020e+00, v4;
	v2 =	vsub.f32 $0.0e+00, v2  }
0x5b: {  	v1 =	vmul.f32 $1.442695020e+00, v1;
	v0 =	vsub.f32 $0.0e+00, v0  }
0x5c: {  	v2 =	vmul.f32 $1.442695020e+00, v2;
	v3 =	vsub.f32 $0.0e+00, v3;
	(erf) = vpow2.f32 v4  }
0x5d: {  	v0 =	vmul.f32 $1.442695020e+00, v0;
	(erf) = vpow2.f32 v1  }
0x5e: {  	v1 =	vmul.f32 $1.442695020e+00, v3;
	(erf) = vpow2.f32 v2  }
0x5f: {  	v4 =	vsub.f32 $0.0e+00, v7;
	_ =	sdelay $0x1  }
0x60: {  	v2 =	vmul.f32 $1.442695020e+00, v4;
	(erf) = vpow2.f32 v0;
	v0 =	vpop (erf)  }
0x61: {  	(erf) = vpow2.f32 v1;
	v0 =	vadd.f32 $1.000000000e+00, v0;
	v1 =	vpop (erf)  }
0x62: {  	(erf) = vpow2.f32 v2;
	v1 =	vadd.f32 $1.000000000e+00, v1;
	_ =	sdelay $0x1  }
0x63: {  	v2 =	vpop (erf)  }
0x64: {  	v2 =	vadd.f32 $1.000000000e+00, v2;
	(erf) = vrcp.f32 v0;
	v0 =	vpop (erf)  }
0x65: {  	(erf) = vrcp.f32 v1;
	v0 =	vadd.f32 $1.000000000e+00, v0;
	v1 =	vpop (erf)  }
0x66: {  	v1 =	vadd.f32 $1.000000000e+00, v1;
	_ =	sdelay $0x1  }
0x67: {  	(erf) = vrcp.f32 v2;
	v2 =	vpop (erf)  }
0x68: {  	v2 =	vadd.f32 $1.000000000e+00, v2;
	(erf) = vrcp.f32 v0;
	v0 =	vpop (erf)  }
0x69: {  	(erf) = vrcp.f32 v1;
	v0 =	vadd.f32 $1.000000000e+00, v0;
	v1 =	vpop (erf)  }
0x6a: {  	(erf) = vrcp.f32 v2;
	v1 =	vadd.f32 $1.000000000e+00, v1  }
0x6b: {  	(erf) = vrcp.f32 v0  }
0x6c: {  	(erf) = vrcp.f32 v1;
	_ =	sdelay $0x1  }
0x6d: {  	v0 =	vpop (erf)  }
0x6e: {  	[tilespmem:s8+$0x16400] =	vst v0;
	v0 =	vpop (erf)  }
0x6f: {  	[tilespmem:s8+$0x16410] =	vst v0;
	v0 =	vpop (erf)  }
0x70: {  	[tilespmem:s8+$0x16420] =	vst v0;
	v0 =	vpop (erf)  }
0x71: {  	[tilespmem:s8+$0x16430] =	vst v0;
	v0 =	vpop (erf)  }
0x72: {  	[tilespmem:s8+$0x16440] =	vst v0;
	v0 =	vpop (erf)  }
0x73: {  	[tilespmem:s8+$0x16450] =	vst v0;
	v0 =	vpop (erf)  }
0x74: {  	[tilespmem:s8+$0x16460] =	vst v0;
	v0 =	vpop (erf)  }
0x75: {  	s9 =	rddreg [dreg:$0x9];
	[tilespmem:s8+$0x16470] =	vst v0;
	s8 =	simm.s32 $0x0  }
0x76: {  	[hbm4b:s9+s8] =	stream.linear.scatter [tilespmem:s30], [sflag:$0x6], $0x3200, $0x38;
	[tilespmem:$0x1C800] =	vst v63  }
0x77: {  	_ =	swait.ge [sflag:s4], $0x3200  }
0x78: {  	[sflag:s4] =	ssyncset.done $0x0  }
0x79: {  	s10 =	rddreg [dreg:$0xa];
	[sflag:s4] =	ssyncadd.s32 $0xFFFFCE00  }
0x7a: {  	[tilespmem:s25], [sflag:$0x3] =	stream.linear.gather [hbm4b:s10+s8], $0x3200, $0x38;
	[tilespmem:$0x1C800] =	vst v63  }
0x7b: {  	_ =	swait.ge [sflag:s5], $0x3200  }
0x7c: {  	[sflag:s5] =	ssyncset.done $0x0  }
0x7d: {  	[sflag:s5] =	ssyncadd.s32 $0xFFFFCE00  }
0x7e: {  	_ =	swait.ge [sflag:s28], $0x3200  }
0x7f: {  	[sflag:s28] =	ssyncset.done $0x0  }
0x80: {  	s8 =	simm.s32 $0x0;
	[sflag:s28] =	ssyncadd.s32 $0xFFFFCE00  }
0x81: {  	[tilespmem:s30], [sflag:$0x4] =	stream.indirect.gather [spmem:s1], $0x1, s24, s29, $0xb8;
	[tilespmem:$0x1C800] =	vst v63  }
0x82: {  	v3 =	vld [tilespmem:s8+$0x19600]  }
0x83: {  	v5 =	vld [tilespmem:s8+$0x19610]  }
0x84: {  	v4 =	vld [tilespmem:s8+$0x19620]  }
0x85: {  	v1 =	vld [tilespmem:s8+$0x19630]  }
0x86: {  	v2 =	vld [tilespmem:s8+$0x19640]  }
0x87: {  	v0 =	vld [tilespmem:s8+$0x19650];
	v6 =	vsub.f32 $0.0e+00, v3  }
0x88: {  	s9 =	simm.s32 $0x200;
	v5 =	vsub.f32 $0.0e+00, v5;
	v3 =	vld [tilespmem:s8+$0x19660]  }
.LBB2_4:
0x89: {  	p0 =	sne.s32 s9, $0xC600;
	v6 =	vmul.f32 $1.442695020e+00, v6;
	v4 =	vsub.f32 $0.0e+00, v4;
	v7 =	vld [tilespmem:s8+$0x19670]  }
0x8a: {  	v5 =	vmul.f32 $1.442695020e+00, v5;
	v1 =	vsub.f32 $0.0e+00, v1  }
0x8b: {  	v4 =	vmul.f32 $1.442695020e+00, v4;
	v2 =	vsub.f32 $0.0e+00, v2;
	(erf) = vpow2.f32 v6  }
0x8c: {  	v1 =	vmul.f32 $1.442695020e+00, v1;
	v0 =	vsub.f32 $0.0e+00, v0;
	(erf) = vpow2.f32 v5  }
0x8d: {  	v2 =	vmul.f32 $1.442695020e+00, v2;
	v3 =	vsub.f32 $0.0e+00, v3;
	(erf) = vpow2.f32 v4  }
0x8e: {  	v0 =	vmul.f32 $1.442695020e+00, v0;
	v4 =	vsub.f32 $0.0e+00, v7;
	(erf) = vpow2.f32 v1  }
0x8f: {  	v1 =	vmul.f32 $1.442695020e+00, v3;
	(erf) = vpow2.f32 v2  }
0x90: {  	v2 =	vmul.f32 $1.442695020e+00, v4;
	(erf) = vpow2.f32 v0  }
0x91: {  	(erf) = vpow2.f32 v1  }
0x92: {  	(erf) = vpow2.f32 v2;
	_ =	sdelay $0x1  }
0x93: {  	v0 =	vpop (erf)  }
0x94: {  	v3 =	vadd.f32 $1.000000000e+00, v0;
	v1 =	vpop (erf)  }
0x95: {  	v4 =	vadd.f32 $1.000000000e+00, v1;
	v2 =	vpop (erf)  }
0x96: {  	v5 =	vadd.f32 $1.000000000e+00, v2;
	(erf) = vrcp.f32 v3;
	v0 =	vpop (erf)  }
0x97: {  	v3 =	vadd.f32 $1.000000000e+00, v0;
	(erf) = vrcp.f32 v4;
	v1 =	vpop (erf)  }
0x98: {  	v4 =	vadd.f32 $1.000000000e+00, v1;
	(erf) = vrcp.f32 v5;
	v2 =	vpop (erf)  }
0x99: {  	v2 =	vadd.f32 $1.000000000e+00, v2;
	(erf) = vrcp.f32 v3;
	v0 =	vpop (erf)  }
0x9a: {  	v0 =	vadd.f32 $1.000000000e+00, v0;
	(erf) = vrcp.f32 v4;
	v1 =	vpop (erf)  }
0x9b: {  	v1 =	vadd.f32 $1.000000000e+00, v1;
	(erf) = vrcp.f32 v2  }
0x9c: {  	(erf) = vrcp.f32 v0  }
0x9d: {  	(erf) = vrcp.f32 v1;
	_ =	sdelay $0x1  }
0x9e: {  	v0 =	vpop (erf)  }
0x9f: {  	s10 =	sshra.s32 s9, $0x2;
	[tilespmem:s8+$0x19600] =	vst v0;
	v0 =	vpop (erf)  }
0xa0: {  	v3 =	vld [tilespmem:s10+$0x19600];
	[tilespmem:s8+$0x19610] =	vst v0;
	v0 =	vpop (erf)  }
0xa1: {  	v5 =	vld [tilespmem:s10+$0x19610];
	[tilespmem:s8+$0x19620] =	vst v0;
	v0 =	vpop (erf)  }
.Ltmp1:
0xa2: {  	v4 =	vld [tilespmem:s10+$0x19620];
	[tilespmem:s8+$0x19630] =	vst v0;
	v0 =	vpop (erf);
	(pc) =	sbr.rel @p0 .LBB2_4-.Ltmp1, $4  }
0xa3: {  	v1 =	vld [tilespmem:s10+$0x19630];
	[tilespmem:s8+$0x19640] =	vst v0;
	v0 =	vpop (erf)  }
0xa4: {  	v2 =	vld [tilespmem:s10+$0x19640];
	[tilespmem:s8+$0x19650] =	vst v0;
	v7 =	vpop (erf)  }
0xa5: {  	v6 =	vsub.f32 $0.0e+00, v3;
	v0 =	vld [tilespmem:s10+$0x19650];
	[tilespmem:s8+$0x19660] =	vst v7;
	v7 =	vpop (erf)  }
0xa6: {  	s9 =	sadd.s32 $0x200, s9;
	v5 =	vsub.f32 $0.0e+00, v5;
	v3 =	vld [tilespmem:s10+$0x19660];
	[tilespmem:s8+$0x19670] =	vst v7;
	s8 =	smov.u32 s10  }
0xa7: {  	v6 =	vmul.f32 $1.442695020e+00, v6  }
0xa8: {  	v5 =	vmul.f32 $1.442695020e+00, v5  }
0xa9: {  	v4 =	vsub.f32 $0.0e+00, v4;
	(erf) = vpow2.f32 v6  }
0xaa: {  	v1 =	vsub.f32 $0.0e+00, v1;
	(erf) = vpow2.f32 v5  }
0xab: {  	v7 =	vld [tilespmem:s8+$0x19670];
	v4 =	vmul.f32 $1.442695020e+00, v4;
	v2 =	vsub.f32 $0.0e+00, v2  }
0xac: {  	v1 =	vmul.f32 $1.442695020e+00, v1;
	v0 =	vsub.f32 $0.0e+00, v0  }
0xad: {  	v2 =	vmul.f32 $1.442695020e+00, v2;
	v3 =	vsub.f32 $0.0e+00, v3;
	(erf) = vpow2.f32 v4  }
0xae: {  	v0 =	vmul.f32 $1.442695020e+00, v0;
	(erf) = vpow2.f32 v1  }
0xaf: {  	v1 =	vmul.f32 $1.442695020e+00, v3;
	(erf) = vpow2.f32 v2  }
0xb0: {  	v4 =	vsub.f32 $0.0e+00, v7;
	_ =	sdelay $0x1  }
0xb1: {  	v2 =	vmul.f32 $1.442695020e+00, v4;
	(erf) = vpow2.f32 v0;
	v0 =	vpop (erf)  }
0xb2: {  	(erf) = vpow2.f32 v1;
	v0 =	vadd.f32 $1.000000000e+00, v0;
	v1 =	vpop (erf)  }
0xb3: {  	(erf) = vpow2.f32 v2;
	v1 =	vadd.f32 $1.000000000e+00, v1;
	_ =	sdelay $0x1  }
0xb4: {  	v2 =	vpop (erf)  }
0xb5: {  	v2 =	vadd.f32 $1.000000000e+00, v2;
	(erf) = vrcp.f32 v0;
	v0 =	vpop (erf)  }
0xb6: {  	(erf) = vrcp.f32 v1;
	v0 =	vadd.f32 $1.000000000e+00, v0;
	v1 =	vpop (erf)  }
0xb7: {  	v1 =	vadd.f32 $1.000000000e+00, v1;
	_ =	sdelay $0x1  }
0xb8: {  	(erf) = vrcp.f32 v2;
	v2 =	vpop (erf)  }
0xb9: {  	v2 =	vadd.f32 $1.000000000e+00, v2;
	(erf) = vrcp.f32 v0;
	v0 =	vpop (erf)  }
0xba: {  	(erf) = vrcp.f32 v1;
	v0 =	vadd.f32 $1.000000000e+00, v0;
	v1 =	vpop (erf)  }
0xbb: {  	(erf) = vrcp.f32 v2;
	v1 =	vadd.f32 $1.000000000e+00, v1  }
0xbc: {  	(erf) = vrcp.f32 v0  }
0xbd: {  	(erf) = vrcp.f32 v1;
	_ =	sdelay $0x1  }
0xbe: {  	v0 =	vpop (erf)  }
0xbf: {  	[tilespmem:s8+$0x19600] =	vst v0;
	v0 =	vpop (erf)  }
0xc0: {  	[tilespmem:s8+$0x19610] =	vst v0;
	v0 =	vpop (erf)  }
0xc1: {  	[tilespmem:s8+$0x19620] =	vst v0;
	v0 =	vpop (erf)  }
0xc2: {  	[tilespmem:s8+$0x19630] =	vst v0;
	v0 =	vpop (erf)  }
0xc3: {  	[tilespmem:s8+$0x19640] =	vst v0;
	v0 =	vpop (erf)  }
0xc4: {  	[tilespmem:s8+$0x19650] =	vst v0;
	v0 =	vpop (erf)  }
0xc5: {  	[tilespmem:s8+$0x19660] =	vst v0;
	v0 =	vpop (erf)  }
0xc6: {  	s10 =	simm.s32 $0x0;
	[tilespmem:s8+$0x19670] =	vst v0  }
0xc7: {  	[hbm4b:s11+s10] =	stream.linear.scatter [tilespmem:s2], [sflag:$0x7], $0x3200, $0x38;
	[tilespmem:$0x1C800] =	vst v63  }
0xc8: {  	_ =	swait.ge [sflag:s31], $0x3200  }
0xc9: {  	[sflag:s31] =	ssyncset.done $0x0  }
0xca: {  	[sflag:s31] =	ssyncadd.s32 $0xFFFFCE00  }
0xcb: {  	[tilespmem:s24], [sflag:$0x2] =	stream.linear.gather [hbm4b:s12+s10], $0x3200, $0x38;
	[tilespmem:$0x1C800] =	vst v63  }
0xcc: {  	_ =	swait.ge [sflag:s6], $0x3200  }
0xcd: {  	[sflag:s6] =	ssyncset.done $0x0  }
0xce: {  	[sflag:s6] =	ssyncadd.s32 $0xFFFFCE00  }
0xcf: {  	_ =	swait.ge [sflag:s0], $0x3200  }
0xd0: {  	[sflag:s0] =	ssyncset.done $0x0  }
0xd1: {  	s8 =	simm.s32 $0x0;
	[sflag:s0] =	ssyncadd.s32 $0xFFFFCE00  }
0xd2: {  	[tilespmem:s2], [sflag:$0x5] =	stream.indirect.gather [spmem:s1], $0x1, s25, s29, $0xb8;
	[tilespmem:$0x1C800] =	vst v63  }
0xd3: {  	v3 =	vld [tilespmem:s8+$0x16400]  }
0xd4: {  	v5 =	vld [tilespmem:s8+$0x16410]  }
0xd5: {  	v4 =	vld [tilespmem:s8+$0x16420]  }
0xd6: {  	v1 =	vld [tilespmem:s8+$0x16430]  }
0xd7: {  	v2 =	vld [tilespmem:s8+$0x16440]  }
0xd8: {  	v0 =	vld [tilespmem:s8+$0x16450];
	v6 =	vsub.f32 $0.0e+00, v3  }
0xd9: {  	s9 =	simm.s32 $0x200;
	v5 =	vsub.f32 $0.0e+00, v5;
	v3 =	vld [tilespmem:s8+$0x16460]  }
.LBB2_6:
0xda: {  	p0 =	sne.s32 s9, $0xC600;
	v6 =	vmul.f32 $1.442695020e+00, v6;
	v4 =	vsub.f32 $0.0e+00, v4;
	v7 =	vld [tilespmem:s8+$0x16470]  }
0xdb: {  	v5 =	vmul.f32 $1.442695020e+00, v5;
	v1 =	vsub.f32 $0.0e+00, v1  }
0xdc: {  	v4 =	vmul.f32 $1.442695020e+00, v4;
	v2 =	vsub.f32 $0.0e+00, v2;
	(erf) = vpow2.f32 v6  }
0xdd: {  	v1 =	vmul.f32 $1.442695020e+00, v1;
	v0 =	vsub.f32 $0.0e+00, v0;
	(erf) = vpow2.f32 v5  }
0xde: {  	v2 =	vmul.f32 $1.442695020e+00, v2;
	v3 =	vsub.f32 $0.0e+00, v3;
	(erf) = vpow2.f32 v4  }
0xdf: {  	v0 =	vmul.f32 $1.442695020e+00, v0;
	v4 =	vsub.f32 $0.0e+00, v7;
	(erf) = vpow2.f32 v1  }
0xe0: {  	v1 =	vmul.f32 $1.442695020e+00, v3;
	(erf) = vpow2.f32 v2  }
0xe1: {  	v2 =	vmul.f32 $1.442695020e+00, v4;
	(erf) = vpow2.f32 v0  }
0xe2: {  	(erf) = vpow2.f32 v1  }
0xe3: {  	(erf) = vpow2.f32 v2;
	_ =	sdelay $0x1  }
0xe4: {  	v0 =	vpop (erf)  }
0xe5: {  	v3 =	vadd.f32 $1.000000000e+00, v0;
	v1 =	vpop (erf)  }
0xe6: {  	v4 =	vadd.f32 $1.000000000e+00, v1;
	v2 =	vpop (erf)  }
0xe7: {  	v5 =	vadd.f32 $1.000000000e+00, v2;
	(erf) = vrcp.f32 v3;
	v0 =	vpop (erf)  }
0xe8: {  	v3 =	vadd.f32 $1.000000000e+00, v0;
	(erf) = vrcp.f32 v4;
	v1 =	vpop (erf)  }
0xe9: {  	v4 =	vadd.f32 $1.000000000e+00, v1;
	(erf) = vrcp.f32 v5;
	v2 =	vpop (erf)  }
0xea: {  	v2 =	vadd.f32 $1.000000000e+00, v2;
	(erf) = vrcp.f32 v3;
	v0 =	vpop (erf)  }
0xeb: {  	v0 =	vadd.f32 $1.000000000e+00, v0;
	(erf) = vrcp.f32 v4;
	v1 =	vpop (erf)  }
0xec: {  	v1 =	vadd.f32 $1.000000000e+00, v1;
	(erf) = vrcp.f32 v2  }
0xed: {  	(erf) = vrcp.f32 v0  }
0xee: {  	(erf) = vrcp.f32 v1;
	_ =	sdelay $0x1  }
0xef: {  	v0 =	vpop (erf)  }
0xf0: {  	s10 =	sshra.s32 s9, $0x2;
	[tilespmem:s8+$0x16400] =	vst v0;
	v0 =	vpop (erf)  }
0xf1: {  	v3 =	vld [tilespmem:s10+$0x16400];
	[tilespmem:s8+$0x16410] =	vst v0;
	v0 =	vpop (erf)  }
0xf2: {  	v5 =	vld [tilespmem:s10+$0x16410];
	[tilespmem:s8+$0x16420] =	vst v0;
	v0 =	vpop (erf)  }
.Ltmp2:
0xf3: {  	v4 =	vld [tilespmem:s10+$0x16420];
	[tilespmem:s8+$0x16430] =	vst v0;
	v0 =	vpop (erf);
	(pc) =	sbr.rel @p0 .LBB2_6-.Ltmp2, $4  }
0xf4: {  	v1 =	vld [tilespmem:s10+$0x16430];
	[tilespmem:s8+$0x16440] =	vst v0;
	v0 =	vpop (erf)  }
0xf5: {  	v2 =	vld [tilespmem:s10+$0x16440];
	[tilespmem:s8+$0x16450] =	vst v0;
	v7 =	vpop (erf)  }
0xf6: {  	v6 =	vsub.f32 $0.0e+00, v3;
	v0 =	vld [tilespmem:s10+$0x16450];
	[tilespmem:s8+$0x16460] =	vst v7;
	v7 =	vpop (erf)  }
0xf7: {  	s9 =	sadd.s32 $0x200, s9;
	v5 =	vsub.f32 $0.0e+00, v5;
	v3 =	vld [tilespmem:s10+$0x16460];
	[tilespmem:s8+$0x16470] =	vst v7;
	s8 =	smov.u32 s10  }
0xf8: {  	v6 =	vmul.f32 $1.442695020e+00, v6  }
0xf9: {  	v5 =	vmul.f32 $1.442695020e+00, v5  }
0xfa: {  	v4 =	vsub.f32 $0.0e+00, v4;
	(erf) = vpow2.f32 v6  }
0xfb: {  	v1 =	vsub.f32 $0.0e+00, v1;
	(erf) = vpow2.f32 v5  }
0xfc: {  	v7 =	vld [tilespmem:s8+$0x16470];
	v4 =	vmul.f32 $1.442695020e+00, v4;
	v2 =	vsub.f32 $0.0e+00, v2  }
0xfd: {  	v1 =	vmul.f32 $1.442695020e+00, v1;
	v0 =	vsub.f32 $0.0e+00, v0  }
0xfe: {  	v2 =	vmul.f32 $1.442695020e+00, v2;
	v3 =	vsub.f32 $0.0e+00, v3;
	(erf) = vpow2.f32 v4  }
0xff: {  	v0 =	vmul.f32 $1.442695020e+00, v0;
	(erf) = vpow2.f32 v1  }
0x100: {  	v1 =	vmul.f32 $1.442695020e+00, v3;
	(erf) = vpow2.f32 v2  }
0x101: {  	v4 =	vsub.f32 $0.0e+00, v7;
	_ =	sdelay $0x1  }
0x102: {  	v2 =	vmul.f32 $1.442695020e+00, v4;
	(erf) = vpow2.f32 v0;
	v0 =	vpop (erf)  }
0x103: {  	(erf) = vpow2.f32 v1;
	v0 =	vadd.f32 $1.000000000e+00, v0;
	v1 =	vpop (erf)  }
0x104: {  	(erf) = vpow2.f32 v2;
	v1 =	vadd.f32 $1.000000000e+00, v1;
	_ =	sdelay $0x1  }
0x105: {  	v2 =	vpop (erf)  }
0x106: {  	v2 =	vadd.f32 $1.000000000e+00, v2;
	(erf) = vrcp.f32 v0;
	v0 =	vpop (erf)  }
0x107: {  	(erf) = vrcp.f32 v1;
	v0 =	vadd.f32 $1.000000000e+00, v0;
	v1 =	vpop (erf)  }
0x108: {  	v1 =	vadd.f32 $1.000000000e+00, v1;
	_ =	sdelay $0x1  }
0x109: {  	(erf) = vrcp.f32 v2;
	v2 =	vpop (erf)  }
0x10a: {  	v2 =	vadd.f32 $1.000000000e+00, v2;
	(erf) = vrcp.f32 v0;
	v0 =	vpop (erf)  }
0x10b: {  	(erf) = vrcp.f32 v1;
	v0 =	vadd.f32 $1.000000000e+00, v0;
	v1 =	vpop (erf)  }
0x10c: {  	(erf) = vrcp.f32 v2;
	v1 =	vadd.f32 $1.000000000e+00, v1  }
0x10d: {  	(erf) = vrcp.f32 v0  }
0x10e: {  	(erf) = vrcp.f32 v1;
	_ =	sdelay $0x1  }
0x10f: {  	v0 =	vpop (erf)  }
0x110: {  	[tilespmem:s8+$0x16400] =	vst v0;
	v0 =	vpop (erf)  }
0x111: {  	[tilespmem:s8+$0x16410] =	vst v0;
	v0 =	vpop (erf)  }
0x112: {  	[tilespmem:s8+$0x16420] =	vst v0;
	v0 =	vpop (erf)  }
0x113: {  	[tilespmem:s8+$0x16430] =	vst v0;
	v0 =	vpop (erf)  }
0x114: {  	[tilespmem:s8+$0x16440] =	vst v0;
	v0 =	vpop (erf)  }
0x115: {  	[tilespmem:s8+$0x16450] =	vst v0;
	v0 =	vpop (erf)  }
0x116: {  	[tilespmem:s8+$0x16460] =	vst v0;
	v0 =	vpop (erf)  }
0x117: {  	s10 =	simm.s32 $0x0;
	[tilespmem:s8+$0x16470] =	vst v0  }
0x118: {  	[hbm4b:s13+s10] =	stream.linear.scatter [tilespmem:s30], [sflag:$0x6], $0x3200, $0x38;
	[tilespmem:$0x1C800] =	vst v63  }
0x119: {  	_ =	swait.ge [sflag:s4], $0x3200  }
0x11a: {  	[sflag:s4] =	ssyncset.done $0x0  }
0x11b: {  	[sflag:s4] =	ssyncadd.s32 $0xFFFFCE00  }
0x11c: {  	[tilespmem:s25], [sflag:$0x3] =	stream.linear.gather [hbm4b:s14+s10], $0x3200, $0x38;
	[tilespmem:$0x1C800] =	vst v63  }
0x11d: {  	_ =	swait.ge [sflag:s5], $0x3200  }
0x11e: {  	[sflag:s5] =	ssyncset.done $0x0  }
0x11f: {  	[sflag:s5] =	ssyncadd.s32 $0xFFFFCE00  }
0x120: {  	_ =	swait.ge [sflag:s28], $0x3200  }
0x121: {  	[sflag:s28] =	ssyncset.done $0x0  }
0x122: {  	s8 =	simm.s32 $0x0;
	[sflag:s28] =	ssyncadd.s32 $0xFFFFCE00  }
0x123: {  	[tilespmem:s30], [sflag:$0x4] =	stream.indirect.gather [spmem:s1], $0x1, s24, s29, $0xb8;
	[tilespmem:$0x1C800] =	vst v63  }
0x124: {  	v3 =	vld [tilespmem:s8+$0x19600]  }
0x125: {  	v5 =	vld [tilespmem:s8+$0x19610]  }
0x126: {  	v4 =	vld [tilespmem:s8+$0x19620]  }
0x127: {  	v1 =	vld [tilespmem:s8+$0x19630]  }
0x128: {  	v2 =	vld [tilespmem:s8+$0x19640]  }
0x129: {  	v0 =	vld [tilespmem:s8+$0x19650];
	v6 =	vsub.f32 $0.0e+00, v3  }
0x12a: {  	s9 =	simm.s32 $0x200;
	v5 =	vsub.f32 $0.0e+00, v5;
	v3 =	vld [tilespmem:s8+$0x19660]  }
.LBB2_8:
0x12b: {  	p0 =	sne.s32 s9, $0xC600;
	v6 =	vmul.f32 $1.442695020e+00, v6;
	v4 =	vsub.f32 $0.0e+00, v4;
	v7 =	vld [tilespmem:s8+$0x19670]  }
0x12c: {  	v5 =	vmul.f32 $1.442695020e+00, v5;
	v1 =	vsub.f32 $0.0e+00, v1  }
0x12d: {  	v4 =	vmul.f32 $1.442695020e+00, v4;
	v2 =	vsub.f32 $0.0e+00, v2;
	(erf) = vpow2.f32 v6  }
0x12e: {  	v1 =	vmul.f32 $1.442695020e+00, v1;
	v0 =	vsub.f32 $0.0e+00, v0;
	(erf) = vpow2.f32 v5  }
0x12f: {  	v2 =	vmul.f32 $1.442695020e+00, v2;
	v3 =	vsub.f32 $0.0e+00, v3;
	(erf) = vpow2.f32 v4  }
0x130: {  	v0 =	vmul.f32 $1.442695020e+00, v0;
	v4 =	vsub.f32 $0.0e+00, v7;
	(erf) = vpow2.f32 v1  }
0x131: {  	v1 =	vmul.f32 $1.442695020e+00, v3;
	(erf) = vpow2.f32 v2  }
0x132: {  	v2 =	vmul.f32 $1.442695020e+00, v4;
	(erf) = vpow2.f32 v0  }
0x133: {  	(erf) = vpow2.f32 v1  }
0x134: {  	(erf) = vpow2.f32 v2;
	_ =	sdelay $0x1  }
0x135: {  	v0 =	vpop (erf)  }
0x136: {  	v3 =	vadd.f32 $1.000000000e+00, v0;
	v1 =	vpop (erf)  }
0x137: {  	v4 =	vadd.f32 $1.000000000e+00, v1;
	v2 =	vpop (erf)  }
0x138: {  	v5 =	vadd.f32 $1.000000000e+00, v2;
	(erf) = vrcp.f32 v3;
	v0 =	vpop (erf)  }
0x139: {  	v3 =	vadd.f32 $1.000000000e+00, v0;
	(erf) = vrcp.f32 v4;
	v1 =	vpop (erf)  }
0x13a: {  	v4 =	vadd.f32 $1.000000000e+00, v1;
	(erf) = vrcp.f32 v5;
	v2 =	vpop (erf)  }
0x13b: {  	v2 =	vadd.f32 $1.000000000e+00, v2;
	(erf) = vrcp.f32 v3;
	v0 =	vpop (erf)  }
0x13c: {  	v0 =	vadd.f32 $1.000000000e+00, v0;
	(erf) = vrcp.f32 v4;
	v1 =	vpop (erf)  }
0x13d: {  	v1 =	vadd.f32 $1.000000000e+00, v1;
	(erf) = vrcp.f32 v2  }
0x13e: {  	(erf) = vrcp.f32 v0  }
0x13f: {  	(erf) = vrcp.f32 v1;
	_ =	sdelay $0x1  }
0x140: {  	v0 =	vpop (erf)  }
0x141: {  	s10 =	sshra.s32 s9, $0x2;
	[tilespmem:s8+$0x19600] =	vst v0;
	v0 =	vpop (erf)  }
0x142: {  	v3 =	vld [tilespmem:s10+$0x19600];
	[tilespmem:s8+$0x19610] =	vst v0;
	v0 =	vpop (erf)  }
0x143: {  	v5 =	vld [tilespmem:s10+$0x19610];
	[tilespmem:s8+$0x19620] =	vst v0;
	v0 =	vpop (erf)  }
.Ltmp3:
0x144: {  	v4 =	vld [tilespmem:s10+$0x19620];
	[tilespmem:s8+$0x19630] =	vst v0;
	v0 =	vpop (erf);
	(pc) =	sbr.rel @p0 .LBB2_8-.Ltmp3, $4  }
0x145: {  	v1 =	vld [tilespmem:s10+$0x19630];
	[tilespmem:s8+$0x19640] =	vst v0;
	v0 =	vpop (erf)  }
0x146: {  	v2 =	vld [tilespmem:s10+$0x19640];
	[tilespmem:s8+$0x19650] =	vst v0;
	v7 =	vpop (erf)  }
0x147: {  	v6 =	vsub.f32 $0.0e+00, v3;
	v0 =	vld [tilespmem:s10+$0x19650];
	[tilespmem:s8+$0x19660] =	vst v7;
	v7 =	vpop (erf)  }
0x148: {  	s9 =	sadd.s32 $0x200, s9;
	v5 =	vsub.f32 $0.0e+00, v5;
	v3 =	vld [tilespmem:s10+$0x19660];
	[tilespmem:s8+$0x19670] =	vst v7;
	s8 =	smov.u32 s10  }
0x149: {  	v6 =	vmul.f32 $1.442695020e+00, v6  }
0x14a: {  	v5 =	vmul.f32 $1.442695020e+00, v5  }
0x14b: {  	v4 =	vsub.f32 $0.0e+00, v4;
	(erf) = vpow2.f32 v6  }
0x14c: {  	v1 =	vsub.f32 $0.0e+00, v1;
	(erf) = vpow2.f32 v5  }
0x14d: {  	v7 =	vld [tilespmem:s8+$0x19670];
	v4 =	vmul.f32 $1.442695020e+00, v4;
	v2 =	vsub.f32 $0.0e+00, v2  }
0x14e: {  	v1 =	vmul.f32 $1.442695020e+00, v1;
	v0 =	vsub.f32 $0.0e+00, v0  }
0x14f: {  	v2 =	vmul.f32 $1.442695020e+00, v2;
	v3 =	vsub.f32 $0.0e+00, v3;
	(erf) = vpow2.f32 v4  }
0x150: {  	v0 =	vmul.f32 $1.442695020e+00, v0;
	(erf) = vpow2.f32 v1  }
0x151: {  	v1 =	vmul.f32 $1.442695020e+00, v3;
	(erf) = vpow2.f32 v2  }
0x152: {  	v4 =	vsub.f32 $0.0e+00, v7;
	_ =	sdelay $0x1  }
0x153: {  	v2 =	vmul.f32 $1.442695020e+00, v4;
	(erf) = vpow2.f32 v0;
	v0 =	vpop (erf)  }
0x154: {  	(erf) = vpow2.f32 v1;
	v0 =	vadd.f32 $1.000000000e+00, v0;
	v1 =	vpop (erf)  }
0x155: {  	(erf) = vpow2.f32 v2;
	v1 =	vadd.f32 $1.000000000e+00, v1;
	_ =	sdelay $0x1  }
0x156: {  	v2 =	vpop (erf)  }
0x157: {  	v2 =	vadd.f32 $1.000000000e+00, v2;
	(erf) = vrcp.f32 v0;
	v0 =	vpop (erf)  }
0x158: {  	(erf) = vrcp.f32 v1;
	v0 =	vadd.f32 $1.000000000e+00, v0;
	v1 =	vpop (erf)  }
0x159: {  	v1 =	vadd.f32 $1.000000000e+00, v1;
	_ =	sdelay $0x1  }
0x15a: {  	(erf) = vrcp.f32 v2;
	v2 =	vpop (erf)  }
0x15b: {  	v2 =	vadd.f32 $1.000000000e+00, v2;
	(erf) = vrcp.f32 v0;
	v0 =	vpop (erf)  }
0x15c: {  	(erf) = vrcp.f32 v1;
	v0 =	vadd.f32 $1.000000000e+00, v0;
	v1 =	vpop (erf)  }
0x15d: {  	(erf) = vrcp.f32 v2;
	v1 =	vadd.f32 $1.000000000e+00, v1  }
0x15e: {  	(erf) = vrcp.f32 v0  }
0x15f: {  	(erf) = vrcp.f32 v1;
	_ =	sdelay $0x1  }
0x160: {  	v0 =	vpop (erf)  }
0x161: {  	[tilespmem:s8+$0x19600] =	vst v0;
	v0 =	vpop (erf)  }
0x162: {  	[tilespmem:s8+$0x19610] =	vst v0;
	v0 =	vpop (erf)  }
0x163: {  	[tilespmem:s8+$0x19620] =	vst v0;
	v0 =	vpop (erf)  }
0x164: {  	[tilespmem:s8+$0x19630] =	vst v0;
	v0 =	vpop (erf)  }
0x165: {  	[tilespmem:s8+$0x19640] =	vst v0;
	v0 =	vpop (erf)  }
0x166: {  	[tilespmem:s8+$0x19650] =	vst v0;
	v0 =	vpop (erf)  }
0x167: {  	[tilespmem:s8+$0x19660] =	vst v0;
	v0 =	vpop (erf)  }
0x168: {  	s10 =	simm.s32 $0x0;
	[tilespmem:s8+$0x19670] =	vst v0  }
0x169: {  	[hbm4b:s15+s10] =	stream.linear.scatter [tilespmem:s2], [sflag:$0x7], $0x3200, $0x38;
	[tilespmem:$0x1C800] =	vst v63  }
0x16a: {  	_ =	swait.ge [sflag:s31], $0x3200  }
0x16b: {  	[sflag:s31] =	ssyncset.done $0x0  }
0x16c: {  	[sflag:s31] =	ssyncadd.s32 $0xFFFFCE00  }
0x16d: {  	[tilespmem:s24], [sflag:$0x2] =	stream.linear.gather [hbm4b:s16+s10], $0x3200, $0x38;
	[tilespmem:$0x1C800] =	vst v63  }
0x16e: {  	_ =	swait.ge [sflag:s6], $0x3200  }
0x16f: {  	[sflag:s6] =	ssyncset.done $0x0  }
0x170: {  	[sflag:s6] =	ssyncadd.s32 $0xFFFFCE00  }
0x171: {  	_ =	swait.ge [sflag:s0], $0x3200  }
0x172: {  	[sflag:s0] =	ssyncset.done $0x0  }
0x173: {  	s8 =	simm.s32 $0x0;
	[sflag:s0] =	ssyncadd.s32 $0xFFFFCE00  }
0x174: {  	[tilespmem:s2], [sflag:$0x5] =	stream.indirect.gather [spmem:s1], $0x1, s25, s29, $0xb8;
	[tilespmem:$0x1C800] =	vst v63  }
0x175: {  	v3 =	vld [tilespmem:s8+$0x16400]  }
0x176: {  	v5 =	vld [tilespmem:s8+$0x16410]  }
0x177: {  	v4 =	vld [tilespmem:s8+$0x16420]  }
0x178: {  	v1 =	vld [tilespmem:s8+$0x16430]  }
0x179: {  	v2 =	vld [tilespmem:s8+$0x16440]  }
0x17a: {  	v0 =	vld [tilespmem:s8+$0x16450];
	v6 =	vsub.f32 $0.0e+00, v3  }
0x17b: {  	s9 =	simm.s32 $0x200;
	v5 =	vsub.f32 $0.0e+00, v5;
	v3 =	vld [tilespmem:s8+$0x16460]  }
.LBB2_10:
0x17c: {  	p0 =	sne.s32 s9, $0xC600;
	v6 =	vmul.f32 $1.442695020e+00, v6;
	v4 =	vsub.f32 $0.0e+00, v4;
	v7 =	vld [tilespmem:s8+$0x16470]  }
0x17d: {  	v5 =	vmul.f32 $1.442695020e+00, v5;
	v1 =	vsub.f32 $0.0e+00, v1  }
0x17e: {  	v4 =	vmul.f32 $1.442695020e+00, v4;
	v2 =	vsub.f32 $0.0e+00, v2;
	(erf) = vpow2.f32 v6  }
0x17f: {  	v1 =	vmul.f32 $1.442695020e+00, v1;
	v0 =	vsub.f32 $0.0e+00, v0;
	(erf) = vpow2.f32 v5  }
0x180: {  	v2 =	vmul.f32 $1.442695020e+00, v2;
	v3 =	vsub.f32 $0.0e+00, v3;
	(erf) = vpow2.f32 v4  }
0x181: {  	v0 =	vmul.f32 $1.442695020e+00, v0;
	v4 =	vsub.f32 $0.0e+00, v7;
	(erf) = vpow2.f32 v1  }
0x182: {  	v1 =	vmul.f32 $1.442695020e+00, v3;
	(erf) = vpow2.f32 v2  }
0x183: {  	v2 =	vmul.f32 $1.442695020e+00, v4;
	(erf) = vpow2.f32 v0  }
0x184: {  	(erf) = vpow2.f32 v1  }
0x185: {  	(erf) = vpow2.f32 v2;
	_ =	sdelay $0x1  }
0x186: {  	v0 =	vpop (erf)  }
0x187: {  	v3 =	vadd.f32 $1.000000000e+00, v0;
	v1 =	vpop (erf)  }
0x188: {  	v4 =	vadd.f32 $1.000000000e+00, v1;
	v2 =	vpop (erf)  }
0x189: {  	v5 =	vadd.f32 $1.000000000e+00, v2;
	(erf) = vrcp.f32 v3;
	v0 =	vpop (erf)  }
0x18a: {  	v3 =	vadd.f32 $1.000000000e+00, v0;
	(erf) = vrcp.f32 v4;
	v1 =	vpop (erf)  }
0x18b: {  	v4 =	vadd.f32 $1.000000000e+00, v1;
	(erf) = vrcp.f32 v5;
	v2 =	vpop (erf)  }
0x18c: {  	v2 =	vadd.f32 $1.000000000e+00, v2;
	(erf) = vrcp.f32 v3;
	v0 =	vpop (erf)  }
0x18d: {  	v0 =	vadd.f32 $1.000000000e+00, v0;
	(erf) = vrcp.f32 v4;
	v1 =	vpop (erf)  }
0x18e: {  	v1 =	vadd.f32 $1.000000000e+00, v1;
	(erf) = vrcp.f32 v2  }
0x18f: {  	(erf) = vrcp.f32 v0  }
0x190: {  	(erf) = vrcp.f32 v1;
	_ =	sdelay $0x1  }
0x191: {  	v0 =	vpop (erf)  }
0x192: {  	s10 =	sshra.s32 s9, $0x2;
	[tilespmem:s8+$0x16400] =	vst v0;
	v0 =	vpop (erf)  }
0x193: {  	v3 =	vld [tilespmem:s10+$0x16400];
	[tilespmem:s8+$0x16410] =	vst v0;
	v0 =	vpop (erf)  }
0x194: {  	v5 =	vld [tilespmem:s10+$0x16410];
	[tilespmem:s8+$0x16420] =	vst v0;
	v0 =	vpop (erf)  }
.Ltmp4:
0x195: {  	v4 =	vld [tilespmem:s10+$0x16420];
	[tilespmem:s8+$0x16430] =	vst v0;
	v0 =	vpop (erf);
	(pc) =	sbr.rel @p0 .LBB2_10-.Ltmp4, $4  }
0x196: {  	v1 =	vld [tilespmem:s10+$0x16430];
	[tilespmem:s8+$0x16440] =	vst v0;
	v0 =	vpop (erf)  }
0x197: {  	v2 =	vld [tilespmem:s10+$0x16440];
	[tilespmem:s8+$0x16450] =	vst v0;
	v7 =	vpop (erf)  }
0x198: {  	v6 =	vsub.f32 $0.0e+00, v3;
	v0 =	vld [tilespmem:s10+$0x16450];
	[tilespmem:s8+$0x16460] =	vst v7;
	v7 =	vpop (erf)  }
0x199: {  	s9 =	sadd.s32 $0x200, s9;
	v5 =	vsub.f32 $0.0e+00, v5;
	v3 =	vld [tilespmem:s10+$0x16460];
	[tilespmem:s8+$0x16470] =	vst v7;
	s8 =	smov.u32 s10  }
0x19a: {  	v6 =	vmul.f32 $1.442695020e+00, v6  }
0x19b: {  	v5 =	vmul.f32 $1.442695020e+00, v5  }
0x19c: {  	v4 =	vsub.f32 $0.0e+00, v4;
	(erf) = vpow2.f32 v6  }
0x19d: {  	v1 =	vsub.f32 $0.0e+00, v1;
	(erf) = vpow2.f32 v5  }
0x19e: {  	v7 =	vld [tilespmem:s8+$0x16470];
	v4 =	vmul.f32 $1.442695020e+00, v4;
	v2 =	vsub.f32 $0.0e+00, v2  }
0x19f: {  	v1 =	vmul.f32 $1.442695020e+00, v1;
	v0 =	vsub.f32 $0.0e+00, v0  }
0x1a0: {  	v2 =	vmul.f32 $1.442695020e+00, v2;
	v3 =	vsub.f32 $0.0e+00, v3;
	(erf) = vpow2.f32 v4  }
0x1a1: {  	v0 =	vmul.f32 $1.442695020e+00, v0;
	(erf) = vpow2.f32 v1  }
0x1a2: {  	v1 =	vmul.f32 $1.442695020e+00, v3;
	(erf) = vpow2.f32 v2  }
0x1a3: {  	v4 =	vsub.f32 $0.0e+00, v7;
	_ =	sdelay $0x1  }
0x1a4: {  	v2 =	vmul.f32 $1.442695020e+00, v4;
	(erf) = vpow2.f32 v0;
	v0 =	vpop (erf)  }
0x1a5: {  	(erf) = vpow2.f32 v1;
	v0 =	vadd.f32 $1.000000000e+00, v0;
	v1 =	vpop (erf)  }
0x1a6: {  	(erf) = vpow2.f32 v2;
	v1 =	vadd.f32 $1.000000000e+00, v1;
	_ =	sdelay $0x1  }
0x1a7: {  	v2 =	vpop (erf)  }
0x1a8: {  	v2 =	vadd.f32 $1.000000000e+00, v2;
	(erf) = vrcp.f32 v0;
	v0 =	vpop (erf)  }
0x1a9: {  	(erf) = vrcp.f32 v1;
	v0 =	vadd.f32 $1.000000000e+00, v0;
	v1 =	vpop (erf)  }
0x1aa: {  	v1 =	vadd.f32 $1.000000000e+00, v1;
	_ =	sdelay $0x1  }
0x1ab: {  	(erf) = vrcp.f32 v2;
	v2 =	vpop (erf)  }
0x1ac: {  	v2 =	vadd.f32 $1.000000000e+00, v2;
	(erf) = vrcp.f32 v0;
	v0 =	vpop (erf)  }
0x1ad: {  	(erf) = vrcp.f32 v1;
	v0 =	vadd.f32 $1.000000000e+00, v0;
	v1 =	vpop (erf)  }
0x1ae: {  	(erf) = vrcp.f32 v2;
	v1 =	vadd.f32 $1.000000000e+00, v1  }
0x1af: {  	(erf) = vrcp.f32 v0  }
0x1b0: {  	(erf) = vrcp.f32 v1;
	_ =	sdelay $0x1  }
0x1b1: {  	v0 =	vpop (erf)  }
0x1b2: {  	[tilespmem:s8+$0x16400] =	vst v0;
	v0 =	vpop (erf)  }
0x1b3: {  	[tilespmem:s8+$0x16410] =	vst v0;
	v0 =	vpop (erf)  }
0x1b4: {  	[tilespmem:s8+$0x16420] =	vst v0;
	v0 =	vpop (erf)  }
0x1b5: {  	[tilespmem:s8+$0x16430] =	vst v0;
	v0 =	vpop (erf)  }
0x1b6: {  	[tilespmem:s8+$0x16440] =	vst v0;
	v0 =	vpop (erf)  }
0x1b7: {  	[tilespmem:s8+$0x16450] =	vst v0;
	v0 =	vpop (erf)  }
0x1b8: {  	[tilespmem:s8+$0x16460] =	vst v0;
	v0 =	vpop (erf)  }
0x1b9: {  	s10 =	simm.s32 $0x0;
	[tilespmem:s8+$0x16470] =	vst v0  }
0x1ba: {  	[hbm4b:s17+s10] =	stream.linear.scatter [tilespmem:s30], [sflag:$0x6], $0x3200, $0x38;
	[tilespmem:$0x1C800] =	vst v63  }
0x1bb: {  	_ =	swait.ge [sflag:s4], $0x3200  }
0x1bc: {  	[sflag:s4] =	ssyncset.done $0x0  }
0x1bd: {  	[sflag:s4] =	ssyncadd.s32 $0xFFFFCE00  }
0x1be: {  	[tilespmem:s25], [sflag:$0x3] =	stream.linear.gather [hbm4b:s18+s10], $0x3200, $0x38;
	[tilespmem:$0x1C800] =	vst v63  }
0x1bf: {  	_ =	swait.ge [sflag:s5], $0x3200  }
0x1c0: {  	[sflag:s5] =	ssyncset.done $0x0  }
0x1c1: {  	[sflag:s5] =	ssyncadd.s32 $0xFFFFCE00  }
0x1c2: {  	_ =	swait.ge [sflag:s28], $0x3200  }
0x1c3: {  	[sflag:s28] =	ssyncset.done $0x0  }
0x1c4: {  	s8 =	simm.s32 $0x0;
	[sflag:s28] =	ssyncadd.s32 $0xFFFFCE00  }
0x1c5: {  	[tilespmem:s30], [sflag:$0x4] =	stream.indirect.gather [spmem:s1], $0x1, s24, s29, $0xb8;
	[tilespmem:$0x1C800] =	vst v63  }
0x1c6: {  	v3 =	vld [tilespmem:s8+$0x19600]  }
0x1c7: {  	v5 =	vld [tilespmem:s8+$0x19610]  }
0x1c8: {  	v4 =	vld [tilespmem:s8+$0x19620]  }
0x1c9: {  	v1 =	vld [tilespmem:s8+$0x19630]  }
0x1ca: {  	v2 =	vld [tilespmem:s8+$0x19640]  }
0x1cb: {  	v0 =	vld [tilespmem:s8+$0x19650];
	v6 =	vsub.f32 $0.0e+00, v3  }
0x1cc: {  	s9 =	simm.s32 $0x200;
	v5 =	vsub.f32 $0.0e+00, v5;
	v3 =	vld [tilespmem:s8+$0x19660]  }
.LBB2_12:
0x1cd: {  	p0 =	sne.s32 s9, $0xC600;
	v6 =	vmul.f32 $1.442695020e+00, v6;
	v4 =	vsub.f32 $0.0e+00, v4;
	v7 =	vld [tilespmem:s8+$0x19670]  }
0x1ce: {  	v5 =	vmul.f32 $1.442695020e+00, v5;
	v1 =	vsub.f32 $0.0e+00, v1  }
0x1cf: {  	v4 =	vmul.f32 $1.442695020e+00, v4;
	v2 =	vsub.f32 $0.0e+00, v2;
	(erf) = vpow2.f32 v6  }
0x1d0: {  	v1 =	vmul.f32 $1.442695020e+00, v1;
	v0 =	vsub.f32 $0.0e+00, v0;
	(erf) = vpow2.f32 v5  }
0x1d1: {  	v2 =	vmul.f32 $1.442695020e+00, v2;
	v3 =	vsub.f32 $0.0e+00, v3;
	(erf) = vpow2.f32 v4  }
0x1d2: {  	v0 =	vmul.f32 $1.442695020e+00, v0;
	v4 =	vsub.f32 $0.0e+00, v7;
	(erf) = vpow2.f32 v1  }
0x1d3: {  	v1 =	vmul.f32 $1.442695020e+00, v3;
	(erf) = vpow2.f32 v2  }
0x1d4: {  	v2 =	vmul.f32 $1.442695020e+00, v4;
	(erf) = vpow2.f32 v0  }
0x1d5: {  	(erf) = vpow2.f32 v1  }
0x1d6: {  	(erf) = vpow2.f32 v2;
	_ =	sdelay $0x1  }
0x1d7: {  	v0 =	vpop (erf)  }
0x1d8: {  	v3 =	vadd.f32 $1.000000000e+00, v0;
	v1 =	vpop (erf)  }
0x1d9: {  	v4 =	vadd.f32 $1.000000000e+00, v1;
	v2 =	vpop (erf)  }
0x1da: {  	v5 =	vadd.f32 $1.000000000e+00, v2;
	(erf) = vrcp.f32 v3;
	v0 =	vpop (erf)  }
0x1db: {  	v3 =	vadd.f32 $1.000000000e+00, v0;
	(erf) = vrcp.f32 v4;
	v1 =	vpop (erf)  }
0x1dc: {  	v4 =	vadd.f32 $1.000000000e+00, v1;
	(erf) = vrcp.f32 v5;
	v2 =	vpop (erf)  }
0x1dd: {  	v2 =	vadd.f32 $1.000000000e+00, v2;
	(erf) = vrcp.f32 v3;
	v0 =	vpop (erf)  }
0x1de: {  	v0 =	vadd.f32 $1.000000000e+00, v0;
	(erf) = vrcp.f32 v4;
	v1 =	vpop (erf)  }
0x1df: {  	v1 =	vadd.f32 $1.000000000e+00, v1;
	(erf) = vrcp.f32 v2  }
0x1e0: {  	(erf) = vrcp.f32 v0  }
0x1e1: {  	(erf) = vrcp.f32 v1;
	_ =	sdelay $0x1  }
0x1e2: {  	v0 =	vpop (erf)  }
0x1e3: {  	s10 =	sshra.s32 s9, $0x2;
	[tilespmem:s8+$0x19600] =	vst v0;
	v0 =	vpop (erf)  }
0x1e4: {  	v3 =	vld [tilespmem:s10+$0x19600];
	[tilespmem:s8+$0x19610] =	vst v0;
	v0 =	vpop (erf)  }
0x1e5: {  	v5 =	vld [tilespmem:s10+$0x19610];
	[tilespmem:s8+$0x19620] =	vst v0;
	v0 =	vpop (erf)  }
.Ltmp5:
0x1e6: {  	v4 =	vld [tilespmem:s10+$0x19620];
	[tilespmem:s8+$0x19630] =	vst v0;
	v0 =	vpop (erf);
	(pc) =	sbr.rel @p0 .LBB2_12-.Ltmp5, $4  }
0x1e7: {  	v1 =	vld [tilespmem:s10+$0x19630];
	[tilespmem:s8+$0x19640] =	vst v0;
	v0 =	vpop (erf)  }
0x1e8: {  	v2 =	vld [tilespmem:s10+$0x19640];
	[tilespmem:s8+$0x19650] =	vst v0;
	v7 =	vpop (erf)  }
0x1e9: {  	v6 =	vsub.f32 $0.0e+00, v3;
	v0 =	vld [tilespmem:s10+$0x19650];
	[tilespmem:s8+$0x19660] =	vst v7;
	v7 =	vpop (erf)  }
0x1ea: {  	s9 =	sadd.s32 $0x200, s9;
	v5 =	vsub.f32 $0.0e+00, v5;
	v3 =	vld [tilespmem:s10+$0x19660];
	[tilespmem:s8+$0x19670] =	vst v7;
	s8 =	smov.u32 s10  }
0x1eb: {  	v6 =	vmul.f32 $1.442695020e+00, v6  }
0x1ec: {  	v5 =	vmul.f32 $1.442695020e+00, v5  }
0x1ed: {  	v4 =	vsub.f32 $0.0e+00, v4;
	(erf) = vpow2.f32 v6  }
0x1ee: {  	v1 =	vsub.f32 $0.0e+00, v1;
	(erf) = vpow2.f32 v5  }
0x1ef: {  	v7 =	vld [tilespmem:s8+$0x19670];
	v4 =	vmul.f32 $1.442695020e+00, v4;
	v2 =	vsub.f32 $0.0e+00, v2  }
0x1f0: {  	v1 =	vmul.f32 $1.442695020e+00, v1;
	v0 =	vsub.f32 $0.0e+00, v0  }
0x1f1: {  	v2 =	vmul.f32 $1.442695020e+00, v2;
	v3 =	vsub.f32 $0.0e+00, v3;
	(erf) = vpow2.f32 v4  }
0x1f2: {  	v0 =	vmul.f32 $1.442695020e+00, v0;
	(erf) = vpow2.f32 v1  }
0x1f3: {  	v1 =	vmul.f32 $1.442695020e+00, v3;
	(erf) = vpow2.f32 v2  }
0x1f4: {  	v4 =	vsub.f32 $0.0e+00, v7;
	_ =	sdelay $0x1  }
0x1f5: {  	v2 =	vmul.f32 $1.442695020e+00, v4;
	(erf) = vpow2.f32 v0;
	v0 =	vpop (erf)  }
0x1f6: {  	(erf) = vpow2.f32 v1;
	v0 =	vadd.f32 $1.000000000e+00, v0;
	v1 =	vpop (erf)  }
0x1f7: {  	(erf) = vpow2.f32 v2;
	v1 =	vadd.f32 $1.000000000e+00, v1;
	_ =	sdelay $0x1  }
0x1f8: {  	v2 =	vpop (erf)  }
0x1f9: {  	v2 =	vadd.f32 $1.000000000e+00, v2;
	(erf) = vrcp.f32 v0;
	v0 =	vpop (erf)  }
0x1fa: {  	(erf) = vrcp.f32 v1;
	v0 =	vadd.f32 $1.000000000e+00, v0;
	v1 =	vpop (erf)  }
0x1fb: {  	v1 =	vadd.f32 $1.000000000e+00, v1;
	_ =	sdelay $0x1  }
0x1fc: {  	(erf) = vrcp.f32 v2;
	v2 =	vpop (erf)  }
0x1fd: {  	v2 =	vadd.f32 $1.000000000e+00, v2;
	(erf) = vrcp.f32 v0;
	v0 =	vpop (erf)  }
0x1fe: {  	(erf) = vrcp.f32 v1;
	v0 =	vadd.f32 $1.000000000e+00, v0;
	v1 =	vpop (erf)  }
0x1ff: {  	(erf) = vrcp.f32 v2;
	v1 =	vadd.f32 $1.000000000e+00, v1  }
0x200: {  	(erf) = vrcp.f32 v0  }
0x201: {  	(erf) = vrcp.f32 v1;
	_ =	sdelay $0x1  }
0x202: {  	v0 =	vpop (erf)  }
0x203: {  	[tilespmem:s8+$0x19600] =	vst v0;
	v0 =	vpop (erf)  }
0x204: {  	[tilespmem:s8+$0x19610] =	vst v0;
	v0 =	vpop (erf)  }
0x205: {  	[tilespmem:s8+$0x19620] =	vst v0;
	v0 =	vpop (erf)  }
0x206: {  	[tilespmem:s8+$0x19630] =	vst v0;
	v0 =	vpop (erf)  }
0x207: {  	[tilespmem:s8+$0x19640] =	vst v0;
	v0 =	vpop (erf)  }
0x208: {  	[tilespmem:s8+$0x19650] =	vst v0;
	v0 =	vpop (erf)  }
0x209: {  	[tilespmem:s8+$0x19660] =	vst v0;
	v0 =	vpop (erf)  }
0x20a: {  	s10 =	simm.s32 $0x0;
	[tilespmem:s8+$0x19670] =	vst v0  }
0x20b: {  	[hbm4b:s19+s10] =	stream.linear.scatter [tilespmem:s2], [sflag:$0x7], $0x3200, $0x38;
	[tilespmem:$0x1C800] =	vst v63  }
0x20c: {  	_ =	swait.ge [sflag:s31], $0x3200  }
0x20d: {  	[sflag:s31] =	ssyncset.done $0x0  }
0x20e: {  	[sflag:s31] =	ssyncadd.s32 $0xFFFFCE00  }
0x20f: {  	_ =	swait.ge [sflag:s6], $0x3200  }
0x210: {  	[sflag:s6] =	ssyncset.done $0x0  }
0x211: {  	[sflag:s6] =	ssyncadd.s32 $0xFFFFCE00  }
0x212: {  	_ =	swait.ge [sflag:s0], $0x3200  }
0x213: {  	[sflag:s0] =	ssyncset.done $0x0  }
0x214: {  	s8 =	simm.s32 $0x0;
	[sflag:s0] =	ssyncadd.s32 $0xFFFFCE00  }
0x215: {  	[tilespmem:s2], [sflag:$0x5] =	stream.indirect.gather [spmem:s1], $0x1, s25, s29, $0xb8;
	[tilespmem:$0x1C800] =	vst v63  }
0x216: {  	v3 =	vld [tilespmem:s8+$0x16400]  }
0x217: {  	v5 =	vld [tilespmem:s8+$0x16410]  }
0x218: {  	v4 =	vld [tilespmem:s8+$0x16420]  }
0x219: {  	v1 =	vld [tilespmem:s8+$0x16430]  }
0x21a: {  	v2 =	vld [tilespmem:s8+$0x16440]  }
0x21b: {  	v0 =	vld [tilespmem:s8+$0x16450];
	v6 =	vsub.f32 $0.0e+00, v3  }
0x21c: {  	s9 =	simm.s32 $0x200;
	v5 =	vsub.f32 $0.0e+00, v5;
	v3 =	vld [tilespmem:s8+$0x16460]  }
.LBB2_14:
0x21d: {  	p0 =	sne.s32 s9, $0xC600;
	v6 =	vmul.f32 $1.442695020e+00, v6;
	v4 =	vsub.f32 $0.0e+00, v4;
	v7 =	vld [tilespmem:s8+$0x16470]  }
0x21e: {  	v5 =	vmul.f32 $1.442695020e+00, v5;
	v1 =	vsub.f32 $0.0e+00, v1  }
0x21f: {  	v4 =	vmul.f32 $1.442695020e+00, v4;
	v2 =	vsub.f32 $0.0e+00, v2;
	(erf) = vpow2.f32 v6  }
0x220: {  	v1 =	vmul.f32 $1.442695020e+00, v1;
	v0 =	vsub.f32 $0.0e+00, v0;
	(erf) = vpow2.f32 v5  }
0x221: {  	v2 =	vmul.f32 $1.442695020e+00, v2;
	v3 =	vsub.f32 $0.0e+00, v3;
	(erf) = vpow2.f32 v4  }
0x222: {  	v0 =	vmul.f32 $1.442695020e+00, v0;
	v4 =	vsub.f32 $0.0e+00, v7;
	(erf) = vpow2.f32 v1  }
0x223: {  	v1 =	vmul.f32 $1.442695020e+00, v3;
	(erf) = vpow2.f32 v2  }
0x224: {  	v2 =	vmul.f32 $1.442695020e+00, v4;
	(erf) = vpow2.f32 v0  }
0x225: {  	(erf) = vpow2.f32 v1  }
0x226: {  	(erf) = vpow2.f32 v2;
	_ =	sdelay $0x1  }
0x227: {  	v0 =	vpop (erf)  }
0x228: {  	v3 =	vadd.f32 $1.000000000e+00, v0;
	v1 =	vpop (erf)  }
0x229: {  	v4 =	vadd.f32 $1.000000000e+00, v1;
	v2 =	vpop (erf)  }
0x22a: {  	v5 =	vadd.f32 $1.000000000e+00, v2;
	(erf) = vrcp.f32 v3;
	v0 =	vpop (erf)  }
0x22b: {  	v3 =	vadd.f32 $1.000000000e+00, v0;
	(erf) = vrcp.f32 v4;
	v1 =	vpop (erf)  }
0x22c: {  	v4 =	vadd.f32 $1.000000000e+00, v1;
	(erf) = vrcp.f32 v5;
	v2 =	vpop (erf)  }
0x22d: {  	v2 =	vadd.f32 $1.000000000e+00, v2;
	(erf) = vrcp.f32 v3;
	v0 =	vpop (erf)  }
0x22e: {  	v0 =	vadd.f32 $1.000000000e+00, v0;
	(erf) = vrcp.f32 v4;
	v1 =	vpop (erf)  }
0x22f: {  	v1 =	vadd.f32 $1.000000000e+00, v1;
	(erf) = vrcp.f32 v2  }
0x230: {  	(erf) = vrcp.f32 v0  }
0x231: {  	(erf) = vrcp.f32 v1;
	_ =	sdelay $0x1  }
0x232: {  	v0 =	vpop (erf)  }
0x233: {  	s10 =	sshra.s32 s9, $0x2;
	[tilespmem:s8+$0x16400] =	vst v0;
	v0 =	vpop (erf)  }
0x234: {  	v3 =	vld [tilespmem:s10+$0x16400];
	[tilespmem:s8+$0x16410] =	vst v0;
	v0 =	vpop (erf)  }
0x235: {  	v5 =	vld [tilespmem:s10+$0x16410];
	[tilespmem:s8+$0x16420] =	vst v0;
	v0 =	vpop (erf)  }
.Ltmp6:
0x236: {  	v4 =	vld [tilespmem:s10+$0x16420];
	[tilespmem:s8+$0x16430] =	vst v0;
	v0 =	vpop (erf);
	(pc) =	sbr.rel @p0 .LBB2_14-.Ltmp6, $4  }
0x237: {  	v1 =	vld [tilespmem:s10+$0x16430];
	[tilespmem:s8+$0x16440] =	vst v0;
	v0 =	vpop (erf)  }
0x238: {  	v2 =	vld [tilespmem:s10+$0x16440];
	[tilespmem:s8+$0x16450] =	vst v0;
	v7 =	vpop (erf)  }
0x239: {  	v6 =	vsub.f32 $0.0e+00, v3;
	v0 =	vld [tilespmem:s10+$0x16450];
	[tilespmem:s8+$0x16460] =	vst v7;
	v7 =	vpop (erf)  }
0x23a: {  	s9 =	sadd.s32 $0x200, s9;
	v5 =	vsub.f32 $0.0e+00, v5;
	v3 =	vld [tilespmem:s10+$0x16460];
	[tilespmem:s8+$0x16470] =	vst v7;
	s8 =	smov.u32 s10  }
0x23b: {  	v6 =	vmul.f32 $1.442695020e+00, v6  }
0x23c: {  	v5 =	vmul.f32 $1.442695020e+00, v5  }
0x23d: {  	v4 =	vsub.f32 $0.0e+00, v4;
	(erf) = vpow2.f32 v6  }
0x23e: {  	v1 =	vsub.f32 $0.0e+00, v1;
	(erf) = vpow2.f32 v5  }
0x23f: {  	v7 =	vld [tilespmem:s8+$0x16470];
	v4 =	vmul.f32 $1.442695020e+00, v4;
	v2 =	vsub.f32 $0.0e+00, v2  }
0x240: {  	v1 =	vmul.f32 $1.442695020e+00, v1;
	v0 =	vsub.f32 $0.0e+00, v0  }
0x241: {  	v2 =	vmul.f32 $1.442695020e+00, v2;
	v3 =	vsub.f32 $0.0e+00, v3;
	(erf) = vpow2.f32 v4  }
0x242: {  	v0 =	vmul.f32 $1.442695020e+00, v0;
	(erf) = vpow2.f32 v1  }
0x243: {  	v1 =	vmul.f32 $1.442695020e+00, v3;
	(erf) = vpow2.f32 v2  }
0x244: {  	v4 =	vsub.f32 $0.0e+00, v7;
	_ =	sdelay $0x1  }
0x245: {  	v2 =	vmul.f32 $1.442695020e+00, v4;
	(erf) = vpow2.f32 v0;
	v0 =	vpop (erf)  }
0x246: {  	(erf) = vpow2.f32 v1;
	v0 =	vadd.f32 $1.000000000e+00, v0;
	v1 =	vpop (erf)  }
0x247: {  	(erf) = vpow2.f32 v2;
	v1 =	vadd.f32 $1.000000000e+00, v1;
	_ =	sdelay $0x1  }
0x248: {  	v2 =	vpop (erf)  }
0x249: {  	v2 =	vadd.f32 $1.000000000e+00, v2;
	(erf) = vrcp.f32 v0;
	v0 =	vpop (erf)  }
0x24a: {  	(erf) = vrcp.f32 v1;
	v0 =	vadd.f32 $1.000000000e+00, v0;
	v1 =	vpop (erf)  }
0x24b: {  	v1 =	vadd.f32 $1.000000000e+00, v1;
	_ =	sdelay $0x1  }
0x24c: {  	(erf) = vrcp.f32 v2;
	v2 =	vpop (erf)  }
0x24d: {  	v2 =	vadd.f32 $1.000000000e+00, v2;
	(erf) = vrcp.f32 v0;
	v0 =	vpop (erf)  }
0x24e: {  	(erf) = vrcp.f32 v1;
	v0 =	vadd.f32 $1.000000000e+00, v0;
	v1 =	vpop (erf)  }
0x24f: {  	(erf) = vrcp.f32 v2;
	v1 =	vadd.f32 $1.000000000e+00, v1  }
0x250: {  	(erf) = vrcp.f32 v0  }
0x251: {  	(erf) = vrcp.f32 v1;
	_ =	sdelay $0x1  }
0x252: {  	v0 =	vpop (erf)  }
0x253: {  	[tilespmem:s8+$0x16400] =	vst v0;
	v0 =	vpop (erf)  }
0x254: {  	[tilespmem:s8+$0x16410] =	vst v0;
	v0 =	vpop (erf)  }
0x255: {  	[tilespmem:s8+$0x16420] =	vst v0;
	v0 =	vpop (erf)  }
0x256: {  	[tilespmem:s8+$0x16430] =	vst v0;
	v0 =	vpop (erf)  }
0x257: {  	[tilespmem:s8+$0x16440] =	vst v0;
	v0 =	vpop (erf)  }
0x258: {  	[tilespmem:s8+$0x16450] =	vst v0;
	v0 =	vpop (erf)  }
0x259: {  	[tilespmem:s8+$0x16460] =	vst v0;
	v0 =	vpop (erf)  }
0x25a: {  	s10 =	simm.s32 $0x0;
	[tilespmem:s8+$0x16470] =	vst v0  }
0x25b: {  	[hbm4b:s20+s10] =	stream.linear.scatter [tilespmem:s30], [sflag:$0x6], $0x3200, $0x38;
	[tilespmem:$0x1C800] =	vst v63  }
0x25c: {  	_ =	swait.ge [sflag:s4], $0x3200  }
0x25d: {  	[sflag:s4] =	ssyncset.done $0x0  }
0x25e: {  	s8 =	simm.s32 $0x0;
	[sflag:s4] =	ssyncadd.s32 $0xFFFFCE00  }
0x25f: {  	v3 =	vld [tilespmem:s8+$0x19600]  }
0x260: {  	v5 =	vld [tilespmem:s8+$0x19610]  }
0x261: {  	v4 =	vld [tilespmem:s8+$0x19620]  }
0x262: {  	v1 =	vld [tilespmem:s8+$0x19630]  }
0x263: {  	v2 =	vld [tilespmem:s8+$0x19640]  }
0x264: {  	v0 =	vld [tilespmem:s8+$0x19650];
	v6 =	vsub.f32 $0.0e+00, v3  }
0x265: {  	s9 =	simm.s32 $0x200;
	v5 =	vsub.f32 $0.0e+00, v5;
	v3 =	vld [tilespmem:s8+$0x19660]  }
.LBB2_16:
0x266: {  	p0 =	sne.s32 s9, $0xC600;
	v6 =	vmul.f32 $1.442695020e+00, v6;
	v4 =	vsub.f32 $0.0e+00, v4;
	v7 =	vld [tilespmem:s8+$0x19670]  }
0x267: {  	v5 =	vmul.f32 $1.442695020e+00, v5;
	v1 =	vsub.f32 $0.0e+00, v1  }
0x268: {  	v4 =	vmul.f32 $1.442695020e+00, v4;
	v2 =	vsub.f32 $0.0e+00, v2;
	(erf) = vpow2.f32 v6  }
0x269: {  	v1 =	vmul.f32 $1.442695020e+00, v1;
	v0 =	vsub.f32 $0.0e+00, v0;
	(erf) = vpow2.f32 v5  }
0x26a: {  	v2 =	vmul.f32 $1.442695020e+00, v2;
	v3 =	vsub.f32 $0.0e+00, v3;
	(erf) = vpow2.f32 v4  }
0x26b: {  	v0 =	vmul.f32 $1.442695020e+00, v0;
	v4 =	vsub.f32 $0.0e+00, v7;
	(erf) = vpow2.f32 v1  }
0x26c: {  	v1 =	vmul.f32 $1.442695020e+00, v3;
	(erf) = vpow2.f32 v2  }
0x26d: {  	v2 =	vmul.f32 $1.442695020e+00, v4;
	(erf) = vpow2.f32 v0  }
0x26e: {  	(erf) = vpow2.f32 v1  }
0x26f: {  	(erf) = vpow2.f32 v2;
	_ =	sdelay $0x1  }
0x270: {  	v0 =	vpop (erf)  }
0x271: {  	v3 =	vadd.f32 $1.000000000e+00, v0;
	v1 =	vpop (erf)  }
0x272: {  	v4 =	vadd.f32 $1.000000000e+00, v1;
	v2 =	vpop (erf)  }
0x273: {  	v5 =	vadd.f32 $1.000000000e+00, v2;
	(erf) = vrcp.f32 v3;
	v0 =	vpop (erf)  }
0x274: {  	v3 =	vadd.f32 $1.000000000e+00, v0;
	(erf) = vrcp.f32 v4;
	v1 =	vpop (erf)  }
0x275: {  	v4 =	vadd.f32 $1.000000000e+00, v1;
	(erf) = vrcp.f32 v5;
	v2 =	vpop (erf)  }
0x276: {  	v2 =	vadd.f32 $1.000000000e+00, v2;
	(erf) = vrcp.f32 v3;
	v0 =	vpop (erf)  }
0x277: {  	v0 =	vadd.f32 $1.000000000e+00, v0;
	(erf) = vrcp.f32 v4;
	v1 =	vpop (erf)  }
0x278: {  	v1 =	vadd.f32 $1.000000000e+00, v1;
	(erf) = vrcp.f32 v2  }
0x279: {  	(erf) = vrcp.f32 v0  }
0x27a: {  	(erf) = vrcp.f32 v1;
	_ =	sdelay $0x1  }
0x27b: {  	v0 =	vpop (erf)  }
0x27c: {  	s10 =	sshra.s32 s9, $0x2;
	[tilespmem:s8+$0x19600] =	vst v0;
	v0 =	vpop (erf)  }
0x27d: {  	v3 =	vld [tilespmem:s10+$0x19600];
	[tilespmem:s8+$0x19610] =	vst v0;
	v0 =	vpop (erf)  }
0x27e: {  	v5 =	vld [tilespmem:s10+$0x19610];
	[tilespmem:s8+$0x19620] =	vst v0;
	v0 =	vpop (erf)  }
.Ltmp7:
0x27f: {  	v4 =	vld [tilespmem:s10+$0x19620];
	[tilespmem:s8+$0x19630] =	vst v0;
	v0 =	vpop (erf);
	(pc) =	sbr.rel @p0 .LBB2_16-.Ltmp7, $4  }
0x280: {  	v1 =	vld [tilespmem:s10+$0x19630];
	[tilespmem:s8+$0x19640] =	vst v0;
	v0 =	vpop (erf)  }
0x281: {  	v2 =	vld [tilespmem:s10+$0x19640];
	[tilespmem:s8+$0x19650] =	vst v0;
	v7 =	vpop (erf)  }
0x282: {  	v6 =	vsub.f32 $0.0e+00, v3;
	v0 =	vld [tilespmem:s10+$0x19650];
	[tilespmem:s8+$0x19660] =	vst v7;
	v7 =	vpop (erf)  }
0x283: {  	s9 =	sadd.s32 $0x200, s9;
	v5 =	vsub.f32 $0.0e+00, v5;
	v3 =	vld [tilespmem:s10+$0x19660];
	[tilespmem:s8+$0x19670] =	vst v7;
	s8 =	smov.u32 s10  }
0x284: {  	v6 =	vmul.f32 $1.442695020e+00, v6;
	v4 =	vsub.f32 $0.0e+00, v4;
	v7 =	vld [tilespmem:s8+$0x19670]  }
0x285: {  	v5 =	vmul.f32 $1.442695020e+00, v5;
	v1 =	vsub.f32 $0.0e+00, v1  }
0x286: {  	v4 =	vmul.f32 $1.442695020e+00, v4;
	v2 =	vsub.f32 $0.0e+00, v2;
	(erf) = vpow2.f32 v6  }
0x287: {  	v1 =	vmul.f32 $1.442695020e+00, v1;
	v0 =	vsub.f32 $0.0e+00, v0;
	(erf) = vpow2.f32 v5  }
0x288: {  	v2 =	vmul.f32 $1.442695020e+00, v2;
	v3 =	vsub.f32 $0.0e+00, v3;
	(erf) = vpow2.f32 v4  }
0x289: {  	v0 =	vmul.f32 $1.442695020e+00, v0;
	v45 =	vsub.f32 $0.0e+00, v7;
	(erf) = vpow2.f32 v1  }
0x28a: {  	v46 =	vmul.f32 $1.442695020e+00, v3;
	(erf) = vpow2.f32 v2  }
0x28b: {  	v47 =	vmul.f32 $1.442695020e+00, v45;
	(erf) = vpow2.f32 v0  }
0x28c: {  	(erf) = vpow2.f32 v46  }
0x28d: {  	(erf) = vpow2.f32 v47;
	_ =	sdelay $0x1  }
0x28e: {  	v48 =	vpop (erf)  }
0x28f: {  	v0 =	vadd.f32 $1.000000000e+00, v48;
	v49 =	vpop (erf)  }
0x290: {  	v1 =	vadd.f32 $1.000000000e+00, v49;
	v50 =	vpop (erf)  }
0x291: {  	v2 =	vadd.f32 $1.000000000e+00, v50;
	(erf) = vrcp.f32 v0;
	v51 =	vpop (erf)  }
0x292: {  	v0 =	vadd.f32 $1.000000000e+00, v51;
	(erf) = vrcp.f32 v1;
	v52 =	vpop (erf)  }
0x293: {  	v1 =	vadd.f32 $1.000000000e+00, v52;
	(erf) = vrcp.f32 v2;
	v53 =	vpop (erf)  }
0x294: {  	v2 =	vadd.f32 $1.000000000e+00, v53;
	(erf) = vrcp.f32 v0;
	v54 =	vpop (erf)  }
0x295: {  	v0 =	vadd.f32 $1.000000000e+00, v54;
	(erf) = vrcp.f32 v1;
	v55 =	vpop (erf)  }
0x296: {  	v1 =	vadd.f32 $1.000000000e+00, v55;
	(erf) = vrcp.f32 v2  }
0x297: {  	(erf) = vrcp.f32 v0  }
0x298: {  	(erf) = vrcp.f32 v1;
	_ =	sdelay $0x1  }
0x299: {  	v56 =	vpop (erf)  }
0x29a: {  	[tilespmem:s8+$0x19600] =	vst v56;
	v57 =	vpop (erf)  }
0x29b: {  	[tilespmem:s8+$0x19610] =	vst v57;
	v58 =	vpop (erf)  }
0x29c: {  	[tilespmem:s8+$0x19620] =	vst v58;
	v59 =	vpop (erf)  }
0x29d: {  	[tilespmem:s8+$0x19630] =	vst v59;
	v60 =	vpop (erf)  }
0x29e: {  	[tilespmem:s8+$0x19640] =	vst v60;
	v61 =	vpop (erf)  }
0x29f: {  	[tilespmem:s8+$0x19650] =	vst v61;
	v62 =	vpop (erf)  }
0x2a0: {  	[tilespmem:s8+$0x19660] =	vst v62;
	v63 =	vpop (erf)  }
0x2a1: {  	s7 =	sadd.s32 $0x1, s7;
	[tilespmem:s8+$0x19670] =	vst v63  }
0x2a2: {  	[hbm4b:s21+s3] =	stream.linear.scatter [tilespmem:s2], [sflag:$0x7], $0x3200, $0x38;
	[tilespmem:$0x1C800] =	vst v63  }
0x2a3: {  	p0 =	sne.s32 s7, s22;
	_ =	swait.ge [sflag:s5], $0x3200  }
.Ltmp8:
0x2a4: {  	[sflag:s5] =	ssyncset.done $0x0;
	(pc) =	sbr.rel @p0 .LBB2_1-.Ltmp8, $4  }
0x2a5: {  	[sflag:s5] =	ssyncadd.s32 $0xFFFFCE00  }
0x2a6: {  	_ =	swait.ge [sflag:s6], $0x3200  }
0x2a7: {  	[sflag:s6] =	ssyncset.done $0x0  }
0x2a8: {  	[sflag:s6] =	ssyncadd.s32 $0xFFFFCE00  }
0x2a9: {  	_ =	sfence.sel $0x180000  }
0x2aa: {  	[bflag:$0x0] =	sbarrier.arrive $0xFFFF  }
0x2ab: {  	_ =	strace $0x90000047  }
0x2ac: {  	s0 =	stileid.u32;
	[bflag:$0x2] =	sbarrier.arrive $0xFFFF  }
0x2ad: {  	p0 =	sne.s32 s0, $0x0;
	s0 =	rddreg [dreg:$0x3]  }
0x2ae: {  	s0 =	sadd.s32 @!p0 $0x100000, s0  }
0x2af: {  	[sflag:s0] =	ssyncadd.tile.s32 @!p0 $0x1;
	_ =	shalt  }
.Lfunc_end2:
_tile_overlayer_lowered:
.L_overlay_start_2:
0x2b0: {  	(tag) =	ssettag $0x2  }
0x2b1: {  	s0 =	rddreg [dreg:$0x0];
	s2 =	stileid.u32  }
0x2b2: {  	s1 =	rddreg [dreg:$0x1];
	p0 =	sne.s32 s2, $0x0  }
0x2b3: {  	s3 =	rddreg [dreg:$0x2];
	[bflag:$0x3] =	sbarrier.arrive $0xFFFF;
	s2 =	simm.s32 @!p0 $0x1C08  }
0x2b4: {  	[timem:s3], [sflag:s2] =	dma.local @!p0 [hbm:s0], s1  }
0x2b5: {  	s0 =	simm.s32 @!p0 $0x8  }
0x2b6: {  	_ =	swait.ge @!p0 [sflag:s0], s1  }
0x2b7: {  	s1 =	ssub.s32 @!p0 $0x0, s1;
	[sflag:s0] =	ssyncset.done @!p0 $0x0  }
0x2b8: {  	[sflag:s0] =	ssyncadd.s32 @!p0 s1  }
0x2b9: {  	[bflag:$0x3] =	sbarrier.arrive $0xFFFF  }
0x2ba: {  	_ =	shalt  }

</sc_bundles>
